<compile_context>
chip_gen: v7x
topology: tpu7x:2x2x1
jax: 0.10.2.dev20260603
libtpu: 0.0.44.dev20260713+nightly
codegen_flags: <defaults>
</compile_context>

<pallas_src>
import functools

import jax
import jax.numpy as jnp
from jax import lax
from jax.experimental import pallas as pl
from jax.experimental.pallas import tpu as pltpu
from jax.experimental.pallas import tpu_sc as plsc

B = 16384
D_OUT = 151
NC, NS, NL = 2, 16, 16
NW = NC * NS
B_PER_W = B // NW
BATCH = 128
N_BATCH = B_PER_W // BATCH
ROW_OFF = (0, 128, 384)


def _body(cat_hbm, tab_hbm, wd_hbm, out_hbm,
          idxa_v, idxb_v, dir_v, tab_v, acc0_v, acc1_v,
          sema, semb, sem0, sem1):
    wid = lax.axis_index("s") * NC + lax.axis_index("c")
    base = wid * B_PER_W

    idxs = (idxa_v, idxb_v)
    isems = (sema, semb)
    icps = [None, None]
    icps[0] = pltpu.async_copy(cat_hbm.at[pl.ds(base, BATCH)], idxa_v, sema)
    pltpu.sync_copy(wd_hbm, dir_v)
    pltpu.sync_copy(tab_hbm, tab_v)

    iota = lax.iota(jnp.int32, NL)
    zero = jnp.zeros((NL,), jnp.int32)
    kcol = [zero, zero + 1, zero + 2, zero + 3]
    cols = [iota, iota + 16, iota + 32]
    dcols = [[iota + (k * 50 + c * 16) for c in range(3)] for k in range(3)]

    def repack_batch(idx_v, acc_v):
        @plsc.parallel_loop(0, BATCH, unroll=2)
        def _rows(b):
            bv = jnp.full((NL,), b, jnp.int32)
            for k in range(3):
                tk = plsc.load_gather(idx_v, [bv, kcol[k]])
                tq = tk * 50 + (ROW_OFF[k] * 50)
                for c in range(3):
                    v = plsc.load_gather(tab_v, [tq + cols[c]])
                    plsc.store_scatter(acc_v, [bv, dcols[k][c]], v)

        @plsc.parallel_loop(0, BATCH // NL, unroll=2)
        def _tails(j):
            rl = j * NL + iota
            for k in range(3):
                tkv = plsc.load_gather(idx_v, [rl, kcol[k]])
                tkq = tkv * 50 + (ROW_OFF[k] * 50)
                for c in (48, 49):
                    v = plsc.load_gather(tab_v, [tkq + c])
                    plsc.store_scatter(
                        acc_v, [rl, jnp.full((NL,), k * 50 + c, jnp.int32)], v)
            dv = plsc.load_gather(idx_v, [rl, kcol[3]])
            dvals = plsc.load_gather(dir_v, [dv, zero])
            plsc.store_scatter(
                acc_v, [rl, jnp.full((NL,), 150, jnp.int32)], dvals)

    icps[1] = pltpu.async_copy(
        cat_hbm.at[pl.ds(base + BATCH, BATCH)], idxb_v, semb)

    def wait_idx(buf, sem):
        pltpu.make_async_copy(
            cat_hbm.at[pl.ds(0, BATCH)], buf, sem).wait()

    def wait_out(buf, sem):
        pltpu.make_async_copy(
            buf, out_hbm.at[pl.ds(0, BATCH)], sem).wait()

    def pair(u, _):
        off0 = base + u * (2 * BATCH)
        for half, (ibuf, isem, abuf, osem) in enumerate(
                ((idxa_v, sema, acc0_v, sem0), (idxb_v, semb, acc1_v, sem1))):
            wait_idx(ibuf, isem)

            @pl.when(u > 0)
            def _():
                wait_out(abuf, osem)

            repack_batch(ibuf, abuf)
            pref = jnp.minimum(off0 + (2 + half) * BATCH, B - BATCH)
            pltpu.async_copy(cat_hbm.at[pl.ds(pref, BATCH)], ibuf, isem)
            pltpu.async_copy(
                abuf, out_hbm.at[pl.ds(off0 + half * BATCH, BATCH)], osem)
        return 0

    lax.fori_loop(0, N_BATCH // 2, pair, 0)
    wait_out(acc0_v, sem0)
    wait_out(acc1_v, sem1)
    wait_idx(idxa_v, sema)
    wait_idx(idxb_v, semb)


@jax.jit
def _run(cat_tensor, tab_flat, wd):
    mesh = plsc.VectorSubcoreMesh(core_axis_name="c", subcore_axis_name="s")
    return pl.kernel(
        _body,
        out_type=jax.ShapeDtypeStruct((B, D_OUT), jnp.float32),
        mesh=mesh,
        scratch_types=[
            pltpu.VMEM((BATCH, 4), jnp.int32),
            pltpu.VMEM((BATCH, 4), jnp.int32),
            pltpu.VMEM((2, 1), jnp.float32),
            pltpu.VMEM((512 * 50,), jnp.float32),
            pltpu.VMEM((BATCH, D_OUT), jnp.float32),
            pltpu.VMEM((BATCH, D_OUT), jnp.float32),
            pltpu.SemaphoreType.DMA,
            pltpu.SemaphoreType.DMA,
            pltpu.SemaphoreType.DMA,
            pltpu.SemaphoreType.DMA,
        ],
        compiler_params=pltpu.CompilerParams(
            use_tc_tiling_on_sc=True, needs_layout_passes=False),
    )(cat_tensor, tab_flat, wd)


def kernel(cat_tensor, W_bus_id, W_station_id, W_time_period, W_direction):
    tab_flat = jnp.concatenate(
        [W_bus_id.reshape(-1), W_station_id.reshape(-1),
         W_time_period.reshape(-1)])
    return _run(cat_tensor, tab_flat, W_direction)

# --- scband reference (transcript-rebuilt; emitter-appended) ---
"""Pipeline reference for scband-embedding-layer-43009802502211 (READ-ONLY COPY).

The authoritative reference and input builder live on the scoring server;
editing this copy changes nothing except your own understanding.
"""

import jax, jax.numpy as jnp
import numpy as np

B = 16384
COLS = ["bus_id", "station_id", "time_period", "direction"]
VOCABS = {"bus_id": 128, "station_id": 256, "time_period": 128, "direction": 2}
# embedding_dim = min(50, vocab // 2) per the original module
DIMS = {c: min(50, VOCABS[c] // 2) for c in COLS}


def setup_inputs(seed: int = 0) -> dict:
    key = jax.random.key(seed)
    cols = []
    for i, c in enumerate(COLS):
        cols.append(jax.random.randint(jax.random.fold_in(key, i), (B,), 0, VOCABS[c]))
    cat_tensor = jnp.stack(cols, axis=1)
    inp = {"cat_tensor": cat_tensor}
    for i, c in enumerate(COLS):
        inp["W_" + c] = jax.random.normal(jax.random.fold_in(key, 100 + i), (VOCABS[c], DIMS[c]), dtype=jnp.float32) * 0.02
    return inp


def reference(cat_tensor, W_bus_id, W_station_id, W_time_period, W_direction):
    tables = [W_bus_id, W_station_id, W_time_period, W_direction]
    outs = []
    for i, t in enumerate(tables):
        outs.append(jnp.take(t, cat_tensor[:, i], axis=0))
    return jnp.concatenate(outs, axis=1)

if __name__ == "__main__":
    import jax
    _d = setup_inputs()
    print(jax.jit(kernel)(*tuple(_d.values())))

</pallas_src>

<mosaic_0001>
#map = affine_map<(d0, d1) -> (0, 0)>
#map1 = affine_map<(d0, d1) -> (0)>
module attributes {stable_mosaic.version = 14 : i64} {
  func.func @_body(%arg0: i32, %arg1: i32, %arg2: memref<16384x4xi32, #tpu.memory_space<hbm>>, %arg3: memref<25600xf32, #tpu.memory_space<hbm>>, %arg4: memref<2x1xf32, #tpu.memory_space<hbm>>, %arg5: memref<16384x151xf32, #tpu.memory_space<hbm>>, %arg6: memref<128x4xi32, #tpu.memory_space<vmem>>, %arg7: memref<128x4xi32, #tpu.memory_space<vmem>>, %arg8: memref<2x1xf32, #tpu.memory_space<vmem>>, %arg9: memref<25600xf32, #tpu.memory_space<vmem>>, %arg10: memref<128x151xf32, #tpu.memory_space<vmem>>, %arg11: memref<128x151xf32, #tpu.memory_space<vmem>>, %arg12: memref<!tpu.dma_semaphore, #tpu.memory_space<semaphore_mem>>, %arg13: memref<!tpu.dma_semaphore, #tpu.memory_space<semaphore_mem>>, %arg14: memref<!tpu.dma_semaphore, #tpu.memory_space<semaphore_mem>>, %arg15: memref<!tpu.dma_semaphore, #tpu.memory_space<semaphore_mem>>) attributes {dimension_semantics = [#tpu.dimension_semantics<core_parallel>, #tpu.dimension_semantics<subcore_parallel>], iteration_bounds = array<i64: 2, 16>, scalar_prefetch = 0 : i64, scratch_operands = 10 : i64, tpu.core_type = #tpu.core_type<sc_vector_subcore>, window_params = [{transform_indices = #map}, {transform_indices = #map1}, {transform_indices = #map}, {transform_indices = #map}]} {
    %mul3A = arith.constant 2 : i32
    %mul3A_0 = arith.muli %arg1, %mul3A : i32
    %add3A = arith.addi %mul3A_0, %arg0 : i32
    %mul3A_1 = arith.constant 512 : i32
    %mul3A_2 = arith.muli %add3A, %mul3A_1 : i32
    %dma_start3A = arith.constant 0 : i32
    %dma_start3A_3 = tpu.memref_slice %arg2[%mul3A_2, %dma_start3A] : memref<16384x4xi32, #tpu.memory_space<hbm>> -> memref<128x4xi32, #tpu.memory_space<hbm>>
    %dma_start3A_4 = arith.constant 0 : i32
    %dma_start3A_5 = tpu.memref_slice %arg2[%mul3A_2, %dma_start3A_4] : memref<16384x4xi32, #tpu.memory_space<hbm>> -> memref<128x4xi32, #tpu.memory_space<hbm>>
    tpu.enqueue_dma source(%dma_start3A_5 : memref<128x4xi32, #tpu.memory_space<hbm>>) target(%arg6 : memref<128x4xi32, #tpu.memory_space<vmem>>) target_semaphore(%arg12 : memref<!tpu.dma_semaphore, #tpu.memory_space<semaphore_mem>>)
    "tpu.region"() ({
      %run_scoped3A = tpu.sem_alloc : memref<!tpu.dma_semaphore, #tpu.memory_space<semaphore_mem>>
      tpu.enqueue_dma source(%arg4 : memref<2x1xf32, #tpu.memory_space<hbm>>) target(%arg8 : memref<2x1xf32, #tpu.memory_space<vmem>>) target_semaphore(%run_scoped3A : memref<!tpu.dma_semaphore, #tpu.memory_space<semaphore_mem>>)
      tpu.wait_dma2 semaphore(%run_scoped3A : memref<!tpu.dma_semaphore, #tpu.memory_space<semaphore_mem>>) src(%arg4 : memref<2x1xf32, #tpu.memory_space<hbm>>) dst(%arg8 : memref<2x1xf32, #tpu.memory_space<vmem>>)
      tpu.yield
    }) : () -> ()
    "tpu.region"() ({
      %run_scoped3A = tpu.sem_alloc : memref<!tpu.dma_semaphore, #tpu.memory_space<semaphore_mem>>
      tpu.enqueue_dma source(%arg3 : memref<25600xf32, #tpu.memory_space<hbm>>) target(%arg9 : memref<25600xf32, #tpu.memory_space<vmem>>) target_semaphore(%run_scoped3A : memref<!tpu.dma_semaphore, #tpu.memory_space<semaphore_mem>>)
      tpu.wait_dma2 semaphore(%run_scoped3A : memref<!tpu.dma_semaphore, #tpu.memory_space<semaphore_mem>>) src(%arg3 : memref<25600xf32, #tpu.memory_space<hbm>>) dst(%arg9 : memref<25600xf32, #tpu.memory_space<vmem>>)
      tpu.yield
    }) : () -> ()
    %iota3A = tpu.iota {dimensions = array<i32: 0>} : vector<16xi32>
    %broadcast_in_dim3A = arith.constant 0 : i32
    %broadcast_in_dim3A_6 = vector.broadcast %broadcast_in_dim3A : i32 to vector<16xi32>
    %add3A_7 = arith.constant 1 : i32
    %add3A_8 = vector.broadcast %add3A_7 : i32 to vector<16xi32>
    %add3A_9 = arith.addi %broadcast_in_dim3A_6, %add3A_8 : vector<16xi32>
    %add3A_10 = arith.constant 2 : i32
    %add3A_11 = vector.broadcast %add3A_10 : i32 to vector<16xi32>
    %add3A_12 = arith.addi %broadcast_in_dim3A_6, %add3A_11 : vector<16xi32>
    %add3A_13 = arith.constant 3 : i32
    %add3A_14 = vector.broadcast %add3A_13 : i32 to vector<16xi32>
    %add3A_15 = arith.addi %broadcast_in_dim3A_6, %add3A_14 : vector<16xi32>
    %add3A_16 = arith.constant 16 : i32
    %add3A_17 = vector.broadcast %add3A_16 : i32 to vector<16xi32>
    %add3A_18 = arith.addi %iota3A, %add3A_17 : vector<16xi32>
    %add3A_19 = arith.constant 32 : i32
    %add3A_20 = vector.broadcast %add3A_19 : i32 to vector<16xi32>
    %add3A_21 = arith.addi %iota3A, %add3A_20 : vector<16xi32>
    %add3A_22 = arith.constant 0 : i32
    %add3A_23 = vector.broadcast %add3A_22 : i32 to vector<16xi32>
    %add3A_24 = arith.addi %iota3A, %add3A_23 : vector<16xi32>
    %add3A_25 = arith.constant 16 : i32
    %add3A_26 = vector.broadcast %add3A_25 : i32 to vector<16xi32>
    %add3A_27 = arith.addi %iota3A, %add3A_26 : vector<16xi32>
    %add3A_28 = arith.constant 32 : i32
    %add3A_29 = vector.broadcast %add3A_28 : i32 to vector<16xi32>
    %add3A_30 = arith.addi %iota3A, %add3A_29 : vector<16xi32>
    %add3A_31 = arith.constant 50 : i32
    %add3A_32 = vector.broadcast %add3A_31 : i32 to vector<16xi32>
    %add3A_33 = arith.addi %iota3A, %add3A_32 : vector<16xi32>
    %add3A_34 = arith.constant 66 : i32
    %add3A_35 = vector.broadcast %add3A_34 : i32 to vector<16xi32>
    %add3A_36 = arith.addi %iota3A, %add3A_35 : vector<16xi32>
    %add3A_37 = arith.constant 82 : i32
    %add3A_38 = vector.broadcast %add3A_37 : i32 to vector<16xi32>
    %add3A_39 = arith.addi %iota3A, %add3A_38 : vector<16xi32>
    %add3A_40 = arith.constant 100 : i32
    %add3A_41 = vector.broadcast %add3A_40 : i32 to vector<16xi32>
    %add3A_42 = arith.addi %iota3A, %add3A_41 : vector<16xi32>
    %add3A_43 = arith.constant 116 : i32
    %add3A_44 = vector.broadcast %add3A_43 : i32 to vector<16xi32>
    %add3A_45 = arith.addi %iota3A, %add3A_44 : vector<16xi32>
    %add3A_46 = arith.constant 132 : i32
    %add3A_47 = vector.broadcast %add3A_46 : i32 to vector<16xi32>
    %add3A_48 = arith.addi %iota3A, %add3A_47 : vector<16xi32>
    %add3A_49 = arith.constant 128 : i32
    %add3A_50 = arith.addi %mul3A_2, %add3A_49 : i32
    %dma_start3A_51 = arith.constant 0 : i32
    %dma_start3A_52 = tpu.memref_slice %arg2[%add3A_50, %dma_start3A_51] : memref<16384x4xi32, #tpu.memory_space<hbm>> -> memref<128x4xi32, #tpu.memory_space<hbm>>
    %dma_start3A_53 = arith.constant 0 : i32
    %dma_start3A_54 = tpu.memref_slice %arg2[%add3A_50, %dma_start3A_53] : memref<16384x4xi32, #tpu.memory_space<hbm>> -> memref<128x4xi32, #tpu.memory_space<hbm>>
    tpu.enqueue_dma source(%dma_start3A_54 : memref<128x4xi32, #tpu.memory_space<hbm>>) target(%arg7 : memref<128x4xi32, #tpu.memory_space<vmem>>) target_semaphore(%arg13 : memref<!tpu.dma_semaphore, #tpu.memory_space<semaphore_mem>>)
    %scan3A = arith.constant 0 : i32
    %scan3A_55 = arith.constant 0 : i32
    %scan3A_56 = arith.constant 2 : i32
    %scan3A_57 = arith.addi %scan3A_55, %scan3A_56 : i32
    %scan3A_58 = arith.constant 1 : i32
    %scan3A_59 = scf.for %scan3A_84 = %scan3A_55 to %scan3A_57 step %scan3A_58 iter_args(%scan3A_85 = %scan3A) -> (i32)  : i32 {
      %mul3A_86 = arith.constant 256 : i32
      %mul3A_87 = arith.muli %scan3A_84, %mul3A_86 : i32
      %add3A_88 = arith.addi %mul3A_2, %mul3A_87 : i32
      %dma_wait3A_89 = arith.constant 0 : i32
      %dma_wait3A_90 = arith.constant 0 : i32
      %dma_wait3A_91 = tpu.memref_slice %arg2[%dma_wait3A_89, %dma_wait3A_90] : memref<16384x4xi32, #tpu.memory_space<hbm>> -> memref<128x4xi32, #tpu.memory_space<hbm>>
      %dma_wait3A_92 = arith.constant 0 : i32
      %dma_wait3A_93 = arith.constant 0 : i32
      %dma_wait3A_94 = tpu.memref_slice %arg2[%dma_wait3A_92, %dma_wait3A_93] : memref<16384x4xi32, #tpu.memory_space<hbm>> -> memref<128x4xi32, #tpu.memory_space<hbm>>
      tpu.wait_dma2 semaphore(%arg12 : memref<!tpu.dma_semaphore, #tpu.memory_space<semaphore_mem>>) src(%dma_wait3A_94 : memref<128x4xi32, #tpu.memory_space<hbm>>) dst(%arg6 : memref<128x4xi32, #tpu.memory_space<vmem>>)
      %gt3A = arith.constant 0 : i32
      %gt3A_95 = arith.cmpi sgt, %scan3A_84, %gt3A : i32
      %convert_element_type3A = arith.extui %gt3A_95 : i1 to i32
      %cond3A = arith.constant 0 : i32
      %cond3A_96 = arith.cmpi ne, %convert_element_type3A, %cond3A : i32
      scf.if %cond3A_96 {
        %dma_wait3A_147 = arith.constant 0 : i32
        %dma_wait3A_148 = arith.constant 0 : i32
        %dma_wait3A_149 = tpu.memref_slice %arg5[%dma_wait3A_147, %dma_wait3A_148] : memref<16384x151xf32, #tpu.memory_space<hbm>> -> memref<128x151xf32, #tpu.memory_space<hbm>>
        %dma_wait3A_150 = arith.constant 0 : i32
        %dma_wait3A_151 = arith.constant 0 : i32
        %dma_wait3A_152 = tpu.memref_slice %arg5[%dma_wait3A_150, %dma_wait3A_151] : memref<16384x151xf32, #tpu.memory_space<hbm>> -> memref<128x151xf32, #tpu.memory_space<hbm>>
        tpu.wait_dma2 semaphore(%arg14 : memref<!tpu.dma_semaphore, #tpu.memory_space<semaphore_mem>>) src(%arg10 : memref<128x151xf32, #tpu.memory_space<vmem>>) dst(%dma_wait3A_152 : memref<128x151xf32, #tpu.memory_space<hbm>>)
      } else {
      }
      %parallel_loop3A = arith.constant 0 : i32
      %parallel_loop3A_97 = arith.constant 128 : i32
      %parallel_loop3A_98 = arith.constant 1 : i32
      scf.for %parallel_loop3A_147 = %parallel_loop3A to %parallel_loop3A_97 step %parallel_loop3A_98  : i32 {
        %parallel_loop3A_148 = vector.broadcast %parallel_loop3A_147 : i32 to vector<16xi32>
        %parallel_loop3A_149 = tpu.vector_load_idx %arg6[%parallel_loop3A_148, %broadcast_in_dim3A_6] : memref<128x4xi32, #tpu.memory_space<vmem>>[vector<16xi32>, vector<16xi32>], vector<16xi32>,
        %parallel_loop3A_150 = arith.constant 50 : i32
        %parallel_loop3A_151 = vector.broadcast %parallel_loop3A_150 : i32 to vector<16xi32>
        %parallel_loop3A_152 = arith.muli %parallel_loop3A_149, %parallel_loop3A_151 : vector<16xi32>
        %parallel_loop3A_153 = arith.constant 0 : i32
        %parallel_loop3A_154 = vector.broadcast %parallel_loop3A_153 : i32 to vector<16xi32>
        %parallel_loop3A_155 = arith.addi %parallel_loop3A_152, %parallel_loop3A_154 : vector<16xi32>
        %parallel_loop3A_156 = arith.addi %parallel_loop3A_155, %iota3A : vector<16xi32>
        %parallel_loop3A_157 = tpu.vector_load_idx %arg9[%parallel_loop3A_156] : memref<25600xf32, #tpu.memory_space<vmem>>[vector<16xi32>], vector<16xf32>,
        tpu.vector_store_idx %arg10[%parallel_loop3A_148, %add3A_24], %parallel_loop3A_157 : memref<128x151xf32, #tpu.memory_space<vmem>>[vector<16xi32>, vector<16xi32>], vector<16xf32>,
        %parallel_loop3A_158 = arith.addi %parallel_loop3A_155, %add3A_18 : vector<16xi32>
        %parallel_loop3A_159 = tpu.vector_load_idx %arg9[%parallel_loop3A_158] : memref<25600xf32, #tpu.memory_space<vmem>>[vector<16xi32>], vector<16xf32>,
        tpu.vector_store_idx %arg10[%parallel_loop3A_148, %add3A_27], %parallel_loop3A_159 : memref<128x151xf32, #tpu.memory_space<vmem>>[vector<16xi32>, vector<16xi32>], vector<16xf32>,
        %parallel_loop3A_160 = arith.addi %parallel_loop3A_155, %add3A_21 : vector<16xi32>
        %parallel_loop3A_161 = tpu.vector_load_idx %arg9[%parallel_loop3A_160] : memref<25600xf32, #tpu.memory_space<vmem>>[vector<16xi32>], vector<16xf32>,
        tpu.vector_store_idx %arg10[%parallel_loop3A_148, %add3A_30], %parallel_loop3A_161 : memref<128x151xf32, #tpu.memory_space<vmem>>[vector<16xi32>, vector<16xi32>], vector<16xf32>,
        %parallel_loop3A_162 = tpu.vector_load_idx %arg6[%parallel_loop3A_148, %add3A_9] : memref<128x4xi32, #tpu.memory_space<vmem>>[vector<16xi32>, vector<16xi32>], vector<16xi32>,
        %parallel_loop3A_163 = arith.constant 50 : i32
        %parallel_loop3A_164 = vector.broadcast %parallel_loop3A_163 : i32 to vector<16xi32>
        %parallel_loop3A_165 = arith.muli %parallel_loop3A_162, %parallel_loop3A_164 : vector<16xi32>
        %parallel_loop3A_166 = arith.constant 6400 : i32
        %parallel_loop3A_167 = vector.broadcast %parallel_loop3A_166 : i32 to vector<16xi32>
        %parallel_loop3A_168 = arith.addi %parallel_loop3A_165, %parallel_loop3A_167 : vector<16xi32>
        %parallel_loop3A_169 = arith.addi %parallel_loop3A_168, %iota3A : vector<16xi32>
        %parallel_loop3A_170 = tpu.vector_load_idx %arg9[%parallel_loop3A_169] : memref<25600xf32, #tpu.memory_space<vmem>>[vector<16xi32>], vector<16xf32>,
        tpu.vector_store_idx %arg10[%parallel_loop3A_148, %add3A_33], %parallel_loop3A_170 : memref<128x151xf32, #tpu.memory_space<vmem>>[vector<16xi32>, vector<16xi32>], vector<16xf32>,
        %parallel_loop3A_171 = arith.addi %parallel_loop3A_168, %add3A_18 : vector<16xi32>
        %parallel_loop3A_172 = tpu.vector_load_idx %arg9[%parallel_loop3A_171] : memref<25600xf32, #tpu.memory_space<vmem>>[vector<16xi32>], vector<16xf32>,
        tpu.vector_store_idx %arg10[%parallel_loop3A_148, %add3A_36], %parallel_loop3A_172 : memref<128x151xf32, #tpu.memory_space<vmem>>[vector<16xi32>, vector<16xi32>], vector<16xf32>,
        %parallel_loop3A_173 = arith.addi %parallel_loop3A_168, %add3A_21 : vector<16xi32>
        %parallel_loop3A_174 = tpu.vector_load_idx %arg9[%parallel_loop3A_173] : memref<25600xf32, #tpu.memory_space<vmem>>[vector<16xi32>], vector<16xf32>,
        tpu.vector_store_idx %arg10[%parallel_loop3A_148, %add3A_39], %parallel_loop3A_174 : memref<128x151xf32, #tpu.memory_space<vmem>>[vector<16xi32>, vector<16xi32>], vector<16xf32>,
        %parallel_loop3A_175 = tpu.vector_load_idx %arg6[%parallel_loop3A_148, %add3A_12] : memref<128x4xi32, #tpu.memory_space<vmem>>[vector<16xi32>, vector<16xi32>], vector<16xi32>,
        %parallel_loop3A_176 = arith.constant 50 : i32
        %parallel_loop3A_177 = vector.broadcast %parallel_loop3A_176 : i32 to vector<16xi32>
        %parallel_loop3A_178 = arith.muli %parallel_loop3A_175, %parallel_loop3A_177 : vector<16xi32>
        %parallel_loop3A_179 = arith.constant 19200 : i32
        %parallel_loop3A_180 = vector.broadcast %parallel_loop3A_179 : i32 to vector<16xi32>
        %parallel_loop3A_181 = arith.addi %parallel_loop3A_178, %parallel_loop3A_180 : vector<16xi32>
        %parallel_loop3A_182 = arith.addi %parallel_loop3A_181, %iota3A : vector<16xi32>
        %parallel_loop3A_183 = tpu.vector_load_idx %arg9[%parallel_loop3A_182] : memref<25600xf32, #tpu.memory_space<vmem>>[vector<16xi32>], vector<16xf32>,
        tpu.vector_store_idx %arg10[%parallel_loop3A_148, %add3A_42], %parallel_loop3A_183 : memref<128x151xf32, #tpu.memory_space<vmem>>[vector<16xi32>, vector<16xi32>], vector<16xf32>,
        %parallel_loop3A_184 = arith.addi %parallel_loop3A_181, %add3A_18 : vector<16xi32>
        %parallel_loop3A_185 = tpu.vector_load_idx %arg9[%parallel_loop3A_184] : memref<25600xf32, #tpu.memory_space<vmem>>[vector<16xi32>], vector<16xf32>,
        tpu.vector_store_idx %arg10[%parallel_loop3A_148, %add3A_45], %parallel_loop3A_185 : memref<128x151xf32, #tpu.memory_space<vmem>>[vector<16xi32>, vector<16xi32>], vector<16xf32>,
        %parallel_loop3A_186 = arith.addi %parallel_loop3A_181, %add3A_21 : vector<16xi32>
        %parallel_loop3A_187 = tpu.vector_load_idx %arg9[%parallel_loop3A_186] : memref<25600xf32, #tpu.memory_space<vmem>>[vector<16xi32>], vector<16xf32>,
        tpu.vector_store_idx %arg10[%parallel_loop3A_148, %add3A_48], %parallel_loop3A_187 : memref<128x151xf32, #tpu.memory_space<vmem>>[vector<16xi32>, vector<16xi32>], vector<16xf32>,
      } {sc.loop_unroll_factor = 2 : i64, sc.parallel_access}
      %parallel_loop3A_99 = arith.constant 0 : i32
      %parallel_loop3A_100 = arith.constant 8 : i32
      %parallel_loop3A_101 = arith.constant 1 : i32
      scf.for %parallel_loop3A_147 = %parallel_loop3A_99 to %parallel_loop3A_100 step %parallel_loop3A_101  : i32 {
        %parallel_loop3A_148 = arith.constant 16 : i32
        %parallel_loop3A_149 = arith.muli %parallel_loop3A_147, %parallel_loop3A_148 : i32
        %parallel_loop3A_150 = vector.broadcast %parallel_loop3A_149 : i32 to vector<16xi32>
        %parallel_loop3A_151 = arith.addi %parallel_loop3A_150, %iota3A : vector<16xi32>
        %parallel_loop3A_152 = tpu.vector_load_idx %arg6[%parallel_loop3A_151, %broadcast_in_dim3A_6] : memref<128x4xi32, #tpu.memory_space<vmem>>[vector<16xi32>, vector<16xi32>], vector<16xi32>,
        %parallel_loop3A_153 = arith.constant 50 : i32
        %parallel_loop3A_154 = vector.broadcast %parallel_loop3A_153 : i32 to vector<16xi32>
        %parallel_loop3A_155 = arith.muli %parallel_loop3A_152, %parallel_loop3A_154 : vector<16xi32>
        %parallel_loop3A_156 = arith.constant 0 : i32
        %parallel_loop3A_157 = vector.broadcast %parallel_loop3A_156 : i32 to vector<16xi32>
        %parallel_loop3A_158 = arith.addi %parallel_loop3A_155, %parallel_loop3A_157 : vector<16xi32>
        %parallel_loop3A_159 = arith.constant 48 : i32
        %parallel_loop3A_160 = vector.broadcast %parallel_loop3A_159 : i32 to vector<16xi32>
        %parallel_loop3A_161 = arith.addi %parallel_loop3A_158, %parallel_loop3A_160 : vector<16xi32>
        %parallel_loop3A_162 = tpu.vector_load_idx %arg9[%parallel_loop3A_161] : memref<25600xf32, #tpu.memory_space<vmem>>[vector<16xi32>], vector<16xf32>,
        %parallel_loop3A_163 = arith.constant 48 : i32
        %parallel_loop3A_164 = vector.broadcast %parallel_loop3A_163 : i32 to vector<16xi32>
        tpu.vector_store_idx %arg10[%parallel_loop3A_151, %parallel_loop3A_164], %parallel_loop3A_162 : memref<128x151xf32, #tpu.memory_space<vmem>>[vector<16xi32>, vector<16xi32>], vector<16xf32>,
        %parallel_loop3A_165 = arith.constant 49 : i32
        %parallel_loop3A_166 = vector.broadcast %parallel_loop3A_165 : i32 to vector<16xi32>
        %parallel_loop3A_167 = arith.addi %parallel_loop3A_158, %parallel_loop3A_166 : vector<16xi32>
        %parallel_loop3A_168 = tpu.vector_load_idx %arg9[%parallel_loop3A_167] : memref<25600xf32, #tpu.memory_space<vmem>>[vector<16xi32>], vector<16xf32>,
        %parallel_loop3A_169 = arith.constant 49 : i32
        %parallel_loop3A_170 = vector.broadcast %parallel_loop3A_169 : i32 to vector<16xi32>
        tpu.vector_store_idx %arg10[%parallel_loop3A_151, %parallel_loop3A_170], %parallel_loop3A_168 : memref<128x151xf32, #tpu.memory_space<vmem>>[vector<16xi32>, vector<16xi32>], vector<16xf32>,
        %parallel_loop3A_171 = tpu.vector_load_idx %arg6[%parallel_loop3A_151, %add3A_9] : memref<128x4xi32, #tpu.memory_space<vmem>>[vector<16xi32>, vector<16xi32>], vector<16xi32>,
        %parallel_loop3A_172 = arith.constant 50 : i32
        %parallel_loop3A_173 = vector.broadcast %parallel_loop3A_172 : i32 to vector<16xi32>
        %parallel_loop3A_174 = arith.muli %parallel_loop3A_171, %parallel_loop3A_173 : vector<16xi32>
        %parallel_loop3A_175 = arith.constant 6400 : i32
        %parallel_loop3A_176 = vector.broadcast %parallel_loop3A_175 : i32 to vector<16xi32>
        %parallel_loop3A_177 = arith.addi %parallel_loop3A_174, %parallel_loop3A_176 : vector<16xi32>
        %parallel_loop3A_178 = arith.constant 48 : i32
        %parallel_loop3A_179 = vector.broadcast %parallel_loop3A_178 : i32 to vector<16xi32>
        %parallel_loop3A_180 = arith.addi %parallel_loop3A_177, %parallel_loop3A_179 : vector<16xi32>
        %parallel_loop3A_181 = tpu.vector_load_idx %arg9[%parallel_loop3A_180] : memref<25600xf32, #tpu.memory_space<vmem>>[vector<16xi32>], vector<16xf32>,
        %parallel_loop3A_182 = arith.constant 98 : i32
        %parallel_loop3A_183 = vector.broadcast %parallel_loop3A_182 : i32 to vector<16xi32>
        tpu.vector_store_idx %arg10[%parallel_loop3A_151, %parallel_loop3A_183], %parallel_loop3A_181 : memref<128x151xf32, #tpu.memory_space<vmem>>[vector<16xi32>, vector<16xi32>], vector<16xf32>,
        %parallel_loop3A_184 = arith.constant 49 : i32
        %parallel_loop3A_185 = vector.broadcast %parallel_loop3A_184 : i32 to vector<16xi32>
        %parallel_loop3A_186 = arith.addi %parallel_loop3A_177, %parallel_loop3A_185 : vector<16xi32>
        %parallel_loop3A_187 = tpu.vector_load_idx %arg9[%parallel_loop3A_186] : memref<25600xf32, #tpu.memory_space<vmem>>[vector<16xi32>], vector<16xf32>,
        %parallel_loop3A_188 = arith.constant 99 : i32
        %parallel_loop3A_189 = vector.broadcast %parallel_loop3A_188 : i32 to vector<16xi32>
        tpu.vector_store_idx %arg10[%parallel_loop3A_151, %parallel_loop3A_189], %parallel_loop3A_187 : memref<128x151xf32, #tpu.memory_space<vmem>>[vector<16xi32>, vector<16xi32>], vector<16xf32>,
        %parallel_loop3A_190 = tpu.vector_load_idx %arg6[%parallel_loop3A_151, %add3A_12] : memref<128x4xi32, #tpu.memory_space<vmem>>[vector<16xi32>, vector<16xi32>], vector<16xi32>,
        %parallel_loop3A_191 = arith.constant 50 : i32
        %parallel_loop3A_192 = vector.broadcast %parallel_loop3A_191 : i32 to vector<16xi32>
        %parallel_loop3A_193 = arith.muli %parallel_loop3A_190, %parallel_loop3A_192 : vector<16xi32>
        %parallel_loop3A_194 = arith.constant 19200 : i32
        %parallel_loop3A_195 = vector.broadcast %parallel_loop3A_194 : i32 to vector<16xi32>
        %parallel_loop3A_196 = arith.addi %parallel_loop3A_193, %parallel_loop3A_195 : vector<16xi32>
        %parallel_loop3A_197 = arith.constant 48 : i32
        %parallel_loop3A_198 = vector.broadcast %parallel_loop3A_197 : i32 to vector<16xi32>
        %parallel_loop3A_199 = arith.addi %parallel_loop3A_196, %parallel_loop3A_198 : vector<16xi32>
        %parallel_loop3A_200 = tpu.vector_load_idx %arg9[%parallel_loop3A_199] : memref<25600xf32, #tpu.memory_space<vmem>>[vector<16xi32>], vector<16xf32>,
        %parallel_loop3A_201 = arith.constant 148 : i32
        %parallel_loop3A_202 = vector.broadcast %parallel_loop3A_201 : i32 to vector<16xi32>
        tpu.vector_store_idx %arg10[%parallel_loop3A_151, %parallel_loop3A_202], %parallel_loop3A_200 : memref<128x151xf32, #tpu.memory_space<vmem>>[vector<16xi32>, vector<16xi32>], vector<16xf32>,
        %parallel_loop3A_203 = arith.constant 49 : i32
        %parallel_loop3A_204 = vector.broadcast %parallel_loop3A_203 : i32 to vector<16xi32>
        %parallel_loop3A_205 = arith.addi %parallel_loop3A_196, %parallel_loop3A_204 : vector<16xi32>
        %parallel_loop3A_206 = tpu.vector_load_idx %arg9[%parallel_loop3A_205] : memref<25600xf32, #tpu.memory_space<vmem>>[vector<16xi32>], vector<16xf32>,
        %parallel_loop3A_207 = arith.constant 149 : i32
        %parallel_loop3A_208 = vector.broadcast %parallel_loop3A_207 : i32 to vector<16xi32>
        tpu.vector_store_idx %arg10[%parallel_loop3A_151, %parallel_loop3A_208], %parallel_loop3A_206 : memref<128x151xf32, #tpu.memory_space<vmem>>[vector<16xi32>, vector<16xi32>], vector<16xf32>,
        %parallel_loop3A_209 = tpu.vector_load_idx %arg6[%parallel_loop3A_151, %add3A_15] : memref<128x4xi32, #tpu.memory_space<vmem>>[vector<16xi32>, vector<16xi32>], vector<16xi32>,
        %parallel_loop3A_210 = tpu.vector_load_idx %arg8[%parallel_loop3A_209, %broadcast_in_dim3A_6] : memref<2x1xf32, #tpu.memory_space<vmem>>[vector<16xi32>, vector<16xi32>], vector<16xf32>,
        %parallel_loop3A_211 = arith.constant 150 : i32
        %parallel_loop3A_212 = vector.broadcast %parallel_loop3A_211 : i32 to vector<16xi32>
        tpu.vector_store_idx %arg10[%parallel_loop3A_151, %parallel_loop3A_212], %parallel_loop3A_210 : memref<128x151xf32, #tpu.memory_space<vmem>>[vector<16xi32>, vector<16xi32>], vector<16xf32>,
      } {sc.loop_unroll_factor = 2 : i64, sc.parallel_access}
      %add3A_102 = arith.constant 256 : i32
      %add3A_103 = arith.addi %add3A_88, %add3A_102 : i32
      %min3A = arith.constant 16256 : i32
      %min3A_104 = arith.minsi %add3A_103, %min3A : i32
      %dma_start3A_105 = arith.constant 0 : i32
      %dma_start3A_106 = tpu.memref_slice %arg2[%min3A_104, %dma_start3A_105] : memref<16384x4xi32, #tpu.memory_space<hbm>> -> memref<128x4xi32, #tpu.memory_space<hbm>>
      %dma_start3A_107 = arith.constant 0 : i32
      %dma_start3A_108 = tpu.memref_slice %arg2[%min3A_104, %dma_start3A_107] : memref<16384x4xi32, #tpu.memory_space<hbm>> -> memref<128x4xi32, #tpu.memory_space<hbm>>
      tpu.enqueue_dma source(%dma_start3A_108 : memref<128x4xi32, #tpu.memory_space<hbm>>) target(%arg6 : memref<128x4xi32, #tpu.memory_space<vmem>>) target_semaphore(%arg12 : memref<!tpu.dma_semaphore, #tpu.memory_space<semaphore_mem>>)
      %add3A_109 = arith.constant 0 : i32
      %add3A_110 = arith.addi %add3A_88, %add3A_109 : i32
      %dma_start3A_111 = arith.constant 0 : i32
      %dma_start3A_112 = tpu.memref_slice %arg5[%add3A_110, %dma_start3A_111] : memref<16384x151xf32, #tpu.memory_space<hbm>> -> memref<128x151xf32, #tpu.memory_space<hbm>>
      %dma_start3A_113 = arith.constant 0 : i32
      %dma_start3A_114 = tpu.memref_slice %arg5[%add3A_110, %dma_start3A_113] : memref<16384x151xf32, #tpu.memory_space<hbm>> -> memref<128x151xf32, #tpu.memory_space<hbm>>
      tpu.enqueue_dma source(%arg10 : memref<128x151xf32, #tpu.memory_space<vmem>>) target(%dma_start3A_114 : memref<128x151xf32, #tpu.memory_space<hbm>>) target_semaphore(%arg14 : memref<!tpu.dma_semaphore, #tpu.memory_space<semaphore_mem>>)
      %dma_wait3A_115 = arith.constant 0 : i32
      %dma_wait3A_116 = arith.constant 0 : i32
      %dma_wait3A_117 = tpu.memref_slice %arg2[%dma_wait3A_115, %dma_wait3A_116] : memref<16384x4xi32, #tpu.memory_space<hbm>> -> memref<128x4xi32, #tpu.memory_space<hbm>>
      %dma_wait3A_118 = arith.constant 0 : i32
      %dma_wait3A_119 = arith.constant 0 : i32
      %dma_wait3A_120 = tpu.memref_slice %arg2[%dma_wait3A_118, %dma_wait3A_119] : memref<16384x4xi32, #tpu.memory_space<hbm>> -> memref<128x4xi32, #tpu.memory_space<hbm>>
      tpu.wait_dma2 semaphore(%arg13 : memref<!tpu.dma_semaphore, #tpu.memory_space<semaphore_mem>>) src(%dma_wait3A_120 : memref<128x4xi32, #tpu.memory_space<hbm>>) dst(%arg7 : memref<128x4xi32, #tpu.memory_space<vmem>>)
      %gt3A_121 = arith.constant 0 : i32
      %gt3A_122 = arith.cmpi sgt, %scan3A_84, %gt3A_121 : i32
      %convert_element_type3A_123 = arith.extui %gt3A_122 : i1 to i32
      %cond3A_124 = arith.constant 0 : i32
      %cond3A_125 = arith.cmpi ne, %convert_element_type3A_123, %cond3A_124 : i32
      scf.if %cond3A_125 {
        %dma_wait3A_147 = arith.constant 0 : i32
        %dma_wait3A_148 = arith.constant 0 : i32
        %dma_wait3A_149 = tpu.memref_slice %arg5[%dma_wait3A_147, %dma_wait3A_148] : memref<16384x151xf32, #tpu.memory_space<hbm>> -> memref<128x151xf32, #tpu.memory_space<hbm>>
        %dma_wait3A_150 = arith.constant 0 : i32
        %dma_wait3A_151 = arith.constant 0 : i32
        %dma_wait3A_152 = tpu.memref_slice %arg5[%dma_wait3A_150, %dma_wait3A_151] : memref<16384x151xf32, #tpu.memory_space<hbm>> -> memref<128x151xf32, #tpu.memory_space<hbm>>
        tpu.wait_dma2 semaphore(%arg15 : memref<!tpu.dma_semaphore, #tpu.memory_space<semaphore_mem>>) src(%arg11 : memref<128x151xf32, #tpu.memory_space<vmem>>) dst(%dma_wait3A_152 : memref<128x151xf32, #tpu.memory_space<hbm>>)
      } else {
      }
      %parallel_loop3A_126 = arith.constant 0 : i32
      %parallel_loop3A_127 = arith.constant 128 : i32
      %parallel_loop3A_128 = arith.constant 1 : i32
      scf.for %parallel_loop3A_147 = %parallel_loop3A_126 to %parallel_loop3A_127 step %parallel_loop3A_128  : i32 {
        %parallel_loop3A_148 = vector.broadcast %parallel_loop3A_147 : i32 to vector<16xi32>
        %parallel_loop3A_149 = tpu.vector_load_idx %arg7[%parallel_loop3A_148, %broadcast_in_dim3A_6] : memref<128x4xi32, #tpu.memory_space<vmem>>[vector<16xi32>, vector<16xi32>], vector<16xi32>,
        %parallel_loop3A_150 = arith.constant 50 : i32
        %parallel_loop3A_151 = vector.broadcast %parallel_loop3A_150 : i32 to vector<16xi32>
        %parallel_loop3A_152 = arith.muli %parallel_loop3A_149, %parallel_loop3A_151 : vector<16xi32>
        %parallel_loop3A_153 = arith.constant 0 : i32
        %parallel_loop3A_154 = vector.broadcast %parallel_loop3A_153 : i32 to vector<16xi32>
        %parallel_loop3A_155 = arith.addi %parallel_loop3A_152, %parallel_loop3A_154 : vector<16xi32>
        %parallel_loop3A_156 = arith.addi %parallel_loop3A_155, %iota3A : vector<16xi32>
        %parallel_loop3A_157 = tpu.vector_load_idx %arg9[%parallel_loop3A_156] : memref<25600xf32, #tpu.memory_space<vmem>>[vector<16xi32>], vector<16xf32>,
        tpu.vector_store_idx %arg11[%parallel_loop3A_148, %add3A_24], %parallel_loop3A_157 : memref<128x151xf32, #tpu.memory_space<vmem>>[vector<16xi32>, vector<16xi32>], vector<16xf32>,
        %parallel_loop3A_158 = arith.addi %parallel_loop3A_155, %add3A_18 : vector<16xi32>
        %parallel_loop3A_159 = tpu.vector_load_idx %arg9[%parallel_loop3A_158] : memref<25600xf32, #tpu.memory_space<vmem>>[vector<16xi32>], vector<16xf32>,
        tpu.vector_store_idx %arg11[%parallel_loop3A_148, %add3A_27], %parallel_loop3A_159 : memref<128x151xf32, #tpu.memory_space<vmem>>[vector<16xi32>, vector<16xi32>], vector<16xf32>,
        %parallel_loop3A_160 = arith.addi %parallel_loop3A_155, %add3A_21 : vector<16xi32>
        %parallel_loop3A_161 = tpu.vector_load_idx %arg9[%parallel_loop3A_160] : memref<25600xf32, #tpu.memory_space<vmem>>[vector<16xi32>], vector<16xf32>,
        tpu.vector_store_idx %arg11[%parallel_loop3A_148, %add3A_30], %parallel_loop3A_161 : memref<128x151xf32, #tpu.memory_space<vmem>>[vector<16xi32>, vector<16xi32>], vector<16xf32>,
        %parallel_loop3A_162 = tpu.vector_load_idx %arg7[%parallel_loop3A_148, %add3A_9] : memref<128x4xi32, #tpu.memory_space<vmem>>[vector<16xi32>, vector<16xi32>], vector<16xi32>,
        %parallel_loop3A_163 = arith.constant 50 : i32
        %parallel_loop3A_164 = vector.broadcast %parallel_loop3A_163 : i32 to vector<16xi32>
        %parallel_loop3A_165 = arith.muli %parallel_loop3A_162, %parallel_loop3A_164 : vector<16xi32>
        %parallel_loop3A_166 = arith.constant 6400 : i32
        %parallel_loop3A_167 = vector.broadcast %parallel_loop3A_166 : i32 to vector<16xi32>
        %parallel_loop3A_168 = arith.addi %parallel_loop3A_165, %parallel_loop3A_167 : vector<16xi32>
        %parallel_loop3A_169 = arith.addi %parallel_loop3A_168, %iota3A : vector<16xi32>
        %parallel_loop3A_170 = tpu.vector_load_idx %arg9[%parallel_loop3A_169] : memref<25600xf32, #tpu.memory_space<vmem>>[vector<16xi32>], vector<16xf32>,
        tpu.vector_store_idx %arg11[%parallel_loop3A_148, %add3A_33], %parallel_loop3A_170 : memref<128x151xf32, #tpu.memory_space<vmem>>[vector<16xi32>, vector<16xi32>], vector<16xf32>,
        %parallel_loop3A_171 = arith.addi %parallel_loop3A_168, %add3A_18 : vector<16xi32>
        %parallel_loop3A_172 = tpu.vector_load_idx %arg9[%parallel_loop3A_171] : memref<25600xf32, #tpu.memory_space<vmem>>[vector<16xi32>], vector<16xf32>,
        tpu.vector_store_idx %arg11[%parallel_loop3A_148, %add3A_36], %parallel_loop3A_172 : memref<128x151xf32, #tpu.memory_space<vmem>>[vector<16xi32>, vector<16xi32>], vector<16xf32>,
        %parallel_loop3A_173 = arith.addi %parallel_loop3A_168, %add3A_21 : vector<16xi32>
        %parallel_loop3A_174 = tpu.vector_load_idx %arg9[%parallel_loop3A_173] : memref<25600xf32, #tpu.memory_space<vmem>>[vector<16xi32>], vector<16xf32>,
        tpu.vector_store_idx %arg11[%parallel_loop3A_148, %add3A_39], %parallel_loop3A_174 : memref<128x151xf32, #tpu.memory_space<vmem>>[vector<16xi32>, vector<16xi32>], vector<16xf32>,
        %parallel_loop3A_175 = tpu.vector_load_idx %arg7[%parallel_loop3A_148, %add3A_12] : memref<128x4xi32, #tpu.memory_space<vmem>>[vector<16xi32>, vector<16xi32>], vector<16xi32>,
        %parallel_loop3A_176 = arith.constant 50 : i32
        %parallel_loop3A_177 = vector.broadcast %parallel_loop3A_176 : i32 to vector<16xi32>
        %parallel_loop3A_178 = arith.muli %parallel_loop3A_175, %parallel_loop3A_177 : vector<16xi32>
        %parallel_loop3A_179 = arith.constant 19200 : i32
        %parallel_loop3A_180 = vector.broadcast %parallel_loop3A_179 : i32 to vector<16xi32>
        %parallel_loop3A_181 = arith.addi %parallel_loop3A_178, %parallel_loop3A_180 : vector<16xi32>
        %parallel_loop3A_182 = arith.addi %parallel_loop3A_181, %iota3A : vector<16xi32>
        %parallel_loop3A_183 = tpu.vector_load_idx %arg9[%parallel_loop3A_182] : memref<25600xf32, #tpu.memory_space<vmem>>[vector<16xi32>], vector<16xf32>,
        tpu.vector_store_idx %arg11[%parallel_loop3A_148, %add3A_42], %parallel_loop3A_183 : memref<128x151xf32, #tpu.memory_space<vmem>>[vector<16xi32>, vector<16xi32>], vector<16xf32>,
        %parallel_loop3A_184 = arith.addi %parallel_loop3A_181, %add3A_18 : vector<16xi32>
        %parallel_loop3A_185 = tpu.vector_load_idx %arg9[%parallel_loop3A_184] : memref<25600xf32, #tpu.memory_space<vmem>>[vector<16xi32>], vector<16xf32>,
        tpu.vector_store_idx %arg11[%parallel_loop3A_148, %add3A_45], %parallel_loop3A_185 : memref<128x151xf32, #tpu.memory_space<vmem>>[vector<16xi32>, vector<16xi32>], vector<16xf32>,
        %parallel_loop3A_186 = arith.addi %parallel_loop3A_181, %add3A_21 : vector<16xi32>
        %parallel_loop3A_187 = tpu.vector_load_idx %arg9[%parallel_loop3A_186] : memref<25600xf32, #tpu.memory_space<vmem>>[vector<16xi32>], vector<16xf32>,
        tpu.vector_store_idx %arg11[%parallel_loop3A_148, %add3A_48], %parallel_loop3A_187 : memref<128x151xf32, #tpu.memory_space<vmem>>[vector<16xi32>, vector<16xi32>], vector<16xf32>,
      } {sc.loop_unroll_factor = 2 : i64, sc.parallel_access}
      %parallel_loop3A_129 = arith.constant 0 : i32
      %parallel_loop3A_130 = arith.constant 8 : i32
      %parallel_loop3A_131 = arith.constant 1 : i32
      scf.for %parallel_loop3A_147 = %parallel_loop3A_129 to %parallel_loop3A_130 step %parallel_loop3A_131  : i32 {
        %parallel_loop3A_148 = arith.constant 16 : i32
        %parallel_loop3A_149 = arith.muli %parallel_loop3A_147, %parallel_loop3A_148 : i32
        %parallel_loop3A_150 = vector.broadcast %parallel_loop3A_149 : i32 to vector<16xi32>
        %parallel_loop3A_151 = arith.addi %parallel_loop3A_150, %iota3A : vector<16xi32>
        %parallel_loop3A_152 = tpu.vector_load_idx %arg7[%parallel_loop3A_151, %broadcast_in_dim3A_6] : memref<128x4xi32, #tpu.memory_space<vmem>>[vector<16xi32>, vector<16xi32>], vector<16xi32>,
        %parallel_loop3A_153 = arith.constant 50 : i32
        %parallel_loop3A_154 = vector.broadcast %parallel_loop3A_153 : i32 to vector<16xi32>
        %parallel_loop3A_155 = arith.muli %parallel_loop3A_152, %parallel_loop3A_154 : vector<16xi32>
        %parallel_loop3A_156 = arith.constant 0 : i32
        %parallel_loop3A_157 = vector.broadcast %parallel_loop3A_156 : i32 to vector<16xi32>
        %parallel_loop3A_158 = arith.addi %parallel_loop3A_155, %parallel_loop3A_157 : vector<16xi32>
        %parallel_loop3A_159 = arith.constant 48 : i32
        %parallel_loop3A_160 = vector.broadcast %parallel_loop3A_159 : i32 to vector<16xi32>
        %parallel_loop3A_161 = arith.addi %parallel_loop3A_158, %parallel_loop3A_160 : vector<16xi32>
        %parallel_loop3A_162 = tpu.vector_load_idx %arg9[%parallel_loop3A_161] : memref<25600xf32, #tpu.memory_space<vmem>>[vector<16xi32>], vector<16xf32>,
        %parallel_loop3A_163 = arith.constant 48 : i32
        %parallel_loop3A_164 = vector.broadcast %parallel_loop3A_163 : i32 to vector<16xi32>
        tpu.vector_store_idx %arg11[%parallel_loop3A_151, %parallel_loop3A_164], %parallel_loop3A_162 : memref<128x151xf32, #tpu.memory_space<vmem>>[vector<16xi32>, vector<16xi32>], vector<16xf32>,
        %parallel_loop3A_165 = arith.constant 49 : i32
        %parallel_loop3A_166 = vector.broadcast %parallel_loop3A_165 : i32 to vector<16xi32>
        %parallel_loop3A_167 = arith.addi %parallel_loop3A_158, %parallel_loop3A_166 : vector<16xi32>
        %parallel_loop3A_168 = tpu.vector_load_idx %arg9[%parallel_loop3A_167] : memref<25600xf32, #tpu.memory_space<vmem>>[vector<16xi32>], vector<16xf32>,
        %parallel_loop3A_169 = arith.constant 49 : i32
        %parallel_loop3A_170 = vector.broadcast %parallel_loop3A_169 : i32 to vector<16xi32>
        tpu.vector_store_idx %arg11[%parallel_loop3A_151, %parallel_loop3A_170], %parallel_loop3A_168 : memref<128x151xf32, #tpu.memory_space<vmem>>[vector<16xi32>, vector<16xi32>], vector<16xf32>,
        %parallel_loop3A_171 = tpu.vector_load_idx %arg7[%parallel_loop3A_151, %add3A_9] : memref<128x4xi32, #tpu.memory_space<vmem>>[vector<16xi32>, vector<16xi32>], vector<16xi32>,
        %parallel_loop3A_172 = arith.constant 50 : i32
        %parallel_loop3A_173 = vector.broadcast %parallel_loop3A_172 : i32 to vector<16xi32>
        %parallel_loop3A_174 = arith.muli %parallel_loop3A_171, %parallel_loop3A_173 : vector<16xi32>
        %parallel_loop3A_175 = arith.constant 6400 : i32
        %parallel_loop3A_176 = vector.broadcast %parallel_loop3A_175 : i32 to vector<16xi32>
        %parallel_loop3A_177 = arith.addi %parallel_loop3A_174, %parallel_loop3A_176 : vector<16xi32>
        %parallel_loop3A_178 = arith.constant 48 : i32
        %parallel_loop3A_179 = vector.broadcast %parallel_loop3A_178 : i32 to vector<16xi32>
        %parallel_loop3A_180 = arith.addi %parallel_loop3A_177, %parallel_loop3A_179 : vector<16xi32>
        %parallel_loop3A_181 = tpu.vector_load_idx %arg9[%parallel_loop3A_180] : memref<25600xf32, #tpu.memory_space<vmem>>[vector<16xi32>], vector<16xf32>,
        %parallel_loop3A_182 = arith.constant 98 : i32
        %parallel_loop3A_183 = vector.broadcast %parallel_loop3A_182 : i32 to vector<16xi32>
        tpu.vector_store_idx %arg11[%parallel_loop3A_151, %parallel_loop3A_183], %parallel_loop3A_181 : memref<128x151xf32, #tpu.memory_space<vmem>>[vector<16xi32>, vector<16xi32>], vector<16xf32>,
        %parallel_loop3A_184 = arith.constant 49 : i32
        %parallel_loop3A_185 = vector.broadcast %parallel_loop3A_184 : i32 to vector<16xi32>
        %parallel_loop3A_186 = arith.addi %parallel_loop3A_177, %parallel_loop3A_185 : vector<16xi32>
        %parallel_loop3A_187 = tpu.vector_load_idx %arg9[%parallel_loop3A_186] : memref<25600xf32, #tpu.memory_space<vmem>>[vector<16xi32>], vector<16xf32>,
        %parallel_loop3A_188 = arith.constant 99 : i32
        %parallel_loop3A_189 = vector.broadcast %parallel_loop3A_188 : i32 to vector<16xi32>
        tpu.vector_store_idx %arg11[%parallel_loop3A_151, %parallel_loop3A_189], %parallel_loop3A_187 : memref<128x151xf32, #tpu.memory_space<vmem>>[vector<16xi32>, vector<16xi32>], vector<16xf32>,
        %parallel_loop3A_190 = tpu.vector_load_idx %arg7[%parallel_loop3A_151, %add3A_12] : memref<128x4xi32, #tpu.memory_space<vmem>>[vector<16xi32>, vector<16xi32>], vector<16xi32>,
        %parallel_loop3A_191 = arith.constant 50 : i32
        %parallel_loop3A_192 = vector.broadcast %parallel_loop3A_191 : i32 to vector<16xi32>
        %parallel_loop3A_193 = arith.muli %parallel_loop3A_190, %parallel_loop3A_192 : vector<16xi32>
        %parallel_loop3A_194 = arith.constant 19200 : i32
        %parallel_loop3A_195 = vector.broadcast %parallel_loop3A_194 : i32 to vector<16xi32>
        %parallel_loop3A_196 = arith.addi %parallel_loop3A_193, %parallel_loop3A_195 : vector<16xi32>
        %parallel_loop3A_197 = arith.constant 48 : i32
        %parallel_loop3A_198 = vector.broadcast %parallel_loop3A_197 : i32 to vector<16xi32>
        %parallel_loop3A_199 = arith.addi %parallel_loop3A_196, %parallel_loop3A_198 : vector<16xi32>
        %parallel_loop3A_200 = tpu.vector_load_idx %arg9[%parallel_loop3A_199] : memref<25600xf32, #tpu.memory_space<vmem>>[vector<16xi32>], vector<16xf32>,
        %parallel_loop3A_201 = arith.constant 148 : i32
        %parallel_loop3A_202 = vector.broadcast %parallel_loop3A_201 : i32 to vector<16xi32>
        tpu.vector_store_idx %arg11[%parallel_loop3A_151, %parallel_loop3A_202], %parallel_loop3A_200 : memref<128x151xf32, #tpu.memory_space<vmem>>[vector<16xi32>, vector<16xi32>], vector<16xf32>,
        %parallel_loop3A_203 = arith.constant 49 : i32
        %parallel_loop3A_204 = vector.broadcast %parallel_loop3A_203 : i32 to vector<16xi32>
        %parallel_loop3A_205 = arith.addi %parallel_loop3A_196, %parallel_loop3A_204 : vector<16xi32>
        %parallel_loop3A_206 = tpu.vector_load_idx %arg9[%parallel_loop3A_205] : memref<25600xf32, #tpu.memory_space<vmem>>[vector<16xi32>], vector<16xf32>,
        %parallel_loop3A_207 = arith.constant 149 : i32
        %parallel_loop3A_208 = vector.broadcast %parallel_loop3A_207 : i32 to vector<16xi32>
        tpu.vector_store_idx %arg11[%parallel_loop3A_151, %parallel_loop3A_208], %parallel_loop3A_206 : memref<128x151xf32, #tpu.memory_space<vmem>>[vector<16xi32>, vector<16xi32>], vector<16xf32>,
        %parallel_loop3A_209 = tpu.vector_load_idx %arg7[%parallel_loop3A_151, %add3A_15] : memref<128x4xi32, #tpu.memory_space<vmem>>[vector<16xi32>, vector<16xi32>], vector<16xi32>,
        %parallel_loop3A_210 = tpu.vector_load_idx %arg8[%parallel_loop3A_209, %broadcast_in_dim3A_6] : memref<2x1xf32, #tpu.memory_space<vmem>>[vector<16xi32>, vector<16xi32>], vector<16xf32>,
        %parallel_loop3A_211 = arith.constant 150 : i32
        %parallel_loop3A_212 = vector.broadcast %parallel_loop3A_211 : i32 to vector<16xi32>
        tpu.vector_store_idx %arg11[%parallel_loop3A_151, %parallel_loop3A_212], %parallel_loop3A_210 : memref<128x151xf32, #tpu.memory_space<vmem>>[vector<16xi32>, vector<16xi32>], vector<16xf32>,
      } {sc.loop_unroll_factor = 2 : i64, sc.parallel_access}
      %add3A_132 = arith.constant 384 : i32
      %add3A_133 = arith.addi %add3A_88, %add3A_132 : i32
      %min3A_134 = arith.constant 16256 : i32
      %min3A_135 = arith.minsi %add3A_133, %min3A_134 : i32
      %dma_start3A_136 = arith.constant 0 : i32
      %dma_start3A_137 = tpu.memref_slice %arg2[%min3A_135, %dma_start3A_136] : memref<16384x4xi32, #tpu.memory_space<hbm>> -> memref<128x4xi32, #tpu.memory_space<hbm>>
      %dma_start3A_138 = arith.constant 0 : i32
      %dma_start3A_139 = tpu.memref_slice %arg2[%min3A_135, %dma_start3A_138] : memref<16384x4xi32, #tpu.memory_space<hbm>> -> memref<128x4xi32, #tpu.memory_space<hbm>>
      tpu.enqueue_dma source(%dma_start3A_139 : memref<128x4xi32, #tpu.memory_space<hbm>>) target(%arg7 : memref<128x4xi32, #tpu.memory_space<vmem>>) target_semaphore(%arg13 : memref<!tpu.dma_semaphore, #tpu.memory_space<semaphore_mem>>)
      %add3A_140 = arith.constant 128 : i32
      %add3A_141 = arith.addi %add3A_88, %add3A_140 : i32
      %dma_start3A_142 = arith.constant 0 : i32
      %dma_start3A_143 = tpu.memref_slice %arg5[%add3A_141, %dma_start3A_142] : memref<16384x151xf32, #tpu.memory_space<hbm>> -> memref<128x151xf32, #tpu.memory_space<hbm>>
      %dma_start3A_144 = arith.constant 0 : i32
      %dma_start3A_145 = tpu.memref_slice %arg5[%add3A_141, %dma_start3A_144] : memref<16384x151xf32, #tpu.memory_space<hbm>> -> memref<128x151xf32, #tpu.memory_space<hbm>>
      tpu.enqueue_dma source(%arg11 : memref<128x151xf32, #tpu.memory_space<vmem>>) target(%dma_start3A_145 : memref<128x151xf32, #tpu.memory_space<hbm>>) target_semaphore(%arg15 : memref<!tpu.dma_semaphore, #tpu.memory_space<semaphore_mem>>)
      %scan3A_146 = arith.constant 0 : i32
      scf.yield %scan3A_146 : i32
    }
    %scan3A_60 = arith.constant 2 : i32
    %dma_wait3A = arith.constant 0 : i32
    %dma_wait3A_61 = arith.constant 0 : i32
    %dma_wait3A_62 = tpu.memref_slice %arg5[%dma_wait3A, %dma_wait3A_61] : memref<16384x151xf32, #tpu.memory_space<hbm>> -> memref<128x151xf32, #tpu.memory_space<hbm>>
    %dma_wait3A_63 = arith.constant 0 : i32
    %dma_wait3A_64 = arith.constant 0 : i32
    %dma_wait3A_65 = tpu.memref_slice %arg5[%dma_wait3A_63, %dma_wait3A_64] : memref<16384x151xf32, #tpu.memory_space<hbm>> -> memref<128x151xf32, #tpu.memory_space<hbm>>
    tpu.wait_dma2 semaphore(%arg14 : memref<!tpu.dma_semaphore, #tpu.memory_space<semaphore_mem>>) src(%arg10 : memref<128x151xf32, #tpu.memory_space<vmem>>) dst(%dma_wait3A_65 : memref<128x151xf32, #tpu.memory_space<hbm>>)
    %dma_wait3A_66 = arith.constant 0 : i32
    %dma_wait3A_67 = arith.constant 0 : i32
    %dma_wait3A_68 = tpu.memref_slice %arg5[%dma_wait3A_66, %dma_wait3A_67] : memref<16384x151xf32, #tpu.memory_space<hbm>> -> memref<128x151xf32, #tpu.memory_space<hbm>>
    %dma_wait3A_69 = arith.constant 0 : i32
    %dma_wait3A_70 = arith.constant 0 : i32
    %dma_wait3A_71 = tpu.memref_slice %arg5[%dma_wait3A_69, %dma_wait3A_70] : memref<16384x151xf32, #tpu.memory_space<hbm>> -> memref<128x151xf32, #tpu.memory_space<hbm>>
    tpu.wait_dma2 semaphore(%arg15 : memref<!tpu.dma_semaphore, #tpu.memory_space<semaphore_mem>>) src(%arg11 : memref<128x151xf32, #tpu.memory_space<vmem>>) dst(%dma_wait3A_71 : memref<128x151xf32, #tpu.memory_space<hbm>>)
    %dma_wait3A_72 = arith.constant 0 : i32
    %dma_wait3A_73 = arith.constant 0 : i32
    %dma_wait3A_74 = tpu.memref_slice %arg2[%dma_wait3A_72, %dma_wait3A_73] : memref<16384x4xi32, #tpu.memory_space<hbm>> -> memref<128x4xi32, #tpu.memory_space<hbm>>
    %dma_wait3A_75 = arith.constant 0 : i32
    %dma_wait3A_76 = arith.constant 0 : i32
    %dma_wait3A_77 = tpu.memref_slice %arg2[%dma_wait3A_75, %dma_wait3A_76] : memref<16384x4xi32, #tpu.memory_space<hbm>> -> memref<128x4xi32, #tpu.memory_space<hbm>>
    tpu.wait_dma2 semaphore(%arg12 : memref<!tpu.dma_semaphore, #tpu.memory_space<semaphore_mem>>) src(%dma_wait3A_77 : memref<128x4xi32, #tpu.memory_space<hbm>>) dst(%arg6 : memref<128x4xi32, #tpu.memory_space<vmem>>)
    %dma_wait3A_78 = arith.constant 0 : i32
    %dma_wait3A_79 = arith.constant 0 : i32
    %dma_wait3A_80 = tpu.memref_slice %arg2[%dma_wait3A_78, %dma_wait3A_79] : memref<16384x4xi32, #tpu.memory_space<hbm>> -> memref<128x4xi32, #tpu.memory_space<hbm>>
    %dma_wait3A_81 = arith.constant 0 : i32
    %dma_wait3A_82 = arith.constant 0 : i32
    %dma_wait3A_83 = tpu.memref_slice %arg2[%dma_wait3A_81, %dma_wait3A_82] : memref<16384x4xi32, #tpu.memory_space<hbm>> -> memref<128x4xi32, #tpu.memory_space<hbm>>
    tpu.wait_dma2 semaphore(%arg13 : memref<!tpu.dma_semaphore, #tpu.memory_space<semaphore_mem>>) src(%dma_wait3A_83 : memref<128x4xi32, #tpu.memory_space<hbm>>) dst(%arg7 : memref<128x4xi32, #tpu.memory_space<vmem>>)
    return
  }
}

</mosaic_0001>

<sc_bundles>
// kernel: _run.3.cloned.1.call-start
scs
__scs_entry_jumppad:
0x0: {  	(pc) =	sbr.rel $0x88, $3  }
0x1: {  	(tag) =	ssettag $0x0;
	lr =	simm.s32 $0x1  }
0x2: {  	[smem:$0x3F9E] =	sst lr;
	_ =	strace $0xD0000000  }
0x3: {  	_ = 	snop  }
0x4: {  	_ = 	snop  }
0x5: {  	_ = 	snop  }
0x6: {  	_ = 	snop  }
0x7: {  	_ = 	snop  }
__scs_overlays_trampoline_lowered:
0x8: {  	[smem:$0x3FAD] =	sst s0  }
0x9: {  	[smem:$0x3FAE] =	sst s1  }
0xa: {  	[smem:$0x3FAF] =	sst s2  }
0xb: {  	[smem:$0x3FB0] =	sst s3  }
0xc: {  	[smem:$0x3FB1] =	sst s4  }
0xd: {  	[smem:$0x3FB2] =	sst s5  }
0xe: {  	[smem:$0x3FB3] =	sst s6  }
0xf: {  	[smem:$0x3FB4] =	sst s7  }
0x10: {  	[smem:$0x3FB5] =	sst s8  }
0x11: {  	[smem:$0x3FB6] =	sst s9;
	s0 =	simm.s32 @!p0 $0x0  }
0x12: {  	s1 =	sld [smem:$0x3F9C];
	s0 =	simm.s32 @p0 $0x1  }
0x13: {  	[smem:$0x3FB7] =	sst s0;
	s0 =	simm.s32 @!p1 $0x0  }
0x14: {  	s2 =	sld [smem:$0x3F9B];
	s0 =	simm.s32 @p1 $0x1  }
0x15: {  	[smem:$0x3FB8] =	sst s0;
	s0 =	simm.s32 @!p2 $0x0  }
0x16: {  	s3 =	sld [smem:$0x3FDB];
	s0 =	simm.s32 @p2 $0x1  }
0x17: {  	s4 =	simm.s32 $0x1BF5;
	[smem:$0x3FBA] =	sst s0  }
0x18: {  	s0 =	sld [smem:$0x3F9D];
	_ =	swait.ge [sflag:s4], $0x0  }
0x19: {  	s7 =	sld [smem:$0x3F9E]  }
0x1a: {  	s8 =	sadd.s32 $0xFFFFE003, lr  }
0x1b: {  	s9 =	sadd.s32 $0xFFFFFEF7, lr;
	s5 =	simm.s32 $0xFFFFFFFF;
	p2 =	slt.u32 s8, $0xFFFFF086  }
0x1c: {  	p1 =	slt.u32 s9, $0xF7A;
	s5 =	simm.s32 @!p2 $0x0  }
0x1d: {  	s5 =	simm.s32 @p1 $0x1;
	p0 =	seq.s32 s7, s2  }
0x1e: {  	s7 =	smul.u32 @!p0 $0xF7A, s2;
	p2 =	seq.s32 @!p0 s5, $0x0  }
0x1f: {  	s9 =	smul.u32 $0xF7A, s1;
	s8 =	simm.s32 @!p0 $0x1BF5;
	p2 =	por !p2, p0  }
0x20: {  	[sflag:s8] =	ssyncset.s32 @!p0 $0xFFFFF086;
	s6 =	sadd.s32 @!p0 s3, s7;
	s7 =	simm.s32 @!p0 $0x108  }
0x21: {  	s3 =	sadd.s32 s3, s9;
	s6 =	sadd.s32 @!p0 $0x88, s6;
	s7 =	simm.s32 @p2 $0x1082  }
0x22: {  	[simem:s7], [sflag:s8] =	dma.local @!p0 [hbm:s6], $0xF7A  }
0x23: {  	s9 =	sor.u32 $0xD0000000, s2;
	s6 =	simm.s32 $0x108;
	_ =	swait.ge @!p0 [sflag:s8], $0x0  }
0x24: {  	s3 =	sadd.s32 $0x88, s3;
	s6 =	simm.s32 @!p1 $0x1082;
	[sflag:s4] =	ssyncset.s32 $0xFFFFF086  }
0x25: {  	[simem:s6], [sflag:s4] =	dma.local [hbm:s3], $0xF7A  }
0x26: {  	[smem:$0x3F9E] =	sst s1;
	(tag) =	ssettag s2;
	_ =	strace s9  }
0x27: {  	s1 =	sld [smem:$0x3FAE]  }
0x28: {  	s2 =	sld [smem:$0x3FAF]  }
0x29: {  	s4 =	sld [smem:$0x3FB1]  }
0x2a: {  	p0 =	seq.s32 s5, $0x0;
	s5 =	sld [smem:$0x3FB2]  }
0x2b: {  	s6 =	sld [smem:$0x3FB3]  }
0x2c: {  	s7 =	sld [smem:$0x3FB4]  }
0x2d: {  	s3 =	simm.s32 $0x108;
	s8 =	sld [smem:$0x3FB5]  }
0x2e: {  	s3 =	simm.s32 @!p0 $0x1082;
	s9 =	sld [smem:$0x3FB6]  }
0x2f: {  	lr =	sadd.s32 s0, s3;
	s0 =	sld [smem:$0x3FAD]  }
0x30: {  	s3 =	sld [smem:$0x3FB0]  }
0x31: {  	[smem:$0x3FB9] =	sst s10  }
0x32: {  	s10 =	sld [smem:$0x3FB7];
	_ =	sdelay $0x3  }
0x33: {  	p0 =	seq.s32 s10, $0x1;
	s10 =	sld [smem:$0x3FB9];
	_ =	sdelay $0x3  }
0x34: {  	[smem:$0x3FB9] =	sst s10  }
0x35: {  	s10 =	sld [smem:$0x3FB8];
	_ =	sdelay $0x3  }
0x36: {  	p1 =	seq.s32 s10, $0x1;
	s10 =	sld [smem:$0x3FB9];
	_ =	sdelay $0x3  }
0x37: {  	[smem:$0x3FB9] =	sst s10  }
0x38: {  	s10 =	sld [smem:$0x3FBA]  }
0x39: {  	_ = 	snop;
	(pc) =	sbr.ind lr, $3  }
0x3a: {  	_ = 	snop  }
0x3b: {  	_ = 	snop  }
0x3c: {  	p2 =	seq.s32 s10, $0x1;
	s10 =	sld [smem:$0x3FB9]  }
0x3d: {  	_ =	shalt  }
0x3e: {  	_ =	shalt  }
0x3f: {  	_ =	shalt  }
0x40: {  	_ =	shalt  }
0x41: {  	_ =	shalt  }
0x42: {  	_ =	shalt  }
0x43: {  	_ =	shalt  }
0x44: {  	_ =	shalt  }
0x45: {  	_ =	shalt  }
0x46: {  	_ =	shalt  }
0x47: {  	_ =	shalt  }
0x48: {  	_ =	shalt  }
0x49: {  	_ =	shalt  }
0x4a: {  	_ =	shalt  }
0x4b: {  	_ =	shalt  }
0x4c: {  	_ =	shalt  }
0x4d: {  	_ =	shalt  }
0x4e: {  	_ =	shalt  }
0x4f: {  	_ =	shalt  }
0x50: {  	_ =	shalt  }
0x51: {  	_ =	shalt  }
0x52: {  	_ =	shalt  }
0x53: {  	_ =	shalt  }
0x54: {  	_ =	shalt  }
0x55: {  	_ =	shalt  }
0x56: {  	_ =	shalt  }
0x57: {  	_ =	shalt  }
0x58: {  	_ =	shalt  }
0x59: {  	_ =	shalt  }
0x5a: {  	_ =	shalt  }
0x5b: {  	_ =	shalt  }
0x5c: {  	_ =	shalt  }
0x5d: {  	_ =	shalt  }
0x5e: {  	_ =	shalt  }
0x5f: {  	_ =	shalt  }
0x60: {  	_ =	shalt  }
0x61: {  	_ =	shalt  }
0x62: {  	_ =	shalt  }
0x63: {  	_ =	shalt  }
0x64: {  	_ =	shalt  }
0x65: {  	_ =	shalt  }
0x66: {  	_ =	shalt  }
0x67: {  	_ =	shalt  }
0x68: {  	_ =	shalt  }
0x69: {  	_ =	shalt  }
0x6a: {  	_ =	shalt  }
0x6b: {  	_ =	shalt  }
0x6c: {  	_ =	shalt  }
0x6d: {  	_ =	shalt  }
0x6e: {  	_ =	shalt  }
0x6f: {  	_ =	shalt  }
0x70: {  	_ =	shalt  }
0x71: {  	_ =	shalt  }
0x72: {  	_ =	shalt  }
0x73: {  	_ =	shalt  }
0x74: {  	_ =	shalt  }
0x75: {  	_ =	shalt  }
0x76: {  	_ =	shalt  }
0x77: {  	_ =	shalt  }
0x78: {  	_ =	shalt  }
0x79: {  	_ =	shalt  }
0x7a: {  	_ =	shalt  }
0x7b: {  	_ =	shalt  }
0x7c: {  	_ =	shalt  }
0x7d: {  	_ =	shalt  }
0x7e: {  	_ =	shalt  }
0x7f: {  	_ =	shalt  }
0x80: {  	_ =	shalt  }
0x81: {  	_ =	shalt  }
0x82: {  	_ =	shalt  }
0x83: {  	_ =	shalt  }
0x84: {  	_ =	shalt  }
0x85: {  	_ =	shalt  }
0x86: {  	_ =	shalt  }
0x87: {  	_ =	shalt  }
.Lfunc_end0:
.L_simem_size_0:
called_computation_lowered:
.L_overlay_start_0:
0x88: {  	s2 =	sld [smem:$0x3FD9]  }
0x89: {  	s3 =	sld [smem:$0x3FFE];
	_ =	sdelay $0x1  }
0x8a: {  	s1 =	srdreg.scid  }
0x8b: {  	s0 =	sand.u32 $0x1, s1  }
0x8c: {  	s17 =	sshll.u32 s0, $0xA;
	s2 =	sadd.s32 s3, s2  }
0x8d: {  	s2 =	sadd.s32 s2, s17  }
0x8e: {  	[smem:$0x3FC5] =	sst s2  }
0x8f: {  	_ = 	snop  }
0x90: {  	s2 =	sld [smem:$0x3FC8]  }
0x91: {  	s18 =	sld [smem:$0x3FD0];
	(tm) =	ssettm $0x1  }
0x92: {  	s4 =	sld [smem:$0x3FFB];
	_ =	sdelay $0x3  }
0x93: {  	_ =	strace s4  }
0x94: {  	s4 =	sld [smem:$0x3FFC];
	_ =	sdelay $0x3  }
0x95: {  	_ =	strace s4  }
0x96: {  	s4 =	sld [smem:$0x3FFD];
	_ =	sdelay $0x3  }
0x97: {  	_ =	strace s4  }
0x98: {  	_ =	strace $0x8FFFFFFF  }
0x99: {  	s19 =	sld [smem:$0x3FDB];
	_ =	sdelay $0x1  }
0x9a: {  	s5 =	simm.s32 $_scs_section_size  }
0x9b: {  	s6 =	simm.s32 $_size__tile_overlayer_lowered;
	s7 =	simm.s32 $_tile_overlayer_lowered  }
0x9c: {  	s22 =	simm.s32 $0x1BFF;
	s21 =	sshll.u32 s7, $0x1;
	s4 =	sadd.s32 s5, s19  }
0x9d: {  	s8 =	simm.s32 $0x0;
	s20 =	sshll.u32 s6, $0x1;
	s6 =	sadd.s32 s21, s4  }
0x9e: {  	[timem:s8], [sflag:s22] =	dma.local [hbm:s6], s20  }
0x9f: {  	_ =	swait.ge [sflag:s22], s20  }
0xa0: {  	s5 =	ssub.s32 $0x0, s20;
	[sflag:s22] =	ssyncset.done $0x0  }
0xa1: {  	[sflag:s22] =	ssyncadd.s32 s5;
	_ =	sdelay $0x1  }
0xa2: {  	s23 =	simm.s32 $0x1B8B  }
0xa3: {  	_ =	swait.ge [sflag:s23], $0x1  }
0xa4: {  	[sflag:s23] =	ssyncset.done $0x0  }
0xa5: {  	s25 =	simm.s32 $0x1B8E;
	s24 =	sld [smem:$0x3FFE];
	[sflag:s23] =	ssyncadd.s32 $0xFFFFFFFF  }
0xa6: {  	s26 =	simm.s32 $execute0_lowered;
	[smem:$0x3FD2] =	sst s25  }
0xa7: {  	s6 =	sshll.u32 s26, $0x1;
	_ =	strace $0x80000046;
	[dreg:$0x1] =	wrdreg $0xFFFFFFFF  }
0xa8: {  	s28 =	simm.s32 $_size_execute0_lowered;
	s4 =	sadd.s32 s4, s6;
	[dreg:$0x0] =	wrdreg $0x0  }
0xa9: {  	s6 =	sshll.u32 s28, $0x1;
	[dreg:$0x2] =	wrdreg s4  }
0xaa: {  	[dreg:$0x3] =	wrdreg s6  }
0xab: {  	[dreg:$0x4] =	wrdreg $0xC0  }
0xac: {  	_ =	task [dreg:s8], $0x5FFFF  }
0xad: {  	[dreg:$0x1] =	wrdreg $0xFFFFFFFF  }
0xae: {  	[dreg:$0x0] =	wrdreg $0x60  }
0xaf: {  	[dreg:$0x2] =	wrdreg s18  }
0xb0: {  	[dreg:$0x3] =	wrdreg s2  }
0xb1: {  	[dreg:$0x4] =	wrdreg s24  }
0xb2: {  	[dreg:$0x5] =	wrdreg $0x9  }
0xb3: {  	_ =	task.clear_ibuf [dreg:s8], $0x6FFFF;
	_ =	strace $0x90000046  }
0xb4: {  	s29 =	simm.s32 $0x9;
	_ =	strace $0x80000048  }
0xb5: {  	_ =	swait.ge [sflag:s29], $0x1  }
0xb6: {  	[sflag:s29] =	ssyncadd.s32 $0xFFFFFFFF  }
0xb7: {  	_ =	strace $0x90000048  }
0xb8: {  	_ =	sfence  }
0xb9: {  	s30 =	sld [smem:$0x0];
	_ =	sdelay $0x2  }
0xba: {  	s31 =	sshll.u32 s1, $0xD;
	s1 =	sshrl.u32 s1, $0x2  }
0xbb: {  	s3 =	sand.u32 $0x4000, s31;
	s1 =	sadd.s32 s1, s30  }
0xbc: {  	s0 =	sor.u32 s3, s0;
	s1 =	sshll.u32 s1, $0x11  }
0xbd: {  	s0 =	sor.u32 s1, s0  }
0xbe: {  	s0 =	sadd.s32 $0x8F2B, s0  }
0xbf: {  	[sflag:s0] =	ssyncadd.remote.s32 $0x1  }
0xc0: {  	_ =	sfence.sel $0xFFFF  }
0xc1: {  	[dreg:$0x0] =	wrdreg $0xFFFFFFFF;
	(pc) =	sbr.abs _section_cstart, $3  }
0xc2: {  	[dreg:$0x1] =	wrdreg $0xFFFFFFFF  }
0xc3: {  	_ =	task.clear_ibuf [dreg:s8], $0x2FFFF;
	_ =	strace $0x9FFFFFFF  }
0xc4: {  	(tm) =	ssettm $0x7FFFFFFF  }
0xc5: {  	_ =	shalt  }
tec
execute0_lowered:
.L_overlay_start_1:
0x0: {  	(tag) =	ssettag $0x1  }
0x1: {  	s10 =	rddreg [dreg:$0x0]  }
0x2: {  	s0 =	rddreg [dreg:$0x1];
	s3 =	srdreg.scid  }
0x3: {  	v0 =	vlaneseq.u32;
	s11 =	rddreg [dreg:$0x2];
	s5 =	sand.u32 $0x1, s3;
	s3 =	simm.s32 $0x0  }
0x4: {  	v10 =	vor.u32 $0x1900, v0;
	[smem:$0x7FF] =	sst s3  }
0x5: {  	s1 =	rddreg [dreg:$0x3];
	v11 =	vadd.s32 $0x32, v0;
	_ =	strace $0x80000047;
	[tilespmem:$0x1FEF0] =	vst v10  }
0x6: {  	v12 =	vor.u32 $0x1910, v0;
	[tilespmem:$0x1FF00] =	vst v11  }
0x7: {  	v13 =	vadd.s32 $0x42, v0;
	[tilespmem:$0x1FF10] =	vst v12  }
0x8: {  	v14 =	vor.u32 $0x1920, v0;
	[tilespmem:$0x1FF20] =	vst v13  }
0x9: {  	v16 =	vadd.s32 $0x52, v0;
	[tilespmem:$0x1FF30] =	vst v14  }
0xa: {  	v3 =	vimm.s32 $0x77767574;
	v17 =	vor.u32 $0x4B00, v0;
	[tilespmem:$0x1FF40] =	vst v16  }
0xb: {  	v4 =	vimm.s32 $0x7B7A7978;
	vm0 =	vcmask $0xF00;
	v18 =	vadd.s32 $0x64, v0;
	[tilespmem:$0x1FF50] =	vst v17  }
0xc: {  	v5 =	vimm.s32 $0x7F7E7D7C;
	v3 =	vunpack.c.0.s8.s32 v3;
	v19 =	vor.u32 $0x4B10, v0;
	[tilespmem:$0x1FF60] =	vst v18  }
0xd: {  	vm11 =	vcmask $0x1F10;
	v4 =	vunpack.c.0.s8.s32 v4;
	v20 =	vor.u32 $0x4B20, v0;
	[tilespmem:$0x1FF70] =	vst v19  }
0xe: {  	v62 =	vand.u32 $0x7, v0;
	v21 =	vadd.s32 $0x404, v0;
	v3 =	vnsel vm0, $0x403, v3;
	[tilespmem:$0x1FF90] =	vst v20  }
0xf: {  	v63 =	vor.u32 $0x10, v0;
	[tilespmem:$0x1FFA0] =	vst v21;
	v3 =	vsel vm11, v4, v3;
	v4 =	vmul.u32 $0x80, v62  }
0x10: {  	s2 =	stileid.u32;
	v61 =	vor.u32 $0x20, v0;
	v5 =	vunpack.c.0.s8.s32 v5;
	[tilespmem:$0x1FFB0] =	vst v63  }
0x11: {  	vm12 =	vcmask $0x2F20;
	s13 =	simm.s32 $0x8000;
	s14 =	simm.s32 $0x5;
	s15 =	simm.s32 $0x8100;
	[tilespmem:$0x1FFF0] =	vst v61;
	v2 =	vor.u32 $0x30, v4  }
0x12: {  	vm13 =	vcmask $0x3330;
	s16 =	simm.s32 $0x4000;
	s17 =	simm.s32 $0x1;
	s18 =	simm.s32 $0xE500;
	v3 =	vsel vm12, v5, v3;
	v58 =	vor.u32 $0x62, v4;
	[tilespmem:$0x1FEB0] =	vst v2  }
0x13: {  	vm14 =	vcmask $0x3734;
	s19 =	simm.s32 $0x2;
	s20 =	simm.s32 $0x16500;
	s21 =	simm.s32 $0x3;
	v3 =	vsel vm13, $0x400, v3;
	v25 =	vor.u32 $0x416, v4;
	[tilespmem:$0x1FFD0] =	vst v58  }
0x14: {  	vm15 =	vcmask $0x3B38;
	s22 =	simm.s32 $0x4;
	s23 =	simm.s32 $0x0;
	s4 =	sshll.u32 s2, $0xA;
	v3 =	vsel vm14, $0x401, v3;
	v2 =	vor.u32 $0x31, v4;
	[tilespmem:$0x1FFE0] =	vst v25  }
.Ltmp0:
0x15: {  	s7 =	sadd.s32 $0x600, s11;
	s6 =	sshll.u32 s5, $0x9;
	v1 =	vsel vm15, $0x402, v3;
	v3 =	vor.u32 $0x63, v4;
	[tilespmem:$0x1FFC0] =	vst v2;
	(pc) =	sbr.rel .LBB2_1-.Ltmp0, $4  }
0x16: {  	s8 =	ssub.s32 $0x2, s5;
	s5 =	sadd.s32 $0x400, s11;
	s4 =	sor.u32 s6, s4;
	[tilespmem:$0x1FEC0] =	vst v3  }
0x17: {  	s11 =	sadd.s32 $0x1600, s11;
	s9 =	sshrl.u32 s8, $0x1;
	s6 =	sshll.u32 s4, $0x4;
	v3 =	vor.u32 $0x414, v4;
	[tilespmem:$0x1FF80] =	vst v1  }
0x18: {  	s12 =	ssub.s32 s8, s9;
	s9 =	sadd.s32 $0x1000, s10;
	s6 =	sadd.s32 s10, s6;
	[tilespmem:$0x1FED0] =	vst v3;
	v3 =	vor.u32 $0x415, v4  }
0x19: {  	s10 =	sadd.s32 $0x1800, s10;
	s12 =	smax.u32 s12, $0x1;
	s8 =	sadd.s32 $0x800, s6;
	[tilespmem:$0x1FEE0] =	vst v3  }
.LBB2_35:
0x1a: {  	_ =	swait.ge [sflag:s21], $0x8000  }
0x1b: {  	[sflag:s21] =	ssyncset.done $0x0  }
0x1c: {  	[sflag:s21] =	ssyncadd.s32 $0xFFFF8000  }
0x1d: {  	_ =	swait.ge [sflag:s22], $0x8000  }
0x1e: {  	[sflag:s22] =	ssyncset.done $0x0  }
0x1f: {  	s23 =	sadd.s32 $0x1, s23;
	[sflag:s22] =	ssyncadd.s32 $0xFFFF8000  }
0x20: {  	p0 =	sne.s32 s23, s12;
	_ =	swait.ge [sflag:s17], $0x4000  }
.Ltmp1:
0x21: {  	[sflag:s17] =	ssyncset.done $0x0;
	(pc) =	sbr.rel @!p0 .LBB2_36-.Ltmp1, $4  }
0x22: {  	[sflag:s17] =	ssyncadd.s32 $0xFFFFC000  }
0x23: {  	_ =	swait.ge [sflag:s19], $0x4000  }
0x24: {  	[sflag:s19] =	ssyncset.done $0x0  }
0x25: {  	[sflag:s19] =	ssyncadd.s32 $0xFFFFC000  }
.LBB2_1:
0x26: {  	[tilespmem:s3], [sflag:$0x1] =	stream.linear.gather [hbm4b:s6+s3], $0x4000, $0x38;
	[tilespmem:$0x1E500] =	vst v63  }
0x27: {  	_ = 	snop  }
0x28: {  	[tilespmem:s13], [sflag:$0x5] =	stream.linear.gather [hbm4b:s5+s3], $0x100, $0x38;
	[tilespmem:$0x1E500] =	vst v63  }
0x29: {  	_ =	swait.ge [sflag:s14], $0x100  }
0x2a: {  	[sflag:s14] =	ssyncset.done $0x0  }
0x2b: {  	[sflag:s14] =	ssyncadd.s32 $0xFFFFFF00  }
0x2c: {  	[tilespmem:s15], [sflag:$0x5] =	stream.linear.gather [hbm4b:s0+s3], $0x6400, $0x38;
	[tilespmem:$0x1E500] =	vst v63  }
0x2d: {  	_ =	swait.ge [sflag:s14], $0x6400  }
0x2e: {  	p2 =	por $0x1, $0x1;
	[sflag:s14] =	ssyncset.done $0x0  }
0x2f: {  	p1 =	por $0x0, $0x0;
	s24 =	simm.s32 $0x0;
	[sflag:s14] =	ssyncadd.s32 $0xFFFF9C00  }
0x30: {  	[tilespmem:s16], [sflag:$0x2] =	stream.linear.gather [hbm4b:s8+s3], $0x4000, $0x38;
	[tilespmem:$0x1E500] =	vst v63  }
.LBB2_2:
0x31: {  	s25 =	simm.s32 $0x0  }
0x32: {  	_ =	swait.ge [sflag:s17], $0x4000;
	s28 =	simm.s32 $0x1;
	v5 =	vmov s25  }
0x33: {  	[sflag:s17] =	ssyncset.done $0x0;
	v6 =	vmov s28;
	v4 =	vshll.u32 v5, $0x7  }
0x34: {  	s25 =	simm.s32 @p1 $0x3;
	[sflag:s17] =	ssyncadd.s32 $0xFFFFC000;
	v3 =	vshll.u32 v6, $0x7  }
0x35: {  	_ =	swait.ge @p1 [sflag:s25], $0x8000  }
0x36: {  	[sflag:s25] =	ssyncset.done @p1 $0x0  }
0x37: {  	[sflag:s25] =	ssyncadd.s32 @p1 $0xFFFF8000  }
0x38: {  	v7 =	vld.idx.msk [tilespmem:v4+s3+$0x0], $0xffff  }
0x39: {  	v8 =	vld.idx.msk [tilespmem:v3+s3+$0x0], $0xffff;
	_ =	sdelay $0x3  }
0x3a: {  	v7 =	vmul.u32 $0x32, v7  }
0x3b: {  	v8 =	vmul.u32 $0x32, v8  }
0x3c: {  	v9 =	vadd.s32 v0, v7  }
0x3d: {  	v15 =	vadd.s32 v0, v8  }
0x3e: {  	v5 =	vshll.u32 v5, $0x8  }
0x3f: {  	v6 =	vshll.u32 v6, $0x8;
	v5 =	vand.u32 $0x7800, v5;
	v22 =	vand.u32 $0x300, v4  }
0x40: {  	v6 =	vand.u32 $0x7800, v6;
	v38 =	vor.u32 v22, v5;
	v5 =	vand.u32 $0x380, v3  }
0x41: {  	v37 =	vor.u32 v5, v6;
	v6 =	vld.idx.msk [tilespmem:v9+s15+$0x0], $0xffff;
	v9 =	vor.u32 v0, v38  }
0x42: {  	s29 =	simm.s32 $0x2;
	v23 =	vor.u32 v0, v37;
	v22 =	vadd.s32 v63, v7;
	v15 =	vld.idx.msk [tilespmem:v15+s15+$0x0], $0xffff  }
0x43: {  	s30 =	simm.s32 $0x3;
	v25 =	vmov s29;
	v24 =	vadd.s32 v63, v8  }
0x44: {  	v26 =	vmov s30;
	v5 =	vshll.u32 v25, $0x7  }
0x45: {  	v32 =	vshll.u32 v26, $0x7  }
0x46: {  	[tilespmem:v9+s18+$0x0] =	vst.idx.msk $0xffff, v6  }
0x47: {  	v6 =	vor.u32 v63, v38;
	[tilespmem:v23+s18+$0x0] =	vst.idx.msk $0xffff, v15;
	v9 =	vld.idx.msk [tilespmem:v22+s15+$0x0], $0xffff  }
0x48: {  	v7 =	vadd.s32 v61, v7;
	v15 =	vor.u32 v63, v37;
	v22 =	vld.idx.msk [tilespmem:v24+s15+$0x0], $0xffff  }
0x49: {  	v8 =	vadd.s32 v61, v8;
	v23 =	vld.idx.msk [tilespmem:v5+s3+$0x0], $0xffff  }
0x4a: {  	v24 =	vld.idx.msk [tilespmem:v32+s3+$0x0], $0xffff;
	_ =	sdelay $0x1  }
0x4b: {  	[tilespmem:v6+s18+$0x0] =	vst.idx.msk $0xffff, v9  }
0x4c: {  	[tilespmem:v15+s18+$0x0] =	vst.idx.msk $0xffff, v22;
	v6 =	vld.idx.msk [tilespmem:v7+s15+$0x0], $0xffff;
	v7 =	vor.u32 v61, v38  }
0x4d: {  	v9 =	vmul.u32 $0x32, v23;
	v15 =	vor.u32 $0x1, v4;
	v22 =	vor.u32 v61, v37;
	v8 =	vld.idx.msk [tilespmem:v8+s15+$0x0], $0xffff  }
0x4e: {  	v27 =	vor.u32 $0x1, v3;
	v24 =	vmul.u32 $0x32, v24  }
0x4f: {  	v28 =	vadd.s32 v0, v9  }
0x50: {  	v29 =	vadd.s32 v0, v24  }
0x51: {  	v23 =	vshll.u32 v25, $0x8;
	[tilespmem:v7+s18+$0x0] =	vst.idx.msk $0xffff, v6  }
0x52: {  	v25 =	vshll.u32 v26, $0x8;
	v6 =	vand.u32 $0x7800, v23;
	v7 =	vand.u32 $0x300, v5;
	[tilespmem:v22+s18+$0x0] =	vst.idx.msk $0xffff, v8;
	v15 =	vld.idx.msk [tilespmem:v15+s3+$0x0], $0xffff  }
0x53: {  	v23 =	vor.u32 v7, v6;
	v6 =	vand.u32 $0x380, v32;
	v7 =	vand.u32 $0x7800, v25;
	v8 =	vld.idx.msk [tilespmem:v27+s3+$0x0], $0xffff  }
0x54: {  	v22 =	vor.u32 v6, v7;
	v6 =	vld.idx.msk [tilespmem:v28+s15+$0x0], $0xffff;
	v7 =	vor.u32 v0, v23  }
0x55: {  	s31 =	simm.s32 $0x4;
	v25 =	vld.idx.msk [tilespmem:v29+s15+$0x0], $0xffff;
	v27 =	vadd.s32 v63, v9;
	v28 =	vor.u32 v0, v22  }
0x56: {  	s26 =	simm.s32 $0x5;
	v30 =	vmov s31;
	v29 =	vadd.s32 v63, v24  }
0x57: {  	v33 =	vmov s26;
	v31 =	vshll.u32 v30, $0x7;
	v15 =	vmul.u32 $0x32, v15  }
0x58: {  	v26 =	vshll.u32 v33, $0x7;
	v8 =	vmul.u32 $0x32, v8  }
0x59: {  	[tilespmem:v7+s18+$0x0] =	vst.idx.msk $0xffff, v6;
	v6 =	vadd.s32 v10, v15  }
0x5a: {  	v7 =	vor.u32 v63, v23;
	v27 =	vld.idx.msk [tilespmem:v27+s15+$0x0], $0xffff;
	[tilespmem:v28+s18+$0x0] =	vst.idx.msk $0xffff, v25;
	v25 =	vadd.s32 v10, v8  }
0x5b: {  	v9 =	vadd.s32 v61, v9;
	v28 =	vor.u32 v63, v22;
	v29 =	vld.idx.msk [tilespmem:v29+s15+$0x0], $0xffff  }
0x5c: {  	v34 =	vld.idx.msk [tilespmem:v31+s3+$0x0], $0xffff;
	v24 =	vadd.s32 v61, v24  }
0x5d: {  	v35 =	vld.idx.msk [tilespmem:v26+s3+$0x0], $0xffff  }
0x5e: {  	v36 =	vor.u32 v11, v38;
	v6 =	vld.idx.msk [tilespmem:v6+s15+$0x0], $0xffff  }
0x5f: {  	[tilespmem:v7+s18+$0x0] =	vst.idx.msk $0xffff, v27;
	v7 =	vld.idx.msk [tilespmem:v25+s15+$0x0], $0xffff;
	v25 =	vadd.s32 v12, v15;
	v27 =	vor.u32 v11, v37  }
0x60: {  	v9 =	vld.idx.msk [tilespmem:v9+s15+$0x0], $0xffff;
	[tilespmem:v28+s18+$0x0] =	vst.idx.msk $0xffff, v29;
	v28 =	vor.u32 v61, v23;
	v29 =	vadd.s32 v12, v8  }
0x61: {  	v40 =	vor.u32 $0x1, v5;
	v34 =	vmul.u32 $0x32, v34;
	v41 =	vor.u32 v61, v22;
	v39 =	vld.idx.msk [tilespmem:v24+s15+$0x0], $0xffff  }
0x62: {  	v42 =	vor.u32 $0x1, v32;
	v35 =	vmul.u32 $0x32, v35  }
0x63: {  	s28 =	simm.s32 $0x6;
	v24 =	vshll.u32 v30, $0x8;
	v30 =	vadd.s32 v0, v34;
	[tilespmem:v36+s18+$0x0] =	vst.idx.msk $0xffff, v6  }
0x64: {  	v56 =	vmov s28;
	v15 =	vadd.s32 v14, v15;
	v6 =	vadd.s32 v0, v35;
	[tilespmem:v27+s18+$0x0] =	vst.idx.msk $0xffff, v7;
	v36 =	vld.idx.msk [tilespmem:v25+s15+$0x0], $0xffff  }
0x65: {  	v24 =	vand.u32 $0x7800, v24;
	v7 =	vor.u32 v13, v38;
	v25 =	vand.u32 $0x300, v31;
	[tilespmem:v28+s18+$0x0] =	vst.idx.msk $0xffff, v9;
	v9 =	vld.idx.msk [tilespmem:v29+s15+$0x0], $0xffff  }
0x66: {  	v55 =	vor.u32 $0x2, v4;
	v24 =	vor.u32 v25, v24;
	v25 =	vshll.u32 v33, $0x8;
	v27 =	vld.idx.msk [tilespmem:v40+s3+$0x0], $0xffff;
	[tilespmem:v41+s18+$0x0] =	vst.idx.msk $0xffff, v39  }
0x67: {  	v28 =	vand.u32 $0x380, v26;
	v29 =	vor.u32 v13, v37;
	v25 =	vand.u32 $0x7800, v25;
	v51 =	vld.idx.msk [tilespmem:v42+s3+$0x0], $0xffff  }
0x68: {  	v4 =	vshll.u32 v56, $0x7;
	v25 =	vor.u32 v28, v25;
	v28 =	vld.idx.msk [tilespmem:v30+s15+$0x0], $0xffff;
	v30 =	vor.u32 v0, v24  }
0x69: {  	v8 =	vadd.s32 v14, v8;
	v6 =	vld.idx.msk [tilespmem:v6+s15+$0x0], $0xffff;
	v52 =	vor.u32 v0, v25  }
0x6a: {  	[tilespmem:v7+s18+$0x0] =	vst.idx.msk $0xffff, v36;
	v7 =	vadd.s32 v63, v34  }
0x6b: {  	s29 =	simm.s32 $0x7;
	v54 =	vor.u32 v16, v38;
	v53 =	vadd.s32 v63, v35;
	v15 =	vld.idx.msk [tilespmem:v15+s15+$0x0], $0xffff  }
0x6c: {  	[tilespmem:v29+s18+$0x0] =	vst.idx.msk $0xffff, v9;
	v9 =	vmov s29;
	v43 =	vmul.u32 $0x32, v27  }
0x6d: {  	v59 =	vld.idx.msk [tilespmem:v4+s3+$0x0], $0xffff;
	v29 =	vshll.u32 v9, $0x7;
	[tilespmem:v30+s18+$0x0] =	vst.idx.msk $0xffff, v28;
	v28 =	vmul.u32 $0x32, v51  }
0x6e: {  	v8 =	vld.idx.msk [tilespmem:v8+s15+$0x0], $0xffff;
	[tilespmem:v52+s18+$0x0] =	vst.idx.msk $0xffff, v6;
	v6 =	vadd.s32 v10, v43  }
0x6f: {  	v27 =	vor.u32 v63, v24;
	v7 =	vld.idx.msk [tilespmem:v7+s15+$0x0], $0xffff;
	v33 =	vadd.s32 v10, v28  }
0x70: {  	v34 =	vadd.s32 v61, v34;
	v30 =	vld.idx.msk [tilespmem:v53+s15+$0x0], $0xffff;
	[tilespmem:v54+s18+$0x0] =	vst.idx.msk $0xffff, v15;
	v15 =	vor.u32 v63, v25  }
0x71: {  	v58 =	vor.u32 v16, v37;
	v35 =	vadd.s32 v61, v35;
	v57 =	vld.idx.msk [tilespmem:v55+s3+$0x0], $0xffff  }
0x72: {  	v3 =	vor.u32 $0x2, v3;
	v45 =	vor.u32 v11, v23;
	v60 =	vld.idx.msk [tilespmem:v29+s3+$0x0], $0xffff  }
0x73: {  	v62 =	vor.u32 v11, v22;
	v40 =	vmul.u32 $0x32, v59;
	v52 =	vshll.u32 v56, $0x8;
	v6 =	vld.idx.msk [tilespmem:v6+s15+$0x0], $0xffff  }
0x74: {  	v47 =	vadd.s32 v12, v28;
	[tilespmem:v27+s18+$0x0] =	vst.idx.msk $0xffff, v7;
	v7 =	vld.idx.msk [tilespmem:v33+s15+$0x0], $0xffff;
	v27 =	vadd.s32 v12, v43  }
0x75: {  	v53 =	vor.u32 v61, v25;
	v46 =	vld.idx.msk [tilespmem:v34+s15+$0x0], $0xffff;
	[tilespmem:v15+s18+$0x0] =	vst.idx.msk $0xffff, v30;
	v15 =	vor.u32 v61, v24  }
0x76: {  	[tilespmem:v58+s18+$0x0] =	vst.idx.msk $0xffff, v8;
	v34 =	vor.u32 $0x2, v31;
	v31 =	vor.u32 $0x1, v31;
	v8 =	vld.idx.msk [tilespmem:v35+s15+$0x0], $0xffff;
	v39 =	vmul.u32 $0x32, v57  }
0x77: {  	v9 =	vshll.u32 v9, $0x8;
	v54 =	vor.u32 $0x1, v26;
	v3 =	vld.idx.msk [tilespmem:v3+s3+$0x0], $0xffff;
	v35 =	vand.u32 $0x7800, v52  }
0x78: {  	[tilespmem:v45+s18+$0x0] =	vst.idx.msk $0xffff, v6;
	v6 =	vand.u32 $0x300, v4;
	v45 =	vmul.u32 $0x32, v60;
	v55 =	vadd.s32 v17, v39  }
0x79: {  	v48 =	vld.idx.msk [tilespmem:v27+s15+$0x0], $0xffff;
	[tilespmem:v62+s18+$0x0] =	vst.idx.msk $0xffff, v7;
	v27 =	vor.u32 v6, v35;
	v6 =	vadd.s32 v0, v40  }
0x7a: {  	v56 =	vor.u32 v13, v23;
	[tilespmem:v15+s18+$0x0] =	vst.idx.msk $0xffff, v46;
	v7 =	vld.idx.msk [tilespmem:v47+s15+$0x0], $0xffff;
	v15 =	vadd.s32 v0, v45  }
0x7b: {  	v57 =	vor.u32 v13, v22;
	v31 =	vld.idx.msk [tilespmem:v31+s3+$0x0], $0xffff;
	[tilespmem:v53+s18+$0x0] =	vst.idx.msk $0xffff, v8;
	v8 =	vadd.s32 v14, v43  }
0x7c: {  	v9 =	vand.u32 $0x7800, v9;
	v58 =	vand.u32 $0x380, v29;
	v3 =	vmul.u32 $0x32, v3;
	v42 =	vld.idx.msk [tilespmem:v54+s3+$0x0], $0xffff  }
0x7d: {  	v59 =	vadd.s32 v14, v28;
	v28 =	vor.u32 v58, v9;
	v9 =	vld.idx.msk [tilespmem:v55+s15+$0x0], $0xffff  }
0x7e: {  	v5 =	vor.u32 $0x2, v5;
	v46 =	vor.u32 v18, v38;
	v47 =	vadd.s32 v17, v3;
	v6 =	vld.idx.msk [tilespmem:v6+s15+$0x0], $0xffff  }
0x7f: {  	v50 =	vadd.s32 v19, v39;
	v49 =	vor.u32 v0, v27;
	[tilespmem:v56+s18+$0x0] =	vst.idx.msk $0xffff, v48;
	v15 =	vld.idx.msk [tilespmem:v15+s15+$0x0], $0xffff  }
0x80: {  	s30 =	simm.s32 $0x8;
	v60 =	vadd.s32 v63, v40;
	v62 =	vor.u32 v0, v28;
	[tilespmem:v57+s18+$0x0] =	vst.idx.msk $0xffff, v7;
	v8 =	vld.idx.msk [tilespmem:v8+s15+$0x0], $0xffff  }
0x81: {  	s31 =	simm.s32 $0x9;
	v51 =	vor.u32 v16, v23;
	v54 =	vmov s30;
	v7 =	vadd.s32 v63, v45;
	v2 =	vld [tilespmem:$0x1FF80]  }
0x82: {  	v44 =	vor.u32 v16, v22;
	v41 =	vshll.u32 v54, $0x7;
	v55 =	vmov s31;
	v43 =	vld.idx.msk [tilespmem:v59+s15+$0x0], $0xffff  }
0x83: {  	v53 =	vor.u32 v18, v37;
	v36 =	vshll.u32 v55, $0x7;
	v56 =	vmul.u32 $0x32, v31;
	[tilespmem:v46+s18+$0x0] =	vst.idx.msk $0xffff, v9;
	v9 =	vld.idx.msk [tilespmem:v47+s15+$0x0], $0xffff  }
0x84: {  	v31 =	vshll.u32 v54, $0x8;
	v46 =	vor.u32 v63, v27;
	[tilespmem:v49+s18+$0x0] =	vst.idx.msk $0xffff, v6;
	v49 =	vmul.u32 $0x32, v42;
	v6 =	vld.idx.msk [tilespmem:v50+s15+$0x0], $0xffff  }
0x85: {  	v42 =	vor.u32 v63, v28;
	v57 =	vld.idx.msk [tilespmem:v60+s15+$0x0], $0xffff;
	[tilespmem:v62+s18+$0x0] =	vst.idx.msk $0xffff, v15;
	v15 =	vadd.s32 v10, v56  }
0x86: {  	v7 =	vld.idx.msk [tilespmem:v7+s15+$0x0], $0xffff;
	v58 =	vadd.s32 v10, v49;
	[tilespmem:v51+s18+$0x0] =	vst.idx.msk $0xffff, v8;
	v8 =	vand.u32 $0x7800, v31;
	v31 =	vand.u32 $0x300, v41  }
0x87: {  	v1 =	vmovc v61;
	v62 =	vor.u32 $0x2, v32;
	v51 =	vld.idx.msk [tilespmem:v41+s3+$0x0], $0xffff;
	v31 =	vor.u32 v31, v8;
	v8 =	vshll.u32 v55, $0x8  }
0x88: {  	v59 =	vadd.s32 v61, v40;
	v60 =	vand.u32 $0x380, v36;
	[tilespmem:v44+s18+$0x0] =	vst.idx.msk $0xffff, v43;
	v43 =	vld.idx.msk [tilespmem:v36+s3+$0x0], $0xffff;
	v8 =	vand.u32 $0x7800, v8  }
0x89: {  	v45 =	vadd.s32 v61, v45;
	v52 =	vor.u32 v2, v38;
	v5 =	vld.idx.msk [tilespmem:v5+s3+$0x0], $0xffff;
	v32 =	vor.u32 v60, v8  }
0x8a: {  	v8 =	vld.idx.msk [tilespmem:v15+s15+$0x0], $0xffff;
	v15 =	vadd.s32 v19, v3;
	[tilespmem:v46+s18+$0x0] =	vst.idx.msk $0xffff, v57;
	v46 =	vor.u32 v11, v24  }
0x8b: {  	v33 =	vor.u32 v16, v28;
	v48 =	vadd.s32 v20, v39;
	v54 =	vor.u32 v11, v25;
	v47 =	vld.idx.msk [tilespmem:v58+s15+$0x0], $0xffff  }
0x8c: {  	v35 =	vor.u32 $0x2, v4;
	v4 =	vor.u32 $0x1, v4;
	v44 =	vld.idx.msk [tilespmem:v62+s3+$0x0], $0xffff;
	[tilespmem:v42+s18+$0x0] =	vst.idx.msk $0xffff, v7;
	v7 =	vadd.s32 v12, v56  }
0x8d: {  	[tilespmem:v53+s18+$0x0] =	vst.idx.msk $0xffff, v9;
	v60 =	vor.u32 v61, v27;
	v57 =	vadd.s32 v12, v49;
	v50 =	vld.idx.msk [tilespmem:v59+s15+$0x0], $0xffff  }
0x8e: {  	v9 =	vor.u32 v61, v28;
	v62 =	vor.u32 $0x1, v29;
	[tilespmem:v52+s18+$0x0] =	vst.idx.msk $0xffff, v6;
	v6 =	vmul.u32 $0x32, v43;
	v45 =	vld.idx.msk [tilespmem:v45+s15+$0x0], $0xffff  }
0x8f: {  	v39 =	vmul.u32 $0x32, v5;
	v5 =	vmul.u32 $0x32, v51;
	v51 =	vor.u32 v2, v37;
	v15 =	vld.idx.msk [tilespmem:v15+s15+$0x0], $0xffff;
	[tilespmem:v46+s18+$0x0] =	vst.idx.msk $0xffff, v8  }
0x90: {  	v48 =	vld.idx.msk [tilespmem:v48+s15+$0x0], $0xffff;
	v58 =	vadd.s32 v0, v6;
	[tilespmem:v54+s18+$0x0] =	vst.idx.msk $0xffff, v47;
	v54 =	vor.u32 v21, v38  }
0x91: {  	v30 =	vor.u32 v16, v25;
	v55 =	vor.u32 v13, v24;
	v52 =	vadd.s32 v0, v5;
	v53 =	vld.idx.msk [tilespmem:v7+s15+$0x0], $0xffff  }
0x92: {  	v8 =	vadd.s32 v17, v39;
	[tilespmem:v60+s18+$0x0] =	vst.idx.msk $0xffff, v50;
	v60 =	vor.u32 v13, v25;
	v57 =	vld.idx.msk [tilespmem:v57+s15+$0x0], $0xffff  }
0x93: {  	v42 =	vor.u32 v16, v32;
	v47 =	vld.idx.msk [tilespmem:v4+s3+$0x0], $0xffff;
	[tilespmem:v9+s18+$0x0] =	vst.idx.msk $0xffff, v45;
	v45 =	vadd.s32 v14, v56  }
0x94: {  	v40 =	vor.u32 $0x2, v41;
	v38 =	vmul.u32 $0x32, v44;
	v46 =	vld.idx.msk [tilespmem:v62+s3+$0x0], $0xffff;
	v62 =	vadd.s32 v14, v49;
	[tilespmem:v51+s18+$0x0] =	vst.idx.msk $0xffff, v15  }
0x95: {  	v7 =	vadd.s32 v20, v3;
	v3 =	vor.u32 v21, v37;
	v50 =	vld.idx.msk [tilespmem:v58+s15+$0x0], $0xffff;
	[tilespmem:v54+s18+$0x0] =	vst.idx.msk $0xffff, v48  }
0x96: {  	s25 =	simm.s32 @!p2 $0x0;
	v37 =	vadd.s32 v19, v39;
	v4 =	vor.u32 v2, v23;
	v49 =	vld.idx.msk [tilespmem:v52+s15+$0x0], $0xffff;
	[tilespmem:v55+s18+$0x0] =	vst.idx.msk $0xffff, v53  }
0x97: {  	s25 =	simm.s32 @p2 $0x1;
	v44 =	vadd.s32 v17, v38;
	v9 =	vld.idx.msk [tilespmem:v8+s15+$0x0], $0xffff;
	v15 =	vor.u32 v18, v23;
	[tilespmem:v60+s18+$0x0] =	vst.idx.msk $0xffff, v57  }
0x98: {  	v52 =	vadd.s32 v63, v5;
	v51 =	vor.u32 v0, v31;
	v8 =	vor.u32 v18, v22;
	v45 =	vld.idx.msk [tilespmem:v45+s15+$0x0], $0xffff;
	[smem:$0x7FD] =	sst s25  }
0x99: {  	s24 =	sor.u32 s4, s24;
	v53 =	vor.u32 v0, v32;
	v54 =	vadd.s32 v63, v6;
	v48 =	vor.u32 v16, v24;
	s25 =	simm.s32 $0xA;
	v43 =	vld.idx.msk [tilespmem:v62+s15+$0x0], $0xffff  }
.LBB2_3:
0x9a: {  	v55 =	vmov s25;
	v56 =	vor.u32 v63, v31;
	v57 =	vor.u32 v63, v32;
	v58 =	vmovc v31;
	v59 =	vmovc v40  }
0x9b: {  	s26 =	sadd.s32 $0x1, s25;
	p2 =	slt.u32 s25, $0x7E;
	s25 =	sadd.s32 $0x2, s25;
	v7 =	vld.idx.msk [tilespmem:v7+s15+$0x0], $0xffff;
	v60 =	vmovc v22;
	v22 =	vmovc v25;
	v25 =	vmov v28;
	v28 =	vmov v32;
	v32 =	vmov v30  }
0x9c: {  	v62 =	vmul.u32 $0x32, v47;
	v30 =	vmovc v33;
	v33 =	vmovc v42;
	v61 =	vshll.u32 v55, $0x7;
	v40 =	vmov s26;
	[tilespmem:v15+s18+$0x0] =	vst.idx.msk $0xffff, v9;
	v9 =	vld.idx.msk [tilespmem:v44+s15+$0x0], $0xffff  }
0x9d: {  	v15 =	vshll.u32 v55, $0x8;
	v44 =	vshll.u32 v40, $0x7;
	[tilespmem:v51+s18+$0x0] =	vst.idx.msk $0xffff, v49;
	v49 =	vmul.u32 $0x32, v46;
	v37 =	vld.idx.msk [tilespmem:v37+s15+$0x0], $0xffff  }
0x9e: {  	v15 =	vand.u32 $0x7800, v15;
	v31 =	vand.u32 $0x300, v61;
	v47 =	vadd.s32 v10, v62;
	v46 =	vld.idx.msk [tilespmem:v52+s15+$0x0], $0xffff;
	[tilespmem:v53+s18+$0x0] =	vst.idx.msk $0xffff, v50  }
0x9f: {  	v31 =	vor.u32 v31, v15;
	v15 =	vld.idx.msk [tilespmem:v54+s15+$0x0], $0xffff;
	v50 =	vadd.s32 v10, v49;
	[tilespmem:v48+s18+$0x0] =	vst.idx.msk $0xffff, v45  }
0xa0: {  	v5 =	vadd.s32 v1, v5;
	v42 =	vshll.u32 v40, $0x8;
	v45 =	vand.u32 $0x380, v44;
	v34 =	vld.idx.msk [tilespmem:v34+s3+$0x0], $0xffff;
	[tilespmem:v32+s18+$0x0] =	vst.idx.msk $0xffff, v43  }
0xa1: {  	v6 =	vadd.s32 v1, v6;
	v40 =	vor.u32 $0x2, v61;
	v32 =	vand.u32 $0x7800, v42;
	v43 =	vld.idx.msk [tilespmem:v61+s3+$0x0], $0xffff;
	[tilespmem:v3+s18+$0x0] =	vst.idx.msk $0xffff, v7  }
0xa2: {  	v32 =	vor.u32 v45, v32;
	v7 =	vor.u32 $0x2, v26;
	v26 =	vmov v29;
	v3 =	vld.idx.msk [tilespmem:v44+s3+$0x0], $0xffff;
	[tilespmem:v8+s18+$0x0] =	vst.idx.msk $0xffff, v9  }
0xa3: {  	v42 =	vor.u32 v16, v32;
	v8 =	vld.idx.msk [tilespmem:v47+s15+$0x0], $0xffff;
	[tilespmem:v4+s18+$0x0] =	vst.idx.msk $0xffff, v37;
	v4 =	vadd.s32 v19, v38  }
0xa4: {  	v45 =	vadd.s32 v20, v39;
	v9 =	vor.u32 v11, v27;
	[tilespmem:v56+s18+$0x0] =	vst.idx.msk $0xffff, v46;
	v37 =	vld.idx.msk [tilespmem:v50+s15+$0x0], $0xffff  }
0xa5: {  	v47 =	vor.u32 v11, v25;
	v46 =	vld.idx.msk [tilespmem:v5+s15+$0x0], $0xffff;
	[tilespmem:v57+s18+$0x0] =	vst.idx.msk $0xffff, v15;
	v15 =	vadd.s32 v12, v62  }
0xa6: {  	v48 =	vor.u32 v1, v58;
	v51 =	vadd.s32 v12, v49;
	v29 =	vmovc v36;
	v39 =	vmul.u32 $0x32, v34;
	v50 =	vld.idx.msk [tilespmem:v6+s15+$0x0], $0xffff  }
0xa7: {  	v52 =	vor.u32 v1, v28;
	v36 =	vmovc v44;
	v5 =	vmul.u32 $0x32, v43;
	v43 =	vor.u32 $0x1, v41;
	v41 =	vmovc v61;
	v53 =	vld.idx.msk [tilespmem:v7+s3+$0x0], $0xffff  }
0xa8: {  	v54 =	vor.u32 v2, v60;
	v34 =	vmovc v35;
	v35 =	vmovc v59;
	v6 =	vmul.u32 $0x32, v3;
	v3 =	vor.u32 $0x1, v29;
	v44 =	vld.idx.msk [tilespmem:v4+s15+$0x0], $0xffff  }
0xa9: {  	v55 =	vadd.s32 v0, v5;
	v4 =	vadd.s32 v17, v39;
	[tilespmem:v9+s18+$0x0] =	vst.idx.msk $0xffff, v8;
	v8 =	vld.idx.msk [tilespmem:v45+s15+$0x0], $0xffff  }
0xaa: {  	v45 =	vadd.s32 v0, v6;
	v56 =	vld.idx.msk [tilespmem:v15+s15+$0x0], $0xffff;
	[tilespmem:v47+s18+$0x0] =	vst.idx.msk $0xffff, v37;
	v37 =	vor.u32 v21, v23  }
0xab: {  	v23 =	vmov v24;
	v24 =	vmov v27;
	[tilespmem:v48+s18+$0x0] =	vst.idx.msk $0xffff, v46;
	v48 =	vor.u32 v13, v27;
	v57 =	vld.idx.msk [tilespmem:v51+s15+$0x0], $0xffff  }
0xac: {  	v59 =	vor.u32 v13, v25;
	v47 =	vld.idx.msk [tilespmem:v43+s3+$0x0], $0xffff;
	[tilespmem:v52+s18+$0x0] =	vst.idx.msk $0xffff, v50;
	v43 =	vadd.s32 v14, v62  }
0xad: {  	v61 =	vadd.s32 v14, v49;
	v7 =	vadd.s32 v20, v38;
	v27 =	vmovc v58;
	v38 =	vmul.u32 $0x32, v53;
	v46 =	vld.idx.msk [tilespmem:v3+s3+$0x0], $0xffff  }
.Ltmp2:
0xae: {  	v3 =	vor.u32 v21, v60;
	v9 =	vld.idx.msk [tilespmem:v4+s15+$0x0], $0xffff;
	v4 =	vor.u32 v2, v23;
	[tilespmem:v54+s18+$0x0] =	vst.idx.msk $0xffff, v44;
	(pc) =	sbr.rel @p2 .LBB2_3-.Ltmp2, $4  }
0xaf: {  	v15 =	vor.u32 v18, v23;
	v44 =	vadd.s32 v17, v38;
	v49 =	vld.idx.msk [tilespmem:v55+s15+$0x0], $0xffff;
	[tilespmem:v37+s18+$0x0] =	vst.idx.msk $0xffff, v8  }
0xb0: {  	v51 =	vor.u32 v0, v31;
	v37 =	vadd.s32 v19, v39;
	v50 =	vld.idx.msk [tilespmem:v45+s15+$0x0], $0xffff;
	[tilespmem:v48+s18+$0x0] =	vst.idx.msk $0xffff, v56  }
0xb1: {  	v52 =	vadd.s32 v63, v5;
	v53 =	vor.u32 v0, v32;
	v45 =	vld.idx.msk [tilespmem:v43+s15+$0x0], $0xffff;
	[tilespmem:v59+s18+$0x0] =	vst.idx.msk $0xffff, v57  }
0xb2: {  	v54 =	vadd.s32 v63, v6;
	v8 =	vor.u32 v18, v22;
	v48 =	vor.u32 v16, v24;
	v43 =	vld.idx.msk [tilespmem:v61+s15+$0x0], $0xffff  }
0xb3: {  	_ =	sdelay $0x3  }
0xb4: {  	[tilespmem:v51+s18+$0x0] =	vst.idx.msk $0xffff, v49  }
0xb5: {  	v60 =	vor.u32 v63, v31;
	v51 =	vld.idx.msk [tilespmem:v52+s15+$0x0], $0xffff;
	[tilespmem:v53+s18+$0x0] =	vst.idx.msk $0xffff, v50  }
0xb6: {  	v61 =	vor.u32 v63, v32;
	v5 =	vadd.s32 v1, v5;
	v62 =	vld.idx.msk [tilespmem:v54+s15+$0x0], $0xffff  }
0xb7: {  	v6 =	vadd.s32 v1, v6;
	_ =	sdelay $0x2  }
0xb8: {  	[tilespmem:v60+s18+$0x0] =	vst.idx.msk $0xffff, v51  }
0xb9: {  	v55 =	vor.u32 v1, v31;
	v5 =	vld.idx.msk [tilespmem:v5+s15+$0x0], $0xffff;
	[tilespmem:v61+s18+$0x0] =	vst.idx.msk $0xffff, v62  }
0xba: {  	v41 =	vor.u32 $0x1, v41;
	v56 =	vor.u32 v1, v32;
	v6 =	vld.idx.msk [tilespmem:v6+s15+$0x0], $0xffff  }
0xbb: {  	v57 =	vor.u32 $0x1, v36;
	_ =	sdelay $0x2  }
0xbc: {  	[tilespmem:v55+s18+$0x0] =	vst.idx.msk $0xffff, v5  }
0xbd: {  	v5 =	vld.idx.msk [tilespmem:v41+s3+$0x0], $0xffff;
	[tilespmem:v56+s18+$0x0] =	vst.idx.msk $0xffff, v6  }
0xbe: {  	v6 =	vld.idx.msk [tilespmem:v57+s3+$0x0], $0xffff;
	_ =	sdelay $0x1  }
0xbf: {  	v41 =	vmul.u32 $0x32, v47  }
0xc0: {  	v46 =	vmul.u32 $0x32, v46  }
0xc1: {  	v47 =	vadd.s32 v10, v41;
	v5 =	vmul.u32 $0x32, v5  }
0xc2: {  	v58 =	vadd.s32 v10, v46;
	v6 =	vmul.u32 $0x32, v6  }
0xc3: {  	v59 =	vadd.s32 v10, v5  }
0xc4: {  	v51 =	vadd.s32 v10, v6;
	_ =	sdelay $0x1  }
0xc5: {  	v61 =	vor.u32 v11, v27;
	v47 =	vld.idx.msk [tilespmem:v47+s15+$0x0], $0xffff  }
0xc6: {  	v49 =	vld.idx.msk [tilespmem:v58+s15+$0x0], $0xffff;
	v60 =	vor.u32 v11, v28;
	v62 =	vadd.s32 v12, v41  }
0xc7: {  	v55 =	vadd.s32 v12, v46;
	v56 =	vor.u32 v11, v31;
	v50 =	vld.idx.msk [tilespmem:v59+s15+$0x0], $0xffff  }
0xc8: {  	v58 =	vor.u32 v11, v32;
	v57 =	vadd.s32 v12, v5;
	v51 =	vld.idx.msk [tilespmem:v51+s15+$0x0], $0xffff  }
0xc9: {  	v59 =	vadd.s32 v12, v6  }
0xca: {  	[tilespmem:v61+s18+$0x0] =	vst.idx.msk $0xffff, v47  }
0xcb: {  	[tilespmem:v60+s18+$0x0] =	vst.idx.msk $0xffff, v49;
	v49 =	vor.u32 v13, v27;
	v47 =	vld.idx.msk [tilespmem:v62+s15+$0x0], $0xffff  }
0xcc: {  	v41 =	vadd.s32 v14, v41;
	v61 =	vld.idx.msk [tilespmem:v55+s15+$0x0], $0xffff;
	v62 =	vor.u32 v13, v28;
	[tilespmem:v56+s18+$0x0] =	vst.idx.msk $0xffff, v50  }
0xcd: {  	v46 =	vadd.s32 v14, v46;
	v57 =	vld.idx.msk [tilespmem:v57+s15+$0x0], $0xffff;
	[tilespmem:v58+s18+$0x0] =	vst.idx.msk $0xffff, v51;
	v58 =	vor.u32 v13, v31  }
0xce: {  	v60 =	vor.u32 v13, v32;
	v5 =	vadd.s32 v14, v5;
	v59 =	vld.idx.msk [tilespmem:v59+s15+$0x0], $0xffff  }
0xcf: {  	v44 =	vld.idx.msk [tilespmem:v44+s15+$0x0], $0xffff;
	[tilespmem:v48+s18+$0x0] =	vst.idx.msk $0xffff, v45;
	v6 =	vadd.s32 v14, v6  }
0xd0: {  	v34 =	vld.idx.msk [tilespmem:v34+s3+$0x0], $0xffff;
	[tilespmem:v49+s18+$0x0] =	vst.idx.msk $0xffff, v47  }
0xd1: {  	v26 =	vor.u32 $0x2, v26;
	[tilespmem:v62+s18+$0x0] =	vst.idx.msk $0xffff, v61;
	v61 =	vor.u32 v16, v27;
	v41 =	vld.idx.msk [tilespmem:v41+s15+$0x0], $0xffff  }
0xd2: {  	v46 =	vld.idx.msk [tilespmem:v46+s15+$0x0], $0xffff;
	[tilespmem:v58+s18+$0x0] =	vst.idx.msk $0xffff, v57  }
0xd3: {  	v29 =	vor.u32 $0x2, v29;
	v62 =	vor.u32 v16, v31;
	[tilespmem:v60+s18+$0x0] =	vst.idx.msk $0xffff, v59;
	v5 =	vld.idx.msk [tilespmem:v5+s15+$0x0], $0xffff  }
0xd4: {  	[tilespmem:v15+s18+$0x0] =	vst.idx.msk $0xffff, v9;
	v6 =	vld.idx.msk [tilespmem:v6+s15+$0x0], $0xffff  }
0xd5: {  	v15 =	vor.u32 $0x2, v36;
	v9 =	vld.idx.msk [tilespmem:v37+s15+$0x0], $0xffff;
	[tilespmem:v30+s18+$0x0] =	vst.idx.msk $0xffff, v43  }
0xd6: {  	v30 =	vadd.s32 v19, v38;
	v26 =	vld.idx.msk [tilespmem:v26+s3+$0x0], $0xffff;
	[tilespmem:v61+s18+$0x0] =	vst.idx.msk $0xffff, v41  }
0xd7: {  	[tilespmem:v33+s18+$0x0] =	vst.idx.msk $0xffff, v46;
	v48 =	vld.idx.msk [tilespmem:v35+s3+$0x0], $0xffff  }
0xd8: {  	v29 =	vld.idx.msk [tilespmem:v29+s3+$0x0], $0xffff;
	[tilespmem:v62+s18+$0x0] =	vst.idx.msk $0xffff, v5  }
0xd9: {  	v49 =	vmul.u32 $0x32, v34;
	v50 =	vld.idx.msk [tilespmem:v40+s3+$0x0], $0xffff;
	[tilespmem:v42+s18+$0x0] =	vst.idx.msk $0xffff, v6  }
0xda: {  	[tilespmem:v8+s18+$0x0] =	vst.idx.msk $0xffff, v44;
	v51 =	vadd.s32 v20, v39;
	v8 =	vld.idx.msk [tilespmem:v15+s3+$0x0], $0xffff  }
0xdb: {  	v26 =	vmul.u32 $0x32, v26;
	v52 =	vadd.s32 v17, v49;
	v15 =	vld.idx.msk [tilespmem:v30+s15+$0x0], $0xffff;
	v30 =	vor.u32 v2, v22  }
0xdc: {  	v53 =	vadd.s32 v20, v38;
	v33 =	vmul.u32 $0x32, v48  }
0xdd: {  	v54 =	vadd.s32 v17, v26;
	v29 =	vmul.u32 $0x32, v29  }
0xde: {  	v7 =	vld.idx.msk [tilespmem:v7+s15+$0x0], $0xffff;
	[tilespmem:v4+s18+$0x0] =	vst.idx.msk $0xffff, v9;
	v55 =	vadd.s32 v17, v33;
	v9 =	vmul.u32 $0x32, v50  }
0xdf: {  	v23 =	vor.u32 v21, v23;
	v6 =	vld.idx.msk [tilespmem:v51+s15+$0x0], $0xffff;
	v56 =	vadd.s32 v17, v29;
	v8 =	vmul.u32 $0x32, v8  }
0xe0: {  	v35 =	vld.idx.msk [tilespmem:v52+s15+$0x0], $0xffff;
	[tilespmem:v30+s18+$0x0] =	vst.idx.msk $0xffff, v15;
	v15 =	vor.u32 v18, v24;
	v30 =	vadd.s32 v17, v9  }
0xe1: {  	v22 =	vor.u32 v21, v22;
	v36 =	vld.idx.msk [tilespmem:v53+s15+$0x0], $0xffff;
	v57 =	vadd.s32 v17, v8  }
0xe2: {  	v37 =	vld.idx.msk [tilespmem:v54+s15+$0x0], $0xffff;
	v58 =	vadd.s32 v19, v49;
	v59 =	vor.u32 v18, v25  }
0xe3: {  	[tilespmem:v3+s18+$0x0] =	vst.idx.msk $0xffff, v7;
	v3 =	vadd.s32 v19, v26;
	v60 =	vor.u32 v18, v27;
	v4 =	vld.idx.msk [tilespmem:v55+s15+$0x0], $0xffff  }
0xe4: {  	v61 =	vadd.s32 v19, v33;
	[tilespmem:v23+s18+$0x0] =	vst.idx.msk $0xffff, v6;
	v23 =	vor.u32 v18, v28;
	v34 =	vld.idx.msk [tilespmem:v56+s15+$0x0], $0xffff  }
0xe5: {  	v62 =	vor.u32 v18, v31;
	[tilespmem:v15+s18+$0x0] =	vst.idx.msk $0xffff, v35;
	v15 =	vadd.s32 v19, v29;
	v30 =	vld.idx.msk [tilespmem:v30+s15+$0x0], $0xffff  }
0xe6: {  	v44 =	vor.u32 v18, v32;
	[tilespmem:v22+s18+$0x0] =	vst.idx.msk $0xffff, v36;
	v22 =	vadd.s32 v19, v9;
	v38 =	vld.idx.msk [tilespmem:v57+s15+$0x0], $0xffff  }
0xe7: {  	v45 =	vor.u32 v2, v24;
	[tilespmem:v59+s18+$0x0] =	vst.idx.msk $0xffff, v37;
	v46 =	vadd.s32 v19, v8;
	v39 =	vld.idx.msk [tilespmem:v58+s15+$0x0], $0xffff  }
0xe8: {  	v47 =	vadd.s32 v20, v49;
	v3 =	vld.idx.msk [tilespmem:v3+s15+$0x0], $0xffff;
	v48 =	vor.u32 v2, v25;
	[tilespmem:v60+s18+$0x0] =	vst.idx.msk $0xffff, v4  }
0xe9: {  	v49 =	vadd.s32 v20, v26;
	[tilespmem:v23+s18+$0x0] =	vst.idx.msk $0xffff, v34;
	v23 =	vor.u32 v2, v27;
	v6 =	vld.idx.msk [tilespmem:v61+s15+$0x0], $0xffff  }
0xea: {  	v50 =	vadd.s32 v20, v33;
	v15 =	vld.idx.msk [tilespmem:v15+s15+$0x0], $0xffff;
	[tilespmem:v62+s18+$0x0] =	vst.idx.msk $0xffff, v30;
	v30 =	vor.u32 v2, v28  }
0xeb: {  	v51 =	vor.u32 v2, v31;
	v29 =	vadd.s32 v20, v29;
	[tilespmem:v44+s18+$0x0] =	vst.idx.msk $0xffff, v38;
	v22 =	vld.idx.msk [tilespmem:v22+s15+$0x0], $0xffff  }
0xec: {  	v53 =	vor.u32 v2, v32;
	v9 =	vadd.s32 v20, v9;
	[tilespmem:v45+s18+$0x0] =	vst.idx.msk $0xffff, v39;
	v52 =	vld.idx.msk [tilespmem:v46+s15+$0x0], $0xffff  }
0xed: {  	v54 =	vor.u32 v21, v24;
	[tilespmem:v48+s18+$0x0] =	vst.idx.msk $0xffff, v3;
	v55 =	vadd.s32 v20, v8;
	v3 =	vld.idx.msk [tilespmem:v47+s15+$0x0], $0xffff  }
0xee: {  	v7 =	vld.idx.msk [tilespmem:v49+s15+$0x0], $0xffff;
	v56 =	vor.u32 v21, v25;
	[tilespmem:v23+s18+$0x0] =	vst.idx.msk $0xffff, v6  }
0xef: {  	v8 =	vld.idx.msk [tilespmem:v50+s15+$0x0], $0xffff;
	[tilespmem:v30+s18+$0x0] =	vst.idx.msk $0xffff, v15;
	v15 =	vor.u32 v21, v27  }
0xf0: {  	v23 =	vor.u32 v21, v28;
	v57 =	vld.idx.msk [tilespmem:v29+s15+$0x0], $0xffff;
	[tilespmem:v51+s18+$0x0] =	vst.idx.msk $0xffff, v22  }
0xf1: {  	s25 =	simm.s32 $0x10;
	v22 =	vor.u32 v21, v31;
	v9 =	vld.idx.msk [tilespmem:v9+s15+$0x0], $0xffff;
	[tilespmem:v53+s18+$0x0] =	vst.idx.msk $0xffff, v52  }
0xf2: {  	s26 =	simm.s32 $0x0;
	v59 =	vor.u32 s25, v0;
	[tilespmem:v54+s18+$0x0] =	vst.idx.msk $0xffff, v3;
	v3 =	vor.u32 v21, v32;
	v58 =	vld.idx.msk [tilespmem:v55+s15+$0x0], $0xffff  }
0xf3: {  	[tilespmem:v56+s18+$0x0] =	vst.idx.msk $0xffff, v7;
	v60 =	vor.u32 s26, v0;
	v61 =	vshll.u32 v59, $0x7  }
0xf4: {  	v28 =	vshll.u32 v60, $0x7;
	[tilespmem:v15+s18+$0x0] =	vst.idx.msk $0xffff, v8  }
0xf5: {  	[tilespmem:v23+s18+$0x0] =	vst.idx.msk $0xffff, v57  }
0xf6: {  	[tilespmem:v22+s18+$0x0] =	vst.idx.msk $0xffff, v9  }
0xf7: {  	[tilespmem:v3+s18+$0x0] =	vst.idx.msk $0xffff, v58  }
0xf8: {  	v3 =	vld.idx.msk [tilespmem:v61+s3+$0x0], $0xffff  }
0xf9: {  	v4 =	vld.idx.msk [tilespmem:v28+s3+$0x0], $0xffff  }
0xfa: {  	v10 =	vld [tilespmem:$0x1FEB0]  }
0xfb: {  	v2 =	vld [tilespmem:$0x1FFC0]  }
0xfc: {  	v1 =	vld [tilespmem:$0x1FFD0]  }
0xfd: {  	v18 =	vld [tilespmem:$0x1FEC0];
	v3 =	vmul.u32 $0x32, v3  }
0xfe: {  	v21 =	vld [tilespmem:$0x1FED0];
	v47 =	vmul.u32 $0x32, v4  }
0xff: {  	v17 =	vld [tilespmem:$0x1FEE0];
	v62 =	vadd.s32 $0x30, v3  }
0x100: {  	p0 =	por $0x1, $0x1;
	v5 =	vshll.u32 v59, $0x8;
	v11 =	vld [tilespmem:$0x1FFE0];
	v9 =	vadd.s32 $0x30, v47  }
.Ltmp3:
0x101: {  	v5 =	vand.u32 $0x7FFFF800, v5;
	v13 =	vor.u32 $0x1, v61;
	v6 =	vshll.u32 v60, $0x8;
	(pc) =	sbr.rel @!p0 .LBB2_5-.Ltmp3, $4  }
0x102: {  	v19 =	vor.u32 $0x2, v61;
	v7 =	vor.u32 $0x3, v61;
	v51 =	vand.u32 $0x6800, v6  }
0x103: {  	[tilespmem:$0x1FEA0] =	vst v7;
	v15 =	vor.u32 v10, v5;
	v54 =	vor.u32 v2, v5;
	v39 =	vor.u32 v1, v5  }
0x104: {  	p2 =	por $0x0, $0x0;
	p3 =	por $0x0, $0x0;
	p4 =	por $0x0, $0x0;
	v20 =	vor.u32 v18, v5;
	v45 =	vor.u32 v21, v5;
	v43 =	vor.u32 v17, v5;
	v61 =	vld.idx.msk [tilespmem:v62+s15+$0x0], $0xffff  }
0x105: {  	p5 =	por $0x0, $0x0;
	p6 =	por $0x0, $0x0;
	s25 =	simm.s32 $0x30;
	v50 =	vor.u32 v11, v5;
	v31 =	vor.u32 v10, v51;
	v53 =	vadd.s32 $0x31, v3;
	v62 =	vld.idx.msk [tilespmem:v9+s15+$0x0], $0xffff  }
0x106: {  	_ = 	snop  }
0x107: {  	s26 =	simm.s32 $0x20;
	v3 =	vor.u32 s25, v0;
	v4 =	vadd.s32 $0x31, v47  }
0x108: {  	v5 =	vor.u32 s26, v0;
	v6 =	vshll.u32 v3, $0x7  }
0x109: {  	v42 =	vshll.u32 v5, $0x7  }
0x10a: {  	[tilespmem:v15+s18+$0x0] =	vst.idx.msk $0xffff, v61  }
0x10b: {  	[tilespmem:v31+s18+$0x0] =	vst.idx.msk $0xffff, v62;
	v7 =	vld.idx.msk [tilespmem:v53+s15+$0x0], $0xffff  }
0x10c: {  	v4 =	vld.idx.msk [tilespmem:v4+s15+$0x0], $0xffff  }
0x10d: {  	v9 =	vor.u32 v2, v51;
	v22 =	vld.idx.msk [tilespmem:v6+s3+$0x0], $0xffff  }
0x10e: {  	v23 =	vor.u32 $0x1, v28;
	v24 =	vld.idx.msk [tilespmem:v42+s3+$0x0], $0xffff;
	_ =	sdelay $0x2  }
0x10f: {  	[tilespmem:v54+s18+$0x0] =	vst.idx.msk $0xffff, v7  }
0x110: {  	v3 =	vshll.u32 v3, $0x8;
	[tilespmem:v9+s18+$0x0] =	vst.idx.msk $0xffff, v4;
	v26 =	vld.idx.msk [tilespmem:v13+s3+$0x0], $0xffff;
	v7 =	vmul.u32 $0x32, v22  }
0x111: {  	v3 =	vand.u32 $0x7FFFF800, v3;
	v9 =	vld.idx.msk [tilespmem:v23+s3+$0x0], $0xffff;
	v47 =	vmul.u32 $0x32, v24  }
0x112: {  	v46 =	vor.u32 $0x3, v6;
	v15 =	vor.u32 v10, v3;
	v27 =	vadd.s32 $0x30, v7  }
0x113: {  	p0 =	por $0x1, $0x1;
	v25 =	vor.u32 v2, v3;
	v44 =	vor.u32 v21, v3;
	v29 =	vadd.s32 $0x30, v47  }
.Ltmp4:
0x114: {  	v56 =	vor.u32 v17, v3;
	v16 =	vor.u32 v11, v3;
	v4 =	vor.u32 $0x1, v6;
	(pc) =	sbr.rel @!p0 .LBB2_7-.Ltmp4, $4  }
0x115: {  	v23 =	vor.u32 v18, v3;
	v24 =	vor.u32 v1, v3;
	v3 =	vshll.u32 v5, $0x8  }
0x116: {  	v59 =	vand.u32 $0x6800, v3;
	v5 =	vmul.u32 $0x32, v26;
	v55 =	vmul.u32 $0x32, v9  }
0x117: {  	v22 =	vor.u32 $0x2, v6;
	v53 =	vadd.s32 $0x31, v7;
	v31 =	vor.u32 v10, v59;
	v61 =	vld.idx.msk [tilespmem:v27+s15+$0x0], $0xffff  }
0x118: {  	s25 =	simm.s32 $0x50;
	p2 =	por $0x1, $0x1;
	v58 =	vadd.s32 $0x1930, v5;
	v12 =	vadd.s32 $0x1931, v5;
	v41 =	vadd.s32 $0x1930, v55;
	v62 =	vld.idx.msk [tilespmem:v29+s15+$0x0], $0xffff  }
0x119: {  	_ =	sdelay $0x2  }
0x11a: {  	v5 =	vadd.s32 $0x31, v47  }
0x11b: {  	s26 =	simm.s32 $0x40;
	v3 =	vor.u32 s25, v0;
	v9 =	vld.idx.msk [tilespmem:v41+s15+$0x0], $0xffff;
	v27 =	vor.u32 v1, v51  }
0x11c: {  	v6 =	vor.u32 s26, v0;
	v7 =	vshll.u32 v3, $0x7  }
0x11d: {  	v49 =	vshll.u32 v6, $0x7;
	[tilespmem:v15+s18+$0x0] =	vst.idx.msk $0xffff, v61  }
0x11e: {  	[tilespmem:v31+s18+$0x0] =	vst.idx.msk $0xffff, v62;
	v26 =	vld.idx.msk [tilespmem:v53+s15+$0x0], $0xffff  }
0x11f: {  	v29 =	vadd.s32 $0x1931, v55;
	v30 =	vor.u32 v2, v59;
	v5 =	vld.idx.msk [tilespmem:v5+s15+$0x0], $0xffff  }
0x120: {  	v32 =	vor.u32 $0x1, v42;
	[tilespmem:v27+s18+$0x0] =	vst.idx.msk $0xffff, v9;
	v9 =	vld.idx.msk [tilespmem:v58+s15+$0x0], $0xffff  }
0x121: {  	v31 =	vld.idx.msk [tilespmem:v7+s3+$0x0], $0xffff  }
0x122: {  	v33 =	vld.idx.msk [tilespmem:v49+s3+$0x0], $0xffff  }
0x123: {  	v3 =	vshll.u32 v3, $0x8  }
0x124: {  	v3 =	vand.u32 $0x7FFFF800, v3;
	v27 =	vld.idx.msk [tilespmem:v29+s15+$0x0], $0xffff;
	[tilespmem:v30+s18+$0x0] =	vst.idx.msk $0xffff, v5  }
0x125: {  	v8 =	vor.u32 v21, v3;
	[tilespmem:v25+s18+$0x0] =	vst.idx.msk $0xffff, v26;
	v5 =	vor.u32 v18, v51;
	v29 =	vld.idx.msk [tilespmem:v32+s3+$0x0], $0xffff  }
0x126: {  	v13 =	vor.u32 $0x1, v7;
	v57 =	vor.u32 $0x2, v7;
	v25 =	vmul.u32 $0x32, v31;
	v31 =	vld.idx.msk [tilespmem:v4+s3+$0x0], $0xffff;
	[tilespmem:$0x1FE30] =	vst v8  }
0x127: {  	v30 =	vor.u32 $0x2, v28;
	v8 =	vor.u32 v17, v3;
	v47 =	vmul.u32 $0x32, v33;
	[tilespmem:v39+s18+$0x0] =	vst.idx.msk $0xffff, v9  }
0x128: {  	v15 =	vor.u32 v10, v3;
	v7 =	vor.u32 $0x3, v7;
	v62 =	vadd.s32 $0x30, v25;
	[tilespmem:$0x1FE40] =	vst v8  }
0x129: {  	p0 =	por $0x1, $0x1;
	v54 =	vor.u32 v2, v3;
	v48 =	vor.u32 v18, v3;
	[tilespmem:$0x1FE50] =	vst v7;
	v33 =	vadd.s32 $0x30, v47  }
.Ltmp5:
0x12a: {  	v4 =	vor.u32 v1, v3;
	v3 =	vor.u32 v11, v3;
	[tilespmem:v5+s18+$0x0] =	vst.idx.msk $0xffff, v27;
	(pc) =	sbr.rel @!p0 .LBB2_9-.Ltmp5, $4  }
0x12b: {  	v26 =	vld.idx.msk [tilespmem:v12+s15+$0x0], $0xffff;
	v55 =	vmul.u32 $0x32, v29;
	[tilespmem:$0x1FE60] =	vst v3  }
0x12c: {  	v3 =	vshll.u32 v6, $0x8;
	v5 =	vmul.u32 $0x32, v31;
	v27 =	vld.idx.msk [tilespmem:v30+s3+$0x0], $0xffff  }
0x12d: {  	v53 =	vadd.s32 $0x31, v25;
	v52 =	vand.u32 $0x6800, v3;
	v61 =	vld.idx.msk [tilespmem:v62+s15+$0x0], $0xffff;
	v41 =	vadd.s32 $0x1930, v55  }
0x12e: {  	s25 =	simm.s32 $0x70;
	p3 =	por $0x1, $0x1;
	v31 =	vor.u32 v10, v52;
	v58 =	vadd.s32 $0x1930, v5;
	v14 =	vadd.s32 $0x1931, v5;
	v62 =	vld.idx.msk [tilespmem:v33+s15+$0x0], $0xffff  }
0x12f: {  	_ =	sdelay $0x3  }
0x130: {  	[tilespmem:v20+s18+$0x0] =	vst.idx.msk $0xffff, v26  }
0x131: {  	v3 =	vor.u32 s25, v0;
	v5 =	vadd.s32 $0x31, v47;
	v6 =	vmul.u32 $0x32, v27;
	v8 =	vld.idx.msk [tilespmem:v19+s3+$0x0], $0xffff  }
0x132: {  	v7 =	vshll.u32 v3, $0x7  }
0x133: {  	s26 =	simm.s32 $0x60;
	v25 =	vadd.s32 $0x4B30, v6  }
0x134: {  	v9 =	vor.u32 s26, v0;
	v27 =	vor.u32 v1, v59;
	[tilespmem:v15+s18+$0x0] =	vst.idx.msk $0xffff, v61;
	v15 =	vld.idx.msk [tilespmem:v41+s15+$0x0], $0xffff  }
0x135: {  	v60 =	vshll.u32 v9, $0x7;
	[tilespmem:v31+s18+$0x0] =	vst.idx.msk $0xffff, v62;
	v26 =	vld.idx.msk [tilespmem:v53+s15+$0x0], $0xffff  }
0x136: {  	v29 =	vadd.s32 $0x1931, v55;
	v31 =	vor.u32 v2, v52;
	v5 =	vld.idx.msk [tilespmem:v5+s15+$0x0], $0xffff;
	v35 =	vmul.u32 $0x32, v8  }
0x137: {  	v33 =	vor.u32 $0x1, v49;
	v30 =	vld.idx.msk [tilespmem:v7+s3+$0x0], $0xffff  }
0x138: {  	v36 =	vor.u32 v21, v51;
	v8 =	vld.idx.msk [tilespmem:v25+s15+$0x0], $0xffff;
	v37 =	vadd.s32 $0x4B30, v35  }
0x139: {  	v3 =	vshll.u32 v3, $0x8;
	v6 =	vadd.s32 $0x4B31, v6;
	[tilespmem:v27+s18+$0x0] =	vst.idx.msk $0xffff, v15;
	v27 =	vld.idx.msk [tilespmem:v58+s15+$0x0], $0xffff  }
0x13a: {  	v38 =	vand.u32 $0x7FFFF800, v3;
	v32 =	vld.idx.msk [tilespmem:v60+s3+$0x0], $0xffff;
	[tilespmem:v54+s18+$0x0] =	vst.idx.msk $0xffff, v26  }
0x13b: {  	v3 =	vld.idx.msk [tilespmem:v29+s15+$0x0], $0xffff;
	v29 =	vor.u32 v18, v59;
	[tilespmem:v31+s18+$0x0] =	vst.idx.msk $0xffff, v5;
	v5 =	vor.u32 v1, v38  }
0x13c: {  	v31 =	vld.idx.msk [tilespmem:v33+s3+$0x0], $0xffff;
	[tilespmem:$0x1FDD0] =	vst v5  }
0x13d: {  	[tilespmem:v36+s18+$0x0] =	vst.idx.msk $0xffff, v8;
	v36 =	vld.idx.msk [tilespmem:v37+s15+$0x0], $0xffff  }
0x13e: {  	v35 =	vadd.s32 $0x4B31, v35;
	[tilespmem:v24+s18+$0x0] =	vst.idx.msk $0xffff, v27;
	v24 =	vld.idx.msk [tilespmem:v6+s15+$0x0], $0xffff;
	v6 =	vor.u32 v17, v38  }
0x13f: {  	v30 =	vmul.u32 $0x32, v30;
	v47 =	vmul.u32 $0x32, v32;
	v32 =	vld.idx.msk [tilespmem:v13+s3+$0x0], $0xffff;
	[tilespmem:$0x1FDE0] =	vst v6  }
0x140: {  	v62 =	vor.u32 $0x2, v42;
	[tilespmem:v29+s18+$0x0] =	vst.idx.msk $0xffff, v3;
	v3 =	vor.u32 $0x3, v7  }
0x141: {  	v40 =	vor.u32 v17, v51;
	v39 =	vadd.s32 $0x30, v30;
	v26 =	vld.idx.msk [tilespmem:v14+s15+$0x0], $0xffff;
	[tilespmem:$0x1FDF0] =	vst v3  }
0x142: {  	v58 =	vadd.s32 $0x30, v47;
	[tilespmem:v45+s18+$0x0] =	vst.idx.msk $0xffff, v36  }
0x143: {  	p0 =	por $0x0, $0x0;
	v19 =	vor.u32 $0x2, v7;
	v9 =	vshll.u32 v9, $0x8;
	v8 =	vld.idx.msk [tilespmem:v35+s15+$0x0], $0xffff  }
.Ltmp6:
0x144: {  	v20 =	vor.u32 v18, v38;
	v34 =	vor.u32 v11, v38;
	v9 =	vand.u32 $0x6800, v9;
	(pc) =	sbr.rel @!p0 .LBB2_11-.Ltmp6, $4  }
0x145: {  	v15 =	vor.u32 v10, v38;
	v25 =	vor.u32 v2, v38;
	v54 =	vor.u32 v21, v38;
	v27 =	vld.idx.msk [tilespmem:v62+s3+$0x0], $0xffff  }
0x146: {  	v13 =	vor.u32 $0x1, v7;
	v55 =	vmul.u32 $0x32, v31;
	v29 =	vmul.u32 $0x32, v32;
	v61 =	vld.idx.msk [tilespmem:v39+s15+$0x0], $0xffff;
	[tilespmem:v40+s18+$0x0] =	vst.idx.msk $0xffff, v24  }
0x147: {  	v53 =	vadd.s32 $0x31, v30;
	v31 =	vor.u32 v10, v9;
	v32 =	vor.u32 $0x3, v28;
	v62 =	vld.idx.msk [tilespmem:v58+s15+$0x0], $0xffff;
	[tilespmem:$0x1FE00] =	vst v50  }
0x148: {  	s25 =	simm.s32 $0x90;
	p4 =	por $0x1, $0x1;
	v41 =	vadd.s32 $0x1930, v55;
	v58 =	vadd.s32 $0x1930, v29;
	v7 =	vadd.s32 $0x1931, v29;
	[tilespmem:$0x1FE10] =	vst v8  }
0x149: {  	_ =	sdelay $0x1  }
0x14a: {  	[tilespmem:$0x1FD00] =	vst v16  }
0x14b: {  	[tilespmem:$0x1FD10] =	vst v34  }
0x14c: {  	[tilespmem:v23+s18+$0x0] =	vst.idx.msk $0xffff, v26  }
0x14d: {  	v24 =	vor.u32 s25, v0;
	v28 =	vadd.s32 $0x31, v47;
	v27 =	vmul.u32 $0x32, v27;
	[tilespmem:$0x1FD20] =	vst v32  }
0x14e: {  	v3 =	vshll.u32 v24, $0x7;
	v23 =	vld.idx.msk [tilespmem:v32+s3+$0x0], $0xffff  }
0x14f: {  	s26 =	simm.s32 $0x80;
	v22 =	vld.idx.msk [tilespmem:v22+s3+$0x0], $0xffff;
	v47 =	vadd.s32 $0x4B30, v27  }
0x150: {  	v33 =	vor.u32 v1, v52;
	v26 =	vor.u32 s26, v0;
	[tilespmem:v15+s18+$0x0] =	vst.idx.msk $0xffff, v61;
	v30 =	vld.idx.msk [tilespmem:v41+s15+$0x0], $0xffff  }
0x151: {  	v50 =	vshll.u32 v26, $0x7;
	[tilespmem:v31+s18+$0x0] =	vst.idx.msk $0xffff, v62;
	v31 =	vld.idx.msk [tilespmem:v53+s15+$0x0], $0xffff  }
0x152: {  	v55 =	vadd.s32 $0x1931, v55;
	v28 =	vld.idx.msk [tilespmem:v28+s15+$0x0], $0xffff  }
0x153: {  	v36 =	vor.u32 v2, v9;
	v35 =	vld.idx.msk [tilespmem:v3+s3+$0x0], $0xffff  }
0x154: {  	v38 =	vor.u32 $0x1, v60;
	v32 =	vld.idx.msk [tilespmem:v47+s15+$0x0], $0xffff  }
0x155: {  	v23 =	vshll.u32 v23, $0x7;
	[tilespmem:v33+s18+$0x0] =	vst.idx.msk $0xffff, v30;
	v30 =	vld.idx.msk [tilespmem:v58+s15+$0x0], $0xffff;
	v58 =	vor.u32 v21, v59  }
0x156: {  	v27 =	vadd.s32 $0x4B31, v27;
	v37 =	vld.idx.msk [tilespmem:v50+s3+$0x0], $0xffff;
	v22 =	vmul.u32 $0x32, v22  }
0x157: {  	v53 =	vor.u32 v18, v52;
	v40 =	vld.idx.msk [tilespmem:v55+s15+$0x0], $0xffff;
	[tilespmem:v25+s18+$0x0] =	vst.idx.msk $0xffff, v31  }
0x158: {  	v39 =	vadd.s32 $0x4B30, v22;
	[tilespmem:v36+s18+$0x0] =	vst.idx.msk $0xffff, v28;
	v5 =	vld.idx.msk [tilespmem:v13+s3+$0x0], $0xffff  }
0x159: {  	v55 =	vld.idx.msk [tilespmem:v38+s3+$0x0], $0xffff  }
0x15a: {  	v23 =	vld.idx.msk [tilespmem:v23+s13+$0x0], $0xffff;
	[tilespmem:v58+s18+$0x0] =	vst.idx.msk $0xffff, v32  }
0x15b: {  	[tilespmem:v4+s18+$0x0] =	vst.idx.msk $0xffff, v30;
	v4 =	vld.idx.msk [tilespmem:v27+s15+$0x0], $0xffff  }
0x15c: {  	[tilespmem:v53+s18+$0x0] =	vst.idx.msk $0xffff, v40;
	v30 =	vld.idx.msk [tilespmem:v7+s15+$0x0], $0xffff  }
0x15d: {  	v31 =	vmul.u32 $0x32, v35;
	v33 =	vld.idx.msk [tilespmem:v39+s15+$0x0], $0xffff;
	[tilespmem:$0x1FD30] =	vst v43  }
0x15e: {  	v61 =	vor.u32 $0x2, v49;
	v47 =	vmul.u32 $0x32, v37;
	[tilespmem:v43+s18+$0x0] =	vst.idx.msk $0xffff, v8  }
0x15f: {  	v45 =	vor.u32 v11, v51;
	v62 =	vadd.s32 $0x30, v31;
	v7 =	vld [tilespmem:$0x1FEA0]  }
0x160: {  	v58 =	vadd.s32 $0x30, v47  }
0x161: {  	v22 =	vadd.s32 $0x4B31, v22;
	v27 =	vor.u32 v17, v59;
	_ =	sdelay $0x1  }
0x162: {  	v34 =	vld.idx.msk [tilespmem:v61+s3+$0x0], $0xffff  }
0x163: {  	[tilespmem:v45+s18+$0x0] =	vst.idx.msk $0xffff, v23;
	v61 =	vld.idx.msk [tilespmem:v62+s15+$0x0], $0xffff  }
0x164: {  	v62 =	vld.idx.msk [tilespmem:v58+s15+$0x0], $0xffff;
	[tilespmem:v44+s18+$0x0] =	vst.idx.msk $0xffff, v33  }
0x165: {  	[tilespmem:v27+s18+$0x0] =	vst.idx.msk $0xffff, v4;
	v8 =	vld.idx.msk [tilespmem:v22+s15+$0x0], $0xffff  }
0x166: {  	v12 =	vmov v46;
	v24 =	vshll.u32 v24, $0x8;
	v40 =	vld.idx.msk [tilespmem:v7+s3+$0x0], $0xffff;
	[tilespmem:$0x1FD40] =	vst v56  }
0x167: {  	v41 =	vand.u32 $0x7FFFF800, v24;
	[tilespmem:$0x1FD50] =	vst v12  }
0x168: {  	v15 =	vor.u32 v10, v41;
	v16 =	vor.u32 v2, v41;
	[tilespmem:$0x1FD60] =	vst v48  }
0x169: {  	p0 =	por $0x0, $0x0;
	v6 =	vor.u32 v1, v41;
	v24 =	vor.u32 v18, v41;
	v14 =	vor.u32 v21, v41;
	[tilespmem:$0x1FD70] =	vst v52  }
.Ltmp7:
0x16a: {  	v29 =	vor.u32 v11, v41;
	v25 =	vor.u32 $0x2, v3;
	v36 =	vor.u32 $0x3, v42;
	[tilespmem:$0x1FD80] =	vst v57;
	(pc) =	sbr.rel @!p0 .LBB2_13-.Ltmp7, $4  }
0x16b: {  	v13 =	vor.u32 $0x1, v3;
	v28 =	vor.u32 v17, v41;
	v5 =	vmul.u32 $0x32, v5;
	[tilespmem:$0x1FDA0] =	vst v36  }
0x16c: {  	v32 =	vor.u32 $0x3, v3;
	v55 =	vmul.u32 $0x32, v55;
	v23 =	vshll.u32 v26, $0x8;
	[tilespmem:$0x1FDB0] =	vst v30  }
0x16d: {  	v53 =	vadd.s32 $0x31, v31;
	v35 =	vadd.s32 $0x1931, v5;
	v38 =	vand.u32 $0x6800, v23;
	[tilespmem:$0x1FDC0] =	vst v34  }
0x16e: {  	s25 =	simm.s32 $0xB0;
	p5 =	por $0x1, $0x1;
	v41 =	vadd.s32 $0x1930, v55;
	v58 =	vadd.s32 $0x1930, v5;
	v31 =	vor.u32 v10, v38;
	[tilespmem:$0x1FD90] =	vst v8  }
0x16f: {  	_ =	sdelay $0x2  }
0x170: {  	[tilespmem:$0x1FCB0] =	vst v51;
	v4 =	vor.u32 s25, v0;
	v5 =	vadd.s32 $0x31, v47  }
0x171: {  	s26 =	simm.s32 $0xA0;
	[tilespmem:v48+s18+$0x0] =	vst.idx.msk $0xffff, v30;
	v22 =	vld.idx.msk [tilespmem:v36+s3+$0x0], $0xffff;
	v23 =	vshll.u32 v4, $0x7  }
0x172: {  	v26 =	vmul.u32 $0x32, v34;
	v3 =	vor.u32 s26, v0;
	[tilespmem:v15+s18+$0x0] =	vst.idx.msk $0xffff, v61;
	v30 =	vld.idx.msk [tilespmem:v41+s15+$0x0], $0xffff;
	v61 =	vor.u32 v1, v9  }
0x173: {  	v27 =	vld.idx.msk [tilespmem:v57+s3+$0x0], $0xffff;
	v7 =	vshll.u32 v3, $0x7  }
0x174: {  	[tilespmem:v31+s18+$0x0] =	vst.idx.msk $0xffff, v62;
	v33 =	vadd.s32 $0x4B30, v26;
	v31 =	vld.idx.msk [tilespmem:v53+s15+$0x0], $0xffff  }
0x175: {  	v62 =	vadd.s32 $0x1931, v55;
	v5 =	vld.idx.msk [tilespmem:v5+s15+$0x0], $0xffff  }
0x176: {  	v63 =	vor.u32 v2, v38;
	v39 =	vld.idx.msk [tilespmem:v23+s3+$0x0], $0xffff;
	v22 =	vshll.u32 v22, $0x7  }
0x177: {  	v45 =	vor.u32 $0x1, v50;
	v4 =	vshll.u32 v4, $0x8;
	[tilespmem:v61+s18+$0x0] =	vst.idx.msk $0xffff, v30;
	v30 =	vld.idx.msk [tilespmem:v58+s15+$0x0], $0xffff  }
0x178: {  	v46 =	vor.u32 v21, v52;
	v11 =	vmov v52;
	v52 =	vand.u32 $0x7FFFF800, v4;
	v42 =	vld.idx.msk [tilespmem:v7+s3+$0x0], $0xffff  }
0x179: {  	v0 =	vor.u32 v10, v52;
	v33 =	vld.idx.msk [tilespmem:v33+s15+$0x0], $0xffff  }
0x17a: {  	v36 =	vld.idx.msk [tilespmem:v62+s15+$0x0], $0xffff;
	[tilespmem:$0x1FCC0] =	vst v0  }
0x17b: {  	[tilespmem:v63+s18+$0x0] =	vst.idx.msk $0xffff, v5;
	v58 =	vld.idx.msk [tilespmem:v22+s13+$0x0], $0xffff  }
0x17c: {  	[tilespmem:v16+s18+$0x0] =	vst.idx.msk $0xffff, v31;
	v55 =	vld.idx.msk [tilespmem:v45+s3+$0x0], $0xffff  }
0x17d: {  	v47 =	vmul.u32 $0x32, v42;
	v42 =	vld.idx.msk [tilespmem:v13+s3+$0x0], $0xffff;
	[tilespmem:$0x1FCD0] =	vst v59  }
0x17e: {  	v27 =	vmul.u32 $0x32, v27;
	v13 =	vld [tilespmem:$0x1FFE0];
	[tilespmem:v46+s18+$0x0] =	vst.idx.msk $0xffff, v33  }
0x17f: {  	v0 =	vld [tilespmem:$0x1FDD0]  }
0x180: {  	v53 =	vor.u32 v18, v9;
	v34 =	vadd.s32 $0x4B30, v27  }
0x181: {  	v26 =	vadd.s32 $0x4B31, v26  }
0x182: {  	v22 =	vor.u32 $0x2, v60;
	_ =	sdelay $0x1  }
0x183: {  	v43 =	vmovc v24;
	v24 =	vmov v28;
	v28 =	vmov v60;
	v60 =	vor.u32 v13, v59  }
0x184: {  	v46 =	vld.idx.msk [tilespmem:v34+s15+$0x0], $0xffff;
	[tilespmem:v53+s18+$0x0] =	vst.idx.msk $0xffff, v36  }
0x185: {  	v5 =	vld.idx.msk [tilespmem:v26+s15+$0x0], $0xffff;
	[tilespmem:v56+s18+$0x0] =	vst.idx.msk $0xffff, v8  }
0x186: {  	v15 =	vor.u32 v1, v52;
	v1 =	vadd.s32 $0x4B31, v27;
	v27 =	vld.idx.msk [tilespmem:v22+s3+$0x0], $0xffff;
	[tilespmem:v0+s18+$0x0] =	vst.idx.msk $0xffff, v30  }
0x187: {  	v26 =	vld.idx.msk [tilespmem:v35+s15+$0x0], $0xffff;
	[tilespmem:$0x1FCE0] =	vst v40  }
0x188: {  	[tilespmem:v60+s18+$0x0] =	vst.idx.msk $0xffff, v58  }
0x189: {  	v31 =	vmul.u32 $0x32, v39;
	v0 =	vld [tilespmem:$0x1FE30];
	_ =	sdelay $0x1  }
0x18a: {  	v61 =	vadd.s32 $0x30, v31  }
0x18b: {  	v48 =	vadd.s32 $0x30, v47  }
0x18c: {  	v35 =	vor.u32 v17, v11;
	_ =	sdelay $0x1  }
0x18d: {  	v56 =	vld.idx.msk [tilespmem:v12+s3+$0x0], $0xffff  }
0x18e: {  	v61 =	vld.idx.msk [tilespmem:v61+s15+$0x0], $0xffff;
	[tilespmem:$0x1FCF0] =	vst v49  }
0x18f: {  	v62 =	vld.idx.msk [tilespmem:v48+s15+$0x0], $0xffff;
	[tilespmem:v0+s18+$0x0] =	vst.idx.msk $0xffff, v46  }
0x190: {  	[tilespmem:v35+s18+$0x0] =	vst.idx.msk $0xffff, v5;
	v35 =	vld.idx.msk [tilespmem:v1+s15+$0x0], $0xffff  }
0x191: {  	v4 =	vor.u32 v2, v52;
	v46 =	vld [tilespmem:$0x1FE40]  }
0x192: {  	v44 =	vor.u32 v21, v52;
	v45 =	vor.u32 v18, v52;
	v22 =	vshll.u32 v40, $0x7;
	v40 =	vmovc v50;
	v50 =	vld [tilespmem:$0x1FE00]  }
0x193: {  	p0 =	por $0x0, $0x0;
	v57 =	vor.u32 v13, v52;
	v42 =	vmul.u32 $0x32, v42;
	v30 =	vor.u32 v17, v52;
	v52 =	vld [tilespmem:$0x1FD00]  }
.Ltmp8:
0x194: {  	v53 =	vadd.s32 $0x31, v31;
	v48 =	vld [tilespmem:$0x1FE60];
	(pc) =	sbr.rel @!p0 .LBB2_15-.Ltmp8, $4  }
0x195: {  	v31 =	vshll.u32 v3, $0x8;
	v63 =	vadd.s32 $0x1931, v42;
	v58 =	vadd.s32 $0x1930, v42;
	v42 =	vld [tilespmem:$0x1FE50]  }
0x196: {  	v39 =	vand.u32 $0x6800, v31;
	v55 =	vmul.u32 $0x32, v55;
	v3 =	vld [tilespmem:$0x1FD10]  }
0x197: {  	v37 =	vor.u32 $0x1, v23;
	v33 =	vmovc v14;
	v36 =	vor.u32 $0x3, v49;
	v31 =	vor.u32 v10, v39;
	v49 =	vld [tilespmem:$0x1FDE0]  }
0x198: {  	s25 =	simm.s32 $0xA;
	p6 =	por $0x1, $0x1;
	s26 =	simm.s32 $0xD0;
	v59 =	vor.u32 $0x2, v23;
	v23 =	vor.u32 $0x3, v23;
	v41 =	vadd.s32 $0x1930, v55;
	v60 =	vmovc v11;
	v5 =	vmovc v6;
	v1 =	vld [tilespmem:$0x1FDF0]  }
.LBB2_16:
0x199: {  	s28 =	sadd.s32 $0xFFFFFFF0, s26;
	v0 =	vlaneseq.u32  }
0x19a: {  	v16 =	vor.u32 s26, v0;
	v17 =	vor.u32 s28, v0;
	v0 =	vld [tilespmem:$0x1FCC0];
	_ =	sdelay $0x2  }
0x19b: {  	v51 =	vld [tilespmem:$0x1FEB0]  }
0x19c: {  	v41 =	vld.idx.msk [tilespmem:v41+s15+$0x0], $0xffff  }
0x19d: {  	v8 =	vmov v58;
	v58 =	vld [tilespmem:$0x1FEC0]  }
0x19e: {  	[tilespmem:v20+s18+$0x0] =	vst.idx.msk $0xffff, v26;
	v26 =	vld.idx.msk [tilespmem:v36+s3+$0x0], $0xffff;
	v36 =	vshll.u32 v16, $0x7;
	v16 =	vshll.u32 v16, $0x8  }
0x19f: {  	v47 =	vadd.s32 $0x31, v47;
	v18 =	vld.idx.msk [tilespmem:v19+s3+$0x0], $0xffff;
	v16 =	vand.u32 $0x7FFFF800, v16  }
0x1a0: {  	v21 =	vld.idx.msk [tilespmem:v22+s13+$0x0], $0xffff;
	[tilespmem:v0+s18+$0x0] =	vst.idx.msk $0xffff, v61;
	v0 =	vor.u32 v51, v16  }
0x1a1: {  	v2 =	vmov v43;
	[tilespmem:$0x1FCC0] =	vst v0;
	v0 =	vld [tilespmem:$0x1FFD0]  }
0x1a2: {  	[tilespmem:$0x1FCA0] =	vst v2;
	v2 =	vld [tilespmem:$0x1FFC0];
	v27 =	vmul.u32 $0x32, v27;
	v19 =	vshll.u32 v17, $0x7  }
0x1a3: {  	v6 =	vld [tilespmem:$0x1FEE0];
	[tilespmem:v31+s18+$0x0] =	vst.idx.msk $0xffff, v62  }
0x1a4: {  	v22 =	vadd.s32 $0x4B30, v27;
	v47 =	vld.idx.msk [tilespmem:v47+s15+$0x0], $0xffff  }
0x1a5: {  	v31 =	vld.idx.msk [tilespmem:v53+s15+$0x0], $0xffff  }
0x1a6: {  	v55 =	vadd.s32 $0x1931, v55;
	v20 =	vor.u32 $0x1, v36;
	v11 =	vld.idx.msk [tilespmem:v36+s3+$0x0], $0xffff;
	v53 =	vor.u32 v0, v38  }
0x1a7: {  	v34 =	vmovc v25;
	v25 =	vmovc v59;
	v59 =	vor.u32 $0x2, v36;
	v12 =	vor.u32 v2, v39;
	v13 =	vld.idx.msk [tilespmem:v19+s3+$0x0], $0xffff;
	v18 =	vmul.u32 $0x32, v18  }
0x1a8: {  	v61 =	vor.u32 v2, v16;
	v2 =	vmovc v54;
	v54 =	vmovc v38;
	v62 =	vor.u32 v0, v16;
	v38 =	vmov v9;
	v9 =	vld [tilespmem:$0x1FED0]  }
0x1a9: {  	[tilespmem:v46+s18+$0x0] =	vst.idx.msk $0xffff, v35;
	v0 =	vor.u32 $0x3, v36;
	v36 =	vld.idx.msk [tilespmem:v22+s15+$0x0], $0xffff;
	v22 =	vshll.u32 v56, $0x7;
	v56 =	vadd.s32 $0x4B30, v18  }
0x1aa: {  	v43 =	vmov v45;
	v26 =	vshll.u32 v26, $0x7;
	[tilespmem:v50+s18+$0x0] =	vst.idx.msk $0xffff, v21;
	v50 =	vld [tilespmem:$0x1FFE0]  }
0x1ab: {  	v10 =	vmov v44;
	v14 =	vor.u32 $0x1, v7;
	v45 =	vor.u32 v58, v16;
	v21 =	vld.idx.msk [tilespmem:v8+s15+$0x0], $0xffff;
	[tilespmem:v53+s18+$0x0] =	vst.idx.msk $0xffff, v41  }
0x1ac: {  	v27 =	vadd.s32 $0x4B31, v27;
	v35 =	vor.u32 v6, v16;
	[tilespmem:v4+s18+$0x0] =	vst.idx.msk $0xffff, v31;
	v11 =	vmul.u32 $0x32, v11;
	v31 =	vld.idx.msk [tilespmem:v55+s15+$0x0], $0xffff  }
0x1ad: {  	v46 =	vmov v49;
	v41 =	vor.u32 v9, v38;
	[tilespmem:v12+s18+$0x0] =	vst.idx.msk $0xffff, v47;
	v47 =	vmul.u32 $0x32, v13;
	v13 =	vld.idx.msk [tilespmem:v37+s3+$0x0], $0xffff  }
0x1ae: {  	v49 =	vmovc v24;
	v53 =	vadd.s32 $0x31, v11;
	v12 =	vor.u32 v58, v54;
	v37 =	vmovc v20;
	v20 =	vadd.s32 $0x30, v11;
	v11 =	vld.idx.msk [tilespmem:v56+s15+$0x0], $0xffff  }
0x1af: {  	v24 =	vmovc v30;
	v30 =	vmovc v35;
	v18 =	vadd.s32 $0x4B31, v18;
	v4 =	vmov v61;
	v58 =	vor.u32 $0x2, v40;
	v55 =	vld.idx.msk [tilespmem:v26+s13+$0x0], $0xffff  }
0x1b0: {  	v61 =	vor.u32 v50, v60;
	v44 =	vor.u32 v9, v16;
	[tilespmem:v5+s18+$0x0] =	vst.idx.msk $0xffff, v21;
	v14 =	vld.idx.msk [tilespmem:v14+s3+$0x0], $0xffff  }
0x1b1: {  	v60 =	vmovc v38;
	v16 =	vor.u32 v50, v16;
	v50 =	vmovc v52;
	v52 =	vmov v48;
	v48 =	vmov v3;
	v26 =	vld.idx.msk [tilespmem:v63+s15+$0x0], $0xffff  }
0x1b2: {  	s25 =	sadd.s32 $0x2, s25;
	v3 =	vmovc v29;
	v29 =	vmov v57;
	v9 =	vmov v54;
	v56 =	vld.idx.msk [tilespmem:v42+s3+$0x0], $0xffff;
	v35 =	vadd.s32 $0x30, v47;
	[tilespmem:v41+s18+$0x0] =	vst.idx.msk $0xffff, v36  }
0x1b3: {  	p0 =	slt.u32 s25, $0x6;
	v5 =	vmov v15;
	v15 =	vmov v62;
	v21 =	vld.idx.msk [tilespmem:v27+s15+$0x0], $0xffff;
	[tilespmem:v12+s18+$0x0] =	vst.idx.msk $0xffff, v31;
	v12 =	vor.u32 v6, v38  }
.Ltmp9:
0x1b4: {  	v57 =	vmovc v16;
	v54 =	vmovc v33;
	v33 =	vmov v10;
	v42 =	vmov v1;
	v1 =	vmov v32;
	v27 =	vld.idx.msk [tilespmem:v58+s3+$0x0], $0xffff;
	(pc) =	sbr.rel @p0 .LBB2_16-.Ltmp9, $4  }
0x1b5: {  	v32 =	vmovc v23;
	v23 =	vmov v0;
	v0 =	vshll.u32 v17, $0x8;
	v36 =	vor.u32 $0x3, v28;
	[tilespmem:v61+s18+$0x0] =	vst.idx.msk $0xffff, v55;
	v61 =	vld.idx.msk [tilespmem:v20+s15+$0x0], $0xffff  }
0x1b6: {  	v28 =	vmovc v40;
	v13 =	vmul.u32 $0x32, v13;
	v38 =	vmovc v39;
	v39 =	vand.u32 $0x6800, v0;
	v55 =	vmul.u32 $0x32, v14;
	v20 =	vld [tilespmem:$0x1FCA0]  }
0x1b7: {  	v40 =	vmov v7;
	v7 =	vmov v19;
	[tilespmem:v2+s18+$0x0] =	vst.idx.msk $0xffff, v11;
	v31 =	vor.u32 v51, v39;
	v62 =	vld.idx.msk [tilespmem:v35+s15+$0x0], $0xffff  }
0x1b8: {  	s26 =	sadd.s32 $0x20, s26;
	v19 =	vmovc v34;
	v58 =	vadd.s32 $0x1930, v13;
	v63 =	vadd.s32 $0x1931, v13;
	v35 =	vld.idx.msk [tilespmem:v18+s15+$0x0], $0xffff;
	v41 =	vadd.s32 $0x1930, v55;
	[tilespmem:v12+s18+$0x0] =	vst.idx.msk $0xffff, v21  }
0x1b9: {  	v34 =	vmov v57;
	v57 =	vld [tilespmem:$0x1FFB0]  }
0x1ba: {  	v2 =	vld [tilespmem:$0x1FFC0]  }
0x1bb: {  	[tilespmem:$0x1FE20] =	vst v1;
	v1 =	vld [tilespmem:$0x1FFD0]  }
0x1bc: {  	v18 =	vld [tilespmem:$0x1FEC0]  }
0x1bd: {  	v21 =	vld [tilespmem:$0x1FED0]  }
0x1be: {  	v6 =	vld [tilespmem:$0x1FEE0]  }
0x1bf: {  	v51 =	vld [tilespmem:$0x1FCB0]  }
0x1c0: {  	v17 =	vmov v43;
	v43 =	vld [tilespmem:$0x1FD30]  }
0x1c1: {  	v11 =	vmov v19;
	v19 =	vmov v59;
	v59 =	vld [tilespmem:$0x1FCD0]  }
0x1c2: {  	[tilespmem:$0x1FE70] =	vst v63;
	v14 =	vmov v38;
	v38 =	vmov v39;
	v39 =	vmov v15;
	v15 =	vld [tilespmem:$0x1FCC0]  }
0x1c3: {  	v10 =	vmovc v3;
	[tilespmem:$0x1FE80] =	vst v25;
	v13 =	vmovc v37;
	v37 =	vmov v23;
	v23 =	vmov v49;
	v25 =	vmov v54;
	v49 =	vld [tilespmem:$0x1FCF0]  }
0x1c4: {  	[tilespmem:$0x1FE90] =	vst v32;
	v54 =	vmovc v4;
	v3 =	vmovc v40;
	v32 =	vld [tilespmem:$0x1FD20];
	v63 =	vmov v50;
	v50 =	vmov v10;
	v0 =	vmov v20  }
0x1c5: {  	v40 =	vld [tilespmem:$0x1FCE0];
	v20 =	vmovc v45;
	v45 =	vmovc v33;
	v33 =	vmov v44;
	v44 =	vmov v11;
	v8 =	vmov v0  }
.LBB2_18:
0x1c6: {  	v0 =	vadd.s32 $0x31, v47;
	_ =	sdelay $0x3  }
0x1c7: {  	[tilespmem:v31+s18+$0x0] =	vst.idx.msk $0xffff, v62  }
0x1c8: {  	v4 =	vor.u32 v2, v38;
	v0 =	vld.idx.msk [tilespmem:v0+s15+$0x0], $0xffff  }
0x1c9: {  	v10 =	vor.u32 $0x1, v7;
	_ =	sdelay $0x3  }
0x1ca: {  	[tilespmem:v4+s18+$0x0] =	vst.idx.msk $0xffff, v0  }
0x1cb: {  	v0 =	vld.idx.msk [tilespmem:v10+s3+$0x0], $0xffff  }
0x1cc: {  	v11 =	vld.idx.msk @p2 [tilespmem:v41+s15+$0x0], $0xffff;
	v12 =	vor.u32 @p2 v1, v14  }
0x1cd: {  	v2 =	vmov v14;
	v14 =	vld.idx.msk @p2 [tilespmem:v58+s15+$0x0], $0xffff;
	[tilespmem:v15+s18+$0x0] =	vst.idx.msk $0xffff, v61  }
0x1ce: {  	v4 =	vld.idx.msk [tilespmem:v53+s15+$0x0], $0xffff;
	_ =	sdelay $0x1  }
0x1cf: {  	v0 =	vmul.u32 $0x32, v0  }
0x1d0: {  	[tilespmem:v12+s18+$0x0] =	vst.idx.msk @p2 $0xffff, v11  }
0x1d1: {  	[tilespmem:v5+s18+$0x0] =	vst.idx.msk @p2 $0xffff, v14;
	v10 =	vadd.s32 $0x1930, v0  }
0x1d2: {  	[tilespmem:v54+s18+$0x0] =	vst.idx.msk $0xffff, v4  }
0x1d3: {  	v16 =	vor.u32 v1, v38;
	v1 =	vld [tilespmem:$0x1FE70];
	_ =	sdelay $0x2  }
0x1d4: {  	v10 =	vld.idx.msk [tilespmem:v10+s15+$0x0], $0xffff;
	_ =	sdelay $0x3  }
0x1d5: {  	v4 =	vld.idx.msk [tilespmem:v13+s3+$0x0], $0xffff  }
0x1d6: {  	v13 =	vadd.s32 @p2 $0x1931, v55;
	v14 =	vld.idx.msk @p2 [tilespmem:v1+s15+$0x0], $0xffff;
	[tilespmem:v16+s18+$0x0] =	vst.idx.msk $0xffff, v10  }
0x1d7: {  	v1 =	vld [tilespmem:$0x1FD60];
	_ =	sdelay $0x3  }
0x1d8: {  	v5 =	vld.idx.msk @p2 [tilespmem:v13+s15+$0x0], $0xffff;
	v13 =	vmov @p2 v17  }
0x1d9: {  	v10 =	vpsel p2, v13, v1;
	v1 =	vld [tilespmem:$0x1FE80]  }
0x1da: {  	v4 =	vmul.u32 $0x32, v4;
	_ =	sdelay $0x1  }
0x1db: {  	v11 =	vadd.s32 $0x1930, v4  }
0x1dc: {  	v12 =	vor.u32 @p2 v18, v2;
	v0 =	vadd.s32 $0x1931, v0  }
0x1dd: {  	v13 =	vmov @p2 v1;
	v1 =	vld [tilespmem:$0x1FD80];
	_ =	sdelay $0x2  }
0x1de: {  	v11 =	vld.idx.msk [tilespmem:v11+s15+$0x0], $0xffff;
	[tilespmem:v8+s18+$0x0] =	vst.idx.msk @p3 $0xffff, v26  }
0x1df: {  	v0 =	vld.idx.msk [tilespmem:v0+s15+$0x0], $0xffff;
	[tilespmem:v12+s18+$0x0] =	vst.idx.msk @p2 $0xffff, v5  }
0x1e0: {  	v4 =	vadd.s32 $0x1931, v4;
	v16 =	vor.u32 v18, v38;
	v13 =	vpsel p2, v13, v1;
	v1 =	vld [tilespmem:$0x1FDB0]  }
0x1e1: {  	v17 =	vor.u32 @p2 $0x2, v3;
	_ =	sdelay $0x1  }
0x1e2: {  	v41 =	vor.u32 $0x2, v7  }
0x1e3: {  	v5 =	vld.idx.msk @p3 [tilespmem:v44+s3+$0x0], $0xffff;
	[tilespmem:v39+s18+$0x0] =	vst.idx.msk $0xffff, v11  }
0x1e4: {  	[tilespmem:v16+s18+$0x0] =	vst.idx.msk $0xffff, v0;
	v4 =	vld.idx.msk [tilespmem:v4+s15+$0x0], $0xffff;
	v12 =	vpsel p2, v14, v1  }
0x1e5: {  	v14 =	vld.idx.msk @p2 [tilespmem:v17+s3+$0x0], $0xffff;
	[tilespmem:v10+s18+$0x0] =	vst.idx.msk @p2 $0xffff, v12  }
0x1e6: {  	v1 =	vld [tilespmem:$0x1FDC0]  }
0x1e7: {  	v10 =	vld.idx.msk [tilespmem:v41+s3+$0x0], $0xffff;
	_ =	sdelay $0x1  }
0x1e8: {  	v0 =	vld.idx.msk @p2 [tilespmem:v13+s3+$0x0], $0xffff  }
0x1e9: {  	v11 =	vmul.u32 @p3 $0x32, v27;
	[tilespmem:v20+s18+$0x0] =	vst.idx.msk $0xffff, v4  }
0x1ea: {  	v5 =	vmul.u32 @p3 $0x32, v5;
	v12 =	vpsel p2, v14, v1;
	v1 =	vld [tilespmem:$0x1FD70]  }
0x1eb: {  	v13 =	vadd.s32 @p3 $0x4B30, v11;
	v10 =	vmul.u32 $0x32, v10  }
0x1ec: {  	v14 =	vadd.s32 @p3 $0x4B30, v5;
	v12 =	vmul.u32 @p2 $0x32, v12  }
0x1ed: {  	v0 =	vmul.u32 @p2 $0x32, v0;
	v8 =	vadd.s32 $0x4B30, v10  }
0x1ee: {  	v18 =	vmov @p2 v2;
	v4 =	vld.idx.msk [tilespmem:v19+s3+$0x0], $0xffff;
	v16 =	vadd.s32 @p2 $0x4B30, v12  }
0x1ef: {  	v17 =	vadd.s32 @p2 $0x4B30, v0;
	v18 =	vpsel p2, v18, v1;
	v1 =	vld [tilespmem:$0x1FE30]  }
0x1f0: {  	v15 =	vor.u32 @p3 v21, v9;
	v13 =	vld.idx.msk @p3 [tilespmem:v13+s15+$0x0], $0xffff  }
0x1f1: {  	v14 =	vld.idx.msk @p3 [tilespmem:v14+s15+$0x0], $0xffff  }
0x1f2: {  	v20 =	vor.u32 @p2 v21, v18;
	v8 =	vld.idx.msk [tilespmem:v8+s15+$0x0], $0xffff;
	v21 =	vor.u32 v21, v38  }
0x1f3: {  	v19 =	vmov @p2 v45;
	v16 =	vld.idx.msk @p2 [tilespmem:v16+s15+$0x0], $0xffff  }
0x1f4: {  	[tilespmem:v46+s18+$0x0] =	vst.idx.msk @p4 $0xffff, v35;
	v17 =	vld.idx.msk @p2 [tilespmem:v17+s15+$0x0], $0xffff;
	v19 =	vpsel p2, v19, v1  }
0x1f5: {  	[tilespmem:v15+s18+$0x0] =	vst.idx.msk @p3 $0xffff, v13  }
0x1f6: {  	[tilespmem:v25+s18+$0x0] =	vst.idx.msk @p3 $0xffff, v14  }
0x1f7: {  	[tilespmem:v21+s18+$0x0] =	vst.idx.msk $0xffff, v8  }
0x1f8: {  	[tilespmem:v20+s18+$0x0] =	vst.idx.msk @p2 $0xffff, v16  }
0x1f9: {  	[tilespmem:v19+s18+$0x0] =	vst.idx.msk @p2 $0xffff, v17  }
0x1fa: {  	v1 =	vld [tilespmem:$0x1FDA0];
	_ =	sdelay $0x3  }
0x1fb: {  	v16 =	vor.u32 @p3 $0x3, v28  }
0x1fc: {  	v16 =	vpsel p3, v16, v1;
	v1 =	vld [tilespmem:$0x1FD40];
	_ =	sdelay $0x3  }
0x1fd: {  	v8 =	vmov @p3 v23  }
0x1fe: {  	v8 =	vpsel p3, v8, v1;
	v1 =	vld [tilespmem:$0x1FE40];
	_ =	sdelay $0x3  }
0x1ff: {  	v17 =	vmov @p2 v24  }
0x200: {  	v17 =	vpsel p2, v17, v1;
	v1 =	vld [tilespmem:$0x1FE20];
	_ =	sdelay $0x4  }
0x201: {  	v21 =	vmov @p3 v1;
	v1 =	vld [tilespmem:$0x1FD50];
	_ =	sdelay $0x3  }
0x202: {  	v11 =	vadd.s32 @p3 $0x4B31, v11  }
0x203: {  	v21 =	vpsel p3, v21, v1;
	v1 =	vld [tilespmem:$0x1FE90];
	_ =	sdelay $0x2  }
0x204: {  	v15 =	vld.idx.msk @p6 [tilespmem:v22+s13+$0x0], $0xffff  }
0x205: {  	v11 =	vld.idx.msk @p3 [tilespmem:v11+s15+$0x0], $0xffff;
	v19 =	vor.u32 @p3 v6, v9  }
0x206: {  	v4 =	vmul.u32 $0x32, v4;
	v22 =	vmov @p2 v1;
	v1 =	vld [tilespmem:$0x1FE50];
	_ =	sdelay $0x1  }
0x207: {  	v13 =	vadd.s32 $0x4B30, v4  }
0x208: {  	v5 =	vadd.s32 @p3 $0x4B31, v5  }
0x209: {  	v12 =	vadd.s32 @p2 $0x4B31, v12;
	[tilespmem:v19+s18+$0x0] =	vst.idx.msk @p3 $0xffff, v11  }
0x20a: {  	v22 =	vpsel p2, v22, v1;
	v1 =	vld [tilespmem:$0x1FEA0];
	_ =	sdelay $0x1  }
0x20b: {  	v13 =	vld.idx.msk [tilespmem:v13+s15+$0x0], $0xffff  }
0x20c: {  	v5 =	vld.idx.msk @p3 [tilespmem:v5+s15+$0x0], $0xffff  }
0x20d: {  	v12 =	vld.idx.msk @p2 [tilespmem:v12+s15+$0x0], $0xffff  }
0x20e: {  	v10 =	vadd.s32 $0x4B31, v10;
	v23 =	vor.u32 @p2 v6, v18;
	v11 =	vpsel p2, v22, v1;
	v1 =	vld [tilespmem:$0x1FD90]  }
0x20f: {  	v0 =	vadd.s32 @p2 $0x4B31, v0;
	_ =	sdelay $0x2  }
0x210: {  	v4 =	vadd.s32 $0x4B31, v4;
	[tilespmem:v33+s18+$0x0] =	vst.idx.msk $0xffff, v13  }
0x211: {  	v10 =	vld.idx.msk [tilespmem:v10+s15+$0x0], $0xffff;
	v20 =	vmov @p2 v3;
	[tilespmem:v23+s18+$0x0] =	vst.idx.msk @p2 $0xffff, v12;
	v5 =	vpsel p3, v5, v1  }
0x212: {  	v20 =	vpsel p2, v20, v49;
	v0 =	vld.idx.msk @p2 [tilespmem:v0+s15+$0x0], $0xffff;
	[tilespmem:v8+s18+$0x0] =	vst.idx.msk @p3 $0xffff, v5  }
0x213: {  	v47 =	vor.u32 v6, v38;
	v20 =	vor.u32 @p2 $0x3, v20;
	v1 =	vld [tilespmem:$0x1FE10]  }
0x214: {  	v20 =	vpsel p2, v20, v32;
	v17 =	vpsel p2, v17, v43;
	v16 =	vld.idx.msk @p3 [tilespmem:v16+s3+$0x0], $0xffff  }
0x215: {  	v4 =	vld.idx.msk [tilespmem:v4+s15+$0x0], $0xffff  }
0x216: {  	v14 =	vld.idx.msk @p4 [tilespmem:v36+s3+$0x0], $0xffff  }
0x217: {  	v24 =	vld.idx.msk @p4 [tilespmem:v42+s3+$0x0], $0xffff  }
0x218: {  	v22 =	vor.u32 $0x3, v7;
	v0 =	vpsel p2, v0, v1;
	v1 =	vld [tilespmem:$0x1FFE0];
	[tilespmem:v47+s18+$0x0] =	vst.idx.msk $0xffff, v10  }
0x219: {  	v20 =	vld.idx.msk @p2 [tilespmem:v20+s3+$0x0], $0xffff;
	[tilespmem:v17+s18+$0x0] =	vst.idx.msk @p2 $0xffff, v0  }
0x21a: {  	v16 =	vshll.u32 @p3 v16, $0x7;
	v2 =	vld [tilespmem:$0x1FE00];
	[tilespmem:v30+s18+$0x0] =	vst.idx.msk $0xffff, v4  }
0x21b: {  	v3 =	vld [tilespmem:$0x1FD00]  }
0x21c: {  	v13 =	vld.idx.msk @p3 [tilespmem:v21+s3+$0x0], $0xffff  }
0x21d: {  	v5 =	vshll.u32 @p4 v14, $0x7;
	v8 =	vshll.u32 @p5 v56, $0x7;
	v19 =	vld.idx.msk [tilespmem:v22+s3+$0x0], $0xffff;
	v0 =	vmov @p3 v50  }
0x21e: {  	v11 =	vld.idx.msk @p2 [tilespmem:v11+s3+$0x0], $0xffff;
	v8 =	vpsel p5, v8, v0  }
0x21f: {  	v18 =	vpsel p2, v18, v51;
	v16 =	vld.idx.msk @p3 [tilespmem:v16+s13+$0x0], $0xffff;
	v14 =	vmov @p5 v52;
	v10 =	vpsel p4, v24, v40  }
0x220: {  	v10 =	vshll.u32 @p4 v10, $0x7;
	v7 =	vld [tilespmem:$0x1FE60];
	v14 =	vpsel p5, v14, v0;
	v0 =	vpsel p3, v0, v3  }
0x221: {  	v9 =	vpsel p3, v9, v59;
	v12 =	vor.u32 @p4 v1, v60;
	v3 =	vld.idx.msk [tilespmem:v37+s3+$0x0], $0xffff;
	v4 =	vpsel p4, v10, v0  }
0x222: {  	v5 =	vld.idx.msk @p4 [tilespmem:v5+s13+$0x0], $0xffff;
	v17 =	vmovc @p2 v29;
	v9 =	vor.u32 @p3 v1, v9;
	v6 =	vpsel p3, v13, v0;
	v13 =	vshll.u32 @p2 v20, $0x7  }
0x223: {  	v21 =	vmovc @p4 v48;
	v19 =	vshll.u32 v19, $0x7;
	v8 =	vld.idx.msk @p5 [tilespmem:v8+s13+$0x0], $0xffff;
	v11 =	vpsel p2, v11, v0;
	v6 =	vshll.u32 @p3 v6, $0x7  }
0x224: {  	[tilespmem:v63+s18+$0x0] =	vst.idx.msk @p6 $0xffff, v15;
	v21 =	vpsel p4, v21, v2;
	v11 =	vshll.u32 @p2 v11, $0x7;
	v6 =	vpsel p3, v6, v0  }
0x225: {  	v15 =	vor.u32 @p2 v1, v18;
	v10 =	vpsel p2, v17, v7;
	v17 =	vmovc @p4 v21;
	v11 =	vpsel p2, v11, v0  }
0x226: {  	v17 =	vpsel p4, v17, v0;
	v0 =	vpsel p3, v0, v0;
	v3 =	vshll.u32 v3, $0x7;
	v4 =	vld.idx.msk @p4 [tilespmem:v4+s13+$0x0], $0xffff  }
0x227: {  	v10 =	vpsel p2, v10, v2;
	[tilespmem:v12+s18+$0x0] =	vst.idx.msk @p4 $0xffff, v5;
	v0 =	vpsel p3, v0, v0;
	v13 =	vld.idx.msk @p2 [tilespmem:v13+s13+$0x0], $0xffff  }
0x228: {  	v5 =	vpsel p2, v10, v0;
	v10 =	vor.u32 v1, v38;
	[tilespmem:v14+s18+$0x0] =	vst.idx.msk @p5 $0xffff, v8;
	v8 =	vld.idx.msk [tilespmem:v19+s13+$0x0], $0xffff  }
0x229: {  	v6 =	vld.idx.msk @p3 [tilespmem:v6+s13+$0x0], $0xffff  }
0x22a: {  	[tilespmem:v9+s18+$0x0] =	vst.idx.msk @p3 $0xffff, v16;
	v5 =	vpsel p2, v5, v0;
	v9 =	vld.idx.msk @p2 [tilespmem:v11+s13+$0x0], $0xffff  }
0x22b: {  	v3 =	vld.idx.msk [tilespmem:v3+s13+$0x0], $0xffff;
	[tilespmem:v17+s18+$0x0] =	vst.idx.msk @p4 $0xffff, v4  }
0x22c: {  	[tilespmem:v15+s18+$0x0] =	vst.idx.msk @p2 $0xffff, v13  }
0x22d: {  	p0 =	slt.s32 s24, $0x3E80;
	s25 =	smov.u32 s24;
	[tilespmem:v10+s18+$0x0] =	vst.idx.msk $0xffff, v8  }
0x22e: {  	s25 =	simm.s32 @!p0 $0x3E80;
	[tilespmem:v0+s18+$0x0] =	vst.idx.msk @p3 $0xffff, v6  }
0x22f: {  	s25 =	sshll.u32 s25, $0x4;
	[tilespmem:v5+s18+$0x0] =	vst.idx.msk @p2 $0xffff, v9  }
0x230: {  	s25 =	sadd.s32 s25, s9;
	[tilespmem:v34+s18+$0x0] =	vst.idx.msk $0xffff, v3  }
0x231: {  	[tilespmem:s3], [sflag:$0x1] =	stream.linear.gather [hbm4b:s25+s3], $0x4000, $0x38;
	[tilespmem:$0x1E500] =	vst v63  }
0x232: {  	s25 =	sshll.u32 s24, $0x5  }
0x233: {  	s30 =	simm.s32 $0x0;
	s26 =	sadd.s32 s7, s25  }
0x234: {  	[hbm4b:s26+s3] =	stream.linear.scatter [tilespmem:s18], [sflag:$0x3], $0x8000, $0x38;
	[tilespmem:$0x1E500] =	vst v63  }
0x235: {  	s31 =	simm.s32 $0x1;
	v0 =	vmov s30;
	_ =	swait.ge [sflag:s19], $0x4000  }
0x236: {  	v5 =	vmov s31;
	v4 =	vshll.u32 v0, $0x7;
	[sflag:s19] =	ssyncset.done $0x0  }
0x237: {  	v3 =	vshll.u32 v5, $0x7;
	s26 =	simm.s32 @p1 $0x4;
	[sflag:s19] =	ssyncadd.s32 $0xFFFFC000  }
0x238: {  	_ =	swait.ge @p1 [sflag:s26], $0x8000  }
0x239: {  	[sflag:s26] =	ssyncset.done @p1 $0x0  }
0x23a: {  	[sflag:s26] =	ssyncadd.s32 @p1 $0xFFFF8000  }
0x23b: {  	v6 =	vld.idx.msk [tilespmem:v4+s16+$0x0], $0xffff  }
0x23c: {  	v7 =	vld.idx.msk [tilespmem:v3+s16+$0x0], $0xffff;
	_ =	sdelay $0x3  }
0x23d: {  	v6 =	vmul.u32 $0x32, v6  }
0x23e: {  	v48 =	vlaneseq.u32;
	v7 =	vmul.u32 $0x32, v7  }
0x23f: {  	v8 =	vadd.s32 v48, v6  }
0x240: {  	v9 =	vadd.s32 v48, v7  }
0x241: {  	v0 =	vshll.u32 v0, $0x8  }
0x242: {  	v0 =	vand.u32 $0x7800, v0;
	v10 =	vand.u32 $0x300, v4;
	v5 =	vshll.u32 v5, $0x8  }
0x243: {  	v38 =	vor.u32 v10, v0;
	v0 =	vand.u32 $0x380, v3;
	v5 =	vand.u32 $0x7800, v5  }
0x244: {  	v37 =	vor.u32 v0, v5;
	v0 =	vld.idx.msk [tilespmem:v8+s15+$0x0], $0xffff;
	v8 =	vor.u32 v48, v38  }
0x245: {  	v11 =	vor.u32 v48, v37;
	v9 =	vld.idx.msk [tilespmem:v9+s15+$0x0], $0xffff;
	_ =	sdelay $0x3  }
0x246: {  	s28 =	simm.s32 $0x2;
	[tilespmem:v8+s20+$0x0] =	vst.idx.msk $0xffff, v0  }
0x247: {  	v13 =	vmov s28;
	v10 =	vadd.s32 v57, v6;
	[tilespmem:v11+s20+$0x0] =	vst.idx.msk $0xffff, v9  }
0x248: {  	s29 =	simm.s32 $0x3;
	v5 =	vshll.u32 v13, $0x7;
	v2 =	vld [tilespmem:$0x1FFF0]  }
0x249: {  	v14 =	vmov s29;
	v12 =	vadd.s32 v57, v7  }
0x24a: {  	v32 =	vshll.u32 v14, $0x7;
	_ =	sdelay $0x1  }
0x24b: {  	v0 =	vor.u32 v57, v38;
	v8 =	vld.idx.msk [tilespmem:v10+s15+$0x0], $0xffff  }
0x24c: {  	v11 =	vld.idx.msk [tilespmem:v5+s16+$0x0], $0xffff;
	v6 =	vadd.s32 v2, v6  }
0x24d: {  	v10 =	vld.idx.msk [tilespmem:v12+s15+$0x0], $0xffff  }
0x24e: {  	v12 =	vld.idx.msk [tilespmem:v32+s16+$0x0], $0xffff;
	_ =	sdelay $0x1  }
0x24f: {  	v9 =	vor.u32 v57, v37;
	[tilespmem:v0+s20+$0x0] =	vst.idx.msk $0xffff, v8  }
0x250: {  	v7 =	vadd.s32 v2, v7;
	v8 =	vmul.u32 $0x32, v11;
	v0 =	vld.idx.msk [tilespmem:v6+s15+$0x0], $0xffff;
	v6 =	vor.u32 v2, v38;
	_ =	sdelay $0x1  }
0x251: {  	v11 =	vmul.u32 $0x32, v12;
	v15 =	vadd.s32 v48, v8  }
0x252: {  	v13 =	vshll.u32 v13, $0x8  }
0x253: {  	[tilespmem:v9+s20+$0x0] =	vst.idx.msk $0xffff, v10;
	v9 =	vor.u32 $0x1, v4;
	v10 =	vor.u32 v2, v37;
	v16 =	vadd.s32 v48, v11  }
0x254: {  	v7 =	vld.idx.msk [tilespmem:v7+s15+$0x0], $0xffff;
	[tilespmem:v6+s20+$0x0] =	vst.idx.msk $0xffff, v0;
	v0 =	vand.u32 $0x7800, v13;
	v6 =	vand.u32 $0x300, v5;
	v13 =	vshll.u32 v14, $0x8  }
0x255: {  	v23 =	vor.u32 v6, v0;
	v0 =	vand.u32 $0x380, v32;
	v6 =	vand.u32 $0x7800, v13  }
0x256: {  	v12 =	vor.u32 $0x1, v3;
	v22 =	vor.u32 v0, v6;
	v0 =	vld.idx.msk [tilespmem:v15+s15+$0x0], $0xffff;
	v6 =	vor.u32 v48, v23;
	_ =	sdelay $0x2  }
0x257: {  	[tilespmem:v10+s20+$0x0] =	vst.idx.msk $0xffff, v7;
	v10 =	vld.idx.msk [tilespmem:v16+s15+$0x0], $0xffff  }
0x258: {  	v9 =	vld.idx.msk [tilespmem:v9+s16+$0x0], $0xffff  }
0x259: {  	v7 =	vld.idx.msk [tilespmem:v12+s16+$0x0], $0xffff;
	v13 =	vor.u32 v48, v22;
	[tilespmem:v6+s20+$0x0] =	vst.idx.msk $0xffff, v0  }
0x25a: {  	v45 =	vld [tilespmem:$0x1FEF0]  }
0x25b: {  	v12 =	vadd.s32 v57, v8;
	_ =	sdelay $0x1  }
0x25c: {  	v9 =	vmul.u32 $0x32, v9  }
0x25d: {  	v14 =	vadd.s32 v57, v11;
	v7 =	vmul.u32 $0x32, v7;
	[tilespmem:v13+s20+$0x0] =	vst.idx.msk $0xffff, v10  }
0x25e: {  	v46 =	vld [tilespmem:$0x1FF00];
	v0 =	vadd.s32 v45, v9  }
0x25f: {  	v6 =	vor.u32 v57, v23;
	v12 =	vld.idx.msk [tilespmem:v12+s15+$0x0], $0xffff;
	v10 =	vadd.s32 v45, v7  }
0x260: {  	s30 =	simm.s32 $0x4  }
0x261: {  	s31 =	simm.s32 $0x5;
	v15 =	vmov s30  }
0x262: {  	v17 =	vmov s31;
	v16 =	vshll.u32 v15, $0x7;
	v13 =	vor.u32 v57, v22;
	v14 =	vld.idx.msk [tilespmem:v14+s15+$0x0], $0xffff  }
0x263: {  	v26 =	vshll.u32 v17, $0x7;
	v20 =	vor.u32 v46, v38;
	v0 =	vld.idx.msk [tilespmem:v0+s15+$0x0], $0xffff  }
0x264: {  	v8 =	vadd.s32 v2, v8;
	[tilespmem:v6+s20+$0x0] =	vst.idx.msk $0xffff, v12;
	v12 =	vor.u32 v46, v37;
	v6 =	vld.idx.msk [tilespmem:v10+s15+$0x0], $0xffff  }
0x265: {  	v58 =	vld [tilespmem:$0x1FF10];
	_ =	sdelay $0x1  }
0x266: {  	v11 =	vadd.s32 v2, v11;
	v49 =	vld.idx.msk [tilespmem:v16+s16+$0x0], $0xffff;
	[tilespmem:v13+s20+$0x0] =	vst.idx.msk $0xffff, v14  }
0x267: {  	v50 =	vld.idx.msk [tilespmem:v26+s16+$0x0], $0xffff;
	[tilespmem:v20+s20+$0x0] =	vst.idx.msk $0xffff, v0  }
0x268: {  	v8 =	vld.idx.msk [tilespmem:v8+s15+$0x0], $0xffff;
	[tilespmem:v12+s20+$0x0] =	vst.idx.msk $0xffff, v6  }
0x269: {  	v13 =	vor.u32 v2, v23;
	v10 =	vadd.s32 v58, v9;
	v59 =	vld [tilespmem:$0x1FF20];
	_ =	sdelay $0x1  }
0x26a: {  	v21 =	vor.u32 $0x1, v5;
	v25 =	vor.u32 v2, v22;
	v18 =	vmul.u32 $0x32, v49;
	v11 =	vld.idx.msk [tilespmem:v11+s15+$0x0], $0xffff  }
0x26b: {  	v27 =	vor.u32 $0x1, v32;
	v19 =	vmul.u32 $0x32, v50  }
0x26c: {  	v15 =	vshll.u32 v15, $0x8;
	v28 =	vadd.s32 v48, v18  }
0x26d: {  	v0 =	vadd.s32 v48, v19;
	v10 =	vld.idx.msk [tilespmem:v10+s15+$0x0], $0xffff;
	[tilespmem:v13+s20+$0x0] =	vst.idx.msk $0xffff, v8;
	v6 =	vor.u32 v59, v38  }
0x26e: {  	v14 =	vadd.s32 v58, v7;
	v12 =	vand.u32 $0x7800, v15;
	v15 =	vand.u32 $0x300, v16;
	v60 =	vld [tilespmem:$0x1FF30]  }
0x26f: {  	v24 =	vor.u32 v15, v12;
	v12 =	vshll.u32 v17, $0x8;
	v13 =	vld.idx.msk [tilespmem:v21+s16+$0x0], $0xffff;
	[tilespmem:v25+s20+$0x0] =	vst.idx.msk $0xffff, v11  }
0x270: {  	v11 =	vand.u32 $0x380, v26;
	v12 =	vand.u32 $0x7800, v12;
	v15 =	vld.idx.msk [tilespmem:v27+s16+$0x0], $0xffff  }
0x271: {  	v25 =	vor.u32 v11, v12;
	v11 =	vld.idx.msk [tilespmem:v28+s15+$0x0], $0xffff  }
0x272: {  	v12 =	vor.u32 v48, v24;
	v0 =	vld.idx.msk [tilespmem:v0+s15+$0x0], $0xffff;
	[tilespmem:v6+s20+$0x0] =	vst.idx.msk $0xffff, v10  }
0x273: {  	v9 =	vadd.s32 v60, v9;
	v10 =	vor.u32 v48, v25;
	v61 =	vld [tilespmem:$0x1FF40]  }
0x274: {  	v8 =	vld.idx.msk [tilespmem:v14+s15+$0x0], $0xffff;
	v14 =	vor.u32 v59, v37;
	v6 =	vadd.s32 v57, v18;
	_ =	sdelay $0x1  }
0x275: {  	v7 =	vadd.s32 v60, v7;
	v13 =	vmul.u32 $0x32, v13  }
0x276: {  	v17 =	vadd.s32 v57, v19;
	[tilespmem:v12+s20+$0x0] =	vst.idx.msk $0xffff, v11;
	v11 =	vmul.u32 $0x32, v15  }
0x277: {  	s28 =	simm.s32 $0x6;
	v9 =	vld.idx.msk [tilespmem:v9+s15+$0x0], $0xffff;
	[tilespmem:v10+s20+$0x0] =	vst.idx.msk $0xffff, v0;
	v0 =	vadd.s32 v45, v13;
	v20 =	vor.u32 v61, v38  }
0x278: {  	v27 =	vmov s28;
	[tilespmem:v14+s20+$0x0] =	vst.idx.msk $0xffff, v8;
	v14 =	vadd.s32 v45, v11;
	v6 =	vld.idx.msk [tilespmem:v6+s15+$0x0], $0xffff;
	v10 =	vor.u32 v57, v24  }
0x279: {  	v21 =	vor.u32 $0x2, v4;
	v4 =	vshll.u32 v27, $0x7  }
0x27a: {  	s29 =	simm.s32 $0x7;
	v15 =	vadd.s32 v2, v18;
	v7 =	vld.idx.msk [tilespmem:v7+s15+$0x0], $0xffff  }
0x27b: {  	v8 =	vmov s29;
	v12 =	vld.idx.msk [tilespmem:v17+s15+$0x0], $0xffff;
	v51 =	vor.u32 v61, v37  }
0x27c: {  	v29 =	vshll.u32 v8, $0x7;
	v0 =	vld.idx.msk [tilespmem:v0+s15+$0x0], $0xffff;
	[tilespmem:v20+s20+$0x0] =	vst.idx.msk $0xffff, v9;
	v9 =	vor.u32 v57, v25  }
0x27d: {  	v19 =	vadd.s32 v2, v19;
	v28 =	vor.u32 v46, v23;
	[tilespmem:v10+s20+$0x0] =	vst.idx.msk $0xffff, v6;
	v6 =	vld.idx.msk [tilespmem:v14+s15+$0x0], $0xffff  }
0x27e: {  	v20 =	vld.idx.msk [tilespmem:v4+s16+$0x0], $0xffff  }
0x27f: {  	v3 =	vor.u32 $0x2, v3;
	v15 =	vld.idx.msk [tilespmem:v15+s15+$0x0], $0xffff  }
0x280: {  	v10 =	vadd.s32 v58, v13;
	v14 =	vor.u32 v46, v22;
	[tilespmem:v51+s20+$0x0] =	vst.idx.msk $0xffff, v7;
	v17 =	vld.idx.msk [tilespmem:v21+s16+$0x0], $0xffff  }
0x281: {  	v21 =	vld.idx.msk [tilespmem:v29+s16+$0x0], $0xffff;
	[tilespmem:v9+s20+$0x0] =	vst.idx.msk $0xffff, v12;
	v9 =	vor.u32 v2, v24  }
0x282: {  	v54 =	vor.u32 v2, v25;
	[tilespmem:v28+s20+$0x0] =	vst.idx.msk $0xffff, v0;
	v12 =	vadd.s32 v58, v11;
	v7 =	vld.idx.msk [tilespmem:v19+s15+$0x0], $0xffff  }
0x283: {  	v34 =	vor.u32 $0x2, v16;
	v62 =	vld [tilespmem:$0x1FF50]  }
0x284: {  	v16 =	vor.u32 $0x1, v16;
	v53 =	vshll.u32 v27, $0x8;
	v3 =	vld.idx.msk [tilespmem:v3+s16+$0x0], $0xffff;
	v20 =	vmul.u32 $0x32, v20  }
0x285: {  	v31 =	vor.u32 $0x1, v26;
	v18 =	vand.u32 $0x7800, v53;
	v0 =	vand.u32 $0x300, v4;
	v10 =	vld.idx.msk [tilespmem:v10+s15+$0x0], $0xffff;
	[tilespmem:v14+s20+$0x0] =	vst.idx.msk $0xffff, v6  }
0x286: {  	v27 =	vor.u32 v0, v18;
	v17 =	vmul.u32 $0x32, v17;
	v0 =	vadd.s32 v48, v20;
	[tilespmem:v9+s20+$0x0] =	vst.idx.msk $0xffff, v15  }
0x287: {  	v21 =	vmul.u32 $0x32, v21;
	v6 =	vld.idx.msk [tilespmem:v12+s15+$0x0], $0xffff;
	[tilespmem:v54+s20+$0x0] =	vst.idx.msk $0xffff, v7  }
0x288: {  	v12 =	vor.u32 v59, v23;
	v55 =	vadd.s32 v62, v17;
	v63 =	vld [tilespmem:$0x1FF60]  }
0x289: {  	v9 =	vadd.s32 v48, v21;
	v14 =	vld.idx.msk [tilespmem:v16+s16+$0x0], $0xffff  }
0x28a: {  	v8 =	vshll.u32 v8, $0x8;
	v7 =	vadd.s32 v60, v13;
	v13 =	vor.u32 v59, v22;
	v16 =	vld.idx.msk [tilespmem:v31+s16+$0x0], $0xffff  }
0x28b: {  	v8 =	vand.u32 $0x7800, v8;
	v35 =	vor.u32 v48, v27;
	v15 =	vand.u32 $0x380, v29;
	v0 =	vld.idx.msk [tilespmem:v0+s15+$0x0], $0xffff  }
0x28c: {  	v11 =	vadd.s32 v60, v11;
	v28 =	vor.u32 v15, v8;
	v1 =	vld [tilespmem:$0x1FF70]  }
0x28d: {  	[tilespmem:v12+s20+$0x0] =	vst.idx.msk $0xffff, v10;
	v10 =	vadd.s32 v57, v20;
	v8 =	vld.idx.msk [tilespmem:v55+s15+$0x0], $0xffff;
	v15 =	vor.u32 v63, v38  }
0x28e: {  	v9 =	vld.idx.msk [tilespmem:v9+s15+$0x0], $0xffff  }
0x28f: {  	v3 =	vmul.u32 $0x32, v3;
	v12 =	vor.u32 v48, v28;
	v7 =	vld.idx.msk [tilespmem:v7+s15+$0x0], $0xffff;
	[tilespmem:v13+s20+$0x0] =	vst.idx.msk $0xffff, v6  }
0x290: {  	v6 =	vadd.s32 v57, v21;
	v13 =	vor.u32 v61, v23;
	v49 =	vld [tilespmem:$0x1FF80];
	[tilespmem:v35+s20+$0x0] =	vst.idx.msk $0xffff, v0;
	v0 =	vmul.u32 $0x32, v16  }
0x291: {  	v52 =	vor.u32 v61, v22;
	v56 =	vadd.s32 v62, v3;
	v11 =	vld.idx.msk [tilespmem:v11+s15+$0x0], $0xffff  }
0x292: {  	v55 =	vadd.s32 v45, v0;
	v10 =	vld.idx.msk [tilespmem:v10+s15+$0x0], $0xffff;
	[tilespmem:v15+s20+$0x0] =	vst.idx.msk $0xffff, v8;
	v15 =	vor.u32 v57, v27;
	_ =	sdelay $0x1  }
0x293: {  	v5 =	vor.u32 $0x2, v5;
	s30 =	simm.s32 $0x8;
	[tilespmem:v12+s20+$0x0] =	vst.idx.msk $0xffff, v9  }
0x294: {  	s31 =	simm.s32 $0x9;
	v47 =	vmov s30;
	v14 =	vmul.u32 $0x32, v14;
	v31 =	vadd.s32 v1, v17;
	v6 =	vld.idx.msk [tilespmem:v6+s15+$0x0], $0xffff;
	[tilespmem:v13+s20+$0x0] =	vst.idx.msk $0xffff, v7  }
0x295: {  	v50 =	vmov s31;
	v41 =	vshll.u32 v47, $0x7;
	v8 =	vld.idx.msk [tilespmem:v56+s15+$0x0], $0xffff;
	[tilespmem:v52+s20+$0x0] =	vst.idx.msk $0xffff, v11  }
0x296: {  	v36 =	vshll.u32 v50, $0x7;
	v9 =	vadd.s32 v45, v14;
	[tilespmem:v15+s20+$0x0] =	vst.idx.msk $0xffff, v10;
	v15 =	vld.idx.msk [tilespmem:v55+s15+$0x0], $0xffff  }
0x297: {  	v51 =	vor.u32 v57, v28;
	v44 =	vor.u32 v63, v37;
	v12 =	vshll.u32 v47, $0x8;
	v55 =	vld [tilespmem:$0x1FF90]  }
0x298: {  	v45 =	vor.u32 $0x2, v32;
	v7 =	vand.u32 $0x7800, v12;
	v12 =	vand.u32 $0x300, v41;
	v5 =	vld.idx.msk [tilespmem:v5+s16+$0x0], $0xffff  }
0x299: {  	v13 =	vadd.s32 v2, v20;
	v16 =	vld.idx.msk [tilespmem:v31+s15+$0x0], $0xffff;
	v31 =	vor.u32 v12, v7;
	v7 =	vshll.u32 v50, $0x8  }
0x29a: {  	v20 =	vadd.s32 v2, v21;
	v21 =	vand.u32 $0x380, v36;
	v12 =	vld.idx.msk [tilespmem:v41+s16+$0x0], $0xffff;
	v7 =	vand.u32 $0x7800, v7  }
0x29b: {  	v43 =	vor.u32 v49, v38;
	v32 =	vor.u32 v21, v7;
	v7 =	vld.idx.msk [tilespmem:v9+s15+$0x0], $0xffff;
	v9 =	vadd.s32 v1, v3  }
0x29c: {  	v11 =	vld.idx.msk [tilespmem:v36+s16+$0x0], $0xffff;
	v10 =	vor.u32 v46, v24;
	v17 =	vadd.s32 v55, v17  }
0x29d: {  	v56 =	vadd.s32 v58, v14;
	v50 =	vor.u32 v46, v25  }
0x29e: {  	v13 =	vld.idx.msk [tilespmem:v13+s15+$0x0], $0xffff;
	[tilespmem:v51+s20+$0x0] =	vst.idx.msk $0xffff, v6  }
0x29f: {  	v39 =	vmul.u32 $0x32, v5;
	[tilespmem:v44+s20+$0x0] =	vst.idx.msk $0xffff, v8;
	v20 =	vld.idx.msk [tilespmem:v20+s15+$0x0], $0xffff  }
0x2a0: {  	v21 =	vor.u32 v2, v27;
	[tilespmem:v43+s20+$0x0] =	vst.idx.msk $0xffff, v16;
	v5 =	vmul.u32 $0x32, v12;
	v12 =	vld.idx.msk [tilespmem:v9+s15+$0x0], $0xffff  }
0x2a1: {  	v40 =	vor.u32 $0x2, v41;
	v6 =	vmul.u32 $0x32, v11;
	v9 =	vadd.s32 v62, v39;
	[tilespmem:v10+s20+$0x0] =	vst.idx.msk $0xffff, v7;
	v16 =	vld.idx.msk [tilespmem:v17+s15+$0x0], $0xffff  }
0x2a2: {  	v51 =	vadd.s32 v58, v0;
	v8 =	vor.u32 v2, v28;
	[tilespmem:v50+s20+$0x0] =	vst.idx.msk $0xffff, v15;
	v17 =	vld.idx.msk [tilespmem:v56+s15+$0x0], $0xffff  }
0x2a3: {  	v30 =	vor.u32 v61, v25;
	v33 =	vor.u32 v61, v28;
	v54 =	vadd.s32 v48, v6;
	v56 =	vld [tilespmem:$0x1FFA0]  }
0x2a4: {  	v35 =	vor.u32 $0x2, v4;
	v4 =	vor.u32 $0x1, v4;
	v10 =	vor.u32 v49, v37  }
0x2a5: {  	v52 =	vld.idx.msk [tilespmem:v45+s16+$0x0], $0xffff;
	v42 =	vor.u32 v61, v32;
	v11 =	vor.u32 $0x1, v29;
	v15 =	vadd.s32 v48, v5  }
0x2a6: {  	v0 =	vadd.s32 v60, v0;
	v9 =	vld.idx.msk [tilespmem:v9+s15+$0x0], $0xffff;
	[tilespmem:v21+s20+$0x0] =	vst.idx.msk $0xffff, v13;
	v13 =	vor.u32 v59, v24  }
0x2a7: {  	v21 =	vld.idx.msk [tilespmem:v51+s15+$0x0], $0xffff;
	[tilespmem:v8+s20+$0x0] =	vst.idx.msk $0xffff, v20;
	v8 =	vadd.s32 v60, v14;
	v14 =	vor.u32 v59, v25  }
0x2a8: {  	v7 =	vadd.s32 v55, v3;
	v50 =	vld.idx.msk [tilespmem:v54+s15+$0x0], $0xffff;
	v54 =	vadd.s32 v57, v6;
	v53 =	vor.u32 v56, v38  }
0x2a9: {  	[tilespmem:v10+s20+$0x0] =	vst.idx.msk $0xffff, v12;
	v51 =	vor.u32 v48, v31;
	v47 =	vld.idx.msk [tilespmem:v4+s16+$0x0], $0xffff;
	v4 =	vor.u32 v49, v23  }
0x2aa: {  	v49 =	vld.idx.msk [tilespmem:v15+s15+$0x0], $0xffff;
	v15 =	vor.u32 v63, v23;
	v38 =	vmul.u32 $0x32, v52;
	v3 =	vor.u32 v56, v37  }
0x2ab: {  	v46 =	vld.idx.msk [tilespmem:v11+s16+$0x0], $0xffff;
	[tilespmem:v13+s20+$0x0] =	vst.idx.msk $0xffff, v17;
	v37 =	vadd.s32 v1, v39;
	v52 =	vadd.s32 v57, v5  }
0x2ac: {  	[tilespmem:v14+s20+$0x0] =	vst.idx.msk $0xffff, v21;
	v45 =	vld.idx.msk [tilespmem:v8+s15+$0x0], $0xffff;
	v8 =	vor.u32 v63, v22;
	v44 =	vadd.s32 v62, v38  }
0x2ad: {  	s26 =	simm.s32 $0xA;
	v43 =	vld.idx.msk [tilespmem:v0+s15+$0x0], $0xffff;
	[tilespmem:v53+s20+$0x0] =	vst.idx.msk $0xffff, v16;
	v53 =	vor.u32 v48, v32;
	v48 =	vor.u32 v61, v24  }
.LBB2_19:
0x2ae: {  	_ =	sdelay $0x3  }
0x2af: {  	[tilespmem:v15+s20+$0x0] =	vst.idx.msk $0xffff, v9  }
0x2b0: {  	v16 =	vmov v30;
	[tilespmem:v51+s20+$0x0] =	vst.idx.msk $0xffff, v49;
	v51 =	vld [tilespmem:$0x1FEF0]  }
0x2b1: {  	v0 =	vmov s26;
	s28 =	sadd.s32 $0x1, s26;
	v7 =	vld.idx.msk [tilespmem:v7+s15+$0x0], $0xffff  }
0x2b2: {  	v10 =	vor.u32 v57, v31;
	v19 =	vmul.u32 $0x32, v47;
	v18 =	vmov s28;
	v9 =	vld.idx.msk [tilespmem:v44+s15+$0x0], $0xffff  }
0x2b3: {  	v17 =	vshll.u32 v0, $0x7;
	v0 =	vshll.u32 v0, $0x8;
	v15 =	vshll.u32 v18, $0x7;
	[tilespmem:v53+s20+$0x0] =	vst.idx.msk $0xffff, v50;
	v21 =	vld.idx.msk [tilespmem:v37+s15+$0x0], $0xffff  }
0x2b4: {  	v12 =	vmovc v31;
	v20 =	vmul.u32 $0x32, v46;
	v0 =	vand.u32 $0x7800, v0;
	v31 =	vand.u32 $0x300, v17;
	v49 =	vld.idx.msk [tilespmem:v52+s15+$0x0], $0xffff;
	[tilespmem:v48+s20+$0x0] =	vst.idx.msk $0xffff, v45  }
0x2b5: {  	v31 =	vor.u32 v31, v0;
	v0 =	vld.idx.msk [tilespmem:v54+s15+$0x0], $0xffff;
	[tilespmem:v16+s20+$0x0] =	vst.idx.msk $0xffff, v43;
	v52 =	vadd.s32 v51, v19  }
0x2b6: {  	[tilespmem:v3+s20+$0x0] =	vst.idx.msk $0xffff, v7;
	v7 =	vor.u32 $0x2, v26;
	v26 =	vmov v29;
	v29 =	vld [tilespmem:$0x1FF00];
	v46 =	vadd.s32 v51, v20  }
0x2b7: {  	v11 =	vor.u32 v57, v32;
	v13 =	vmov v40;
	v14 =	vmov v22;
	v34 =	vld.idx.msk [tilespmem:v34+s16+$0x0], $0xffff  }
0x2b8: {  	v22 =	vmovc v25;
	v25 =	vmovc v28;
	v28 =	vmov v32;
	v5 =	vadd.s32 v2, v5;
	v18 =	vshll.u32 v18, $0x8;
	v16 =	vld.idx.msk [tilespmem:v17+s16+$0x0], $0xffff  }
0x2b9: {  	v6 =	vadd.s32 v2, v6;
	v53 =	vand.u32 $0x380, v15;
	v18 =	vand.u32 $0x7800, v18;
	v3 =	vld.idx.msk [tilespmem:v15+s16+$0x0], $0xffff;
	[tilespmem:v8+s20+$0x0] =	vst.idx.msk $0xffff, v9  }
0x2ba: {  	v30 =	vmov v33;
	v40 =	vor.u32 $0x2, v17;
	v32 =	vor.u32 v53, v18;
	v8 =	vld.idx.msk [tilespmem:v52+s15+$0x0], $0xffff;
	[tilespmem:v4+s20+$0x0] =	vst.idx.msk $0xffff, v21  }
0x2bb: {  	v9 =	vor.u32 v29, v27;
	v4 =	vadd.s32 v1, v38;
	[tilespmem:v10+s20+$0x0] =	vst.idx.msk $0xffff, v49;
	v10 =	vld.idx.msk [tilespmem:v46+s15+$0x0], $0xffff  }
0x2bc: {  	v33 =	vmovc v42;
	v18 =	vadd.s32 v55, v39;
	v37 =	vor.u32 v2, v12;
	v44 =	vadd.s32 v58, v20;
	v49 =	vld [tilespmem:$0x1FF80]  }
0x2bd: {  	[tilespmem:v11+s20+$0x0] =	vst.idx.msk $0xffff, v0;
	v0 =	vadd.s32 v58, v19;
	v11 =	vor.u32 v29, v25;
	v21 =	vld.idx.msk [tilespmem:v5+s15+$0x0], $0xffff  }
0x2be: {  	v45 =	vor.u32 v2, v28;
	v42 =	vor.u32 v61, v32;
	v20 =	vadd.s32 v60, v20;
	v43 =	vld.idx.msk [tilespmem:v6+s15+$0x0], $0xffff  }
0x2bf: {  	v39 =	vmul.u32 $0x32, v34;
	v29 =	vmovc v36;
	v5 =	vmul.u32 $0x32, v16;
	v16 =	vor.u32 $0x1, v41;
	v48 =	vld.idx.msk [tilespmem:v7+s16+$0x0], $0xffff  }
0x2c0: {  	v34 =	vmovc v35;
	v36 =	vmov v15;
	v6 =	vmul.u32 $0x32, v3;
	v3 =	vor.u32 $0x1, v29;
	v15 =	vld.idx.msk [tilespmem:v4+s15+$0x0], $0xffff;
	[tilespmem:v9+s20+$0x0] =	vst.idx.msk $0xffff, v8  }
0x2c1: {  	v53 =	vlaneseq.u32;
	v35 =	vmovc v13;
	v41 =	vmovc v17;
	v4 =	vadd.s32 v62, v39;
	v17 =	vor.u32 v49, v14;
	v8 =	vld.idx.msk [tilespmem:v18+s15+$0x0], $0xffff  }
0x2c2: {  	v13 =	vadd.s32 v53, v5;
	v0 =	vld.idx.msk [tilespmem:v0+s15+$0x0], $0xffff;
	[tilespmem:v11+s20+$0x0] =	vst.idx.msk $0xffff, v10;
	v10 =	vor.u32 v56, v23  }
0x2c3: {  	v54 =	vadd.s32 v53, v6;
	v11 =	vor.u32 v59, v27;
	[tilespmem:v37+s20+$0x0] =	vst.idx.msk $0xffff, v21;
	v21 =	vld.idx.msk [tilespmem:v44+s15+$0x0], $0xffff  }
0x2c4: {  	[tilespmem:v45+s20+$0x0] =	vst.idx.msk $0xffff, v43;
	v47 =	vld.idx.msk [tilespmem:v16+s16+$0x0], $0xffff;
	v16 =	vadd.s32 v60, v19;
	v19 =	vor.u32 v59, v25  }
0x2c5: {  	p1 =	slt.u32 s26, $0x7E;
	v51 =	vor.u32 v53, v31;
	v7 =	vadd.s32 v55, v38;
	v52 =	vadd.s32 v57, v5;
	v46 =	vld.idx.msk [tilespmem:v3+s16+$0x0], $0xffff  }
.Ltmp10:
0x2c6: {  	v53 =	vor.u32 v53, v32;
	v23 =	vmov v24;
	v24 =	vmov v27;
	v9 =	vld.idx.msk [tilespmem:v4+s15+$0x0], $0xffff;
	[tilespmem:v17+s20+$0x0] =	vst.idx.msk $0xffff, v15;
	(pc) =	sbr.rel @p1 .LBB2_19-.Ltmp10, $4  }
0x2c7: {  	v27 =	vmov v12;
	v38 =	vmul.u32 $0x32, v48;
	v4 =	vor.u32 v49, v23;
	v49 =	vld.idx.msk [tilespmem:v13+s15+$0x0], $0xffff;
	[tilespmem:v10+s20+$0x0] =	vst.idx.msk $0xffff, v8  }
0x2c8: {  	v37 =	vadd.s32 v1, v39;
	v48 =	vor.u32 v61, v24;
	v50 =	vld.idx.msk [tilespmem:v54+s15+$0x0], $0xffff;
	[tilespmem:v11+s20+$0x0] =	vst.idx.msk $0xffff, v0  }
0x2c9: {  	v3 =	vor.u32 v56, v14;
	v44 =	vadd.s32 v62, v38;
	v45 =	vld.idx.msk [tilespmem:v16+s15+$0x0], $0xffff;
	[tilespmem:v19+s20+$0x0] =	vst.idx.msk $0xffff, v21  }
0x2ca: {  	s26 =	sadd.s32 $0x2, s26;
	v15 =	vor.u32 v63, v23;
	v8 =	vor.u32 v63, v22;
	v54 =	vadd.s32 v57, v6;
	v43 =	vld.idx.msk [tilespmem:v20+s15+$0x0], $0xffff  }
0x2cb: {  	_ =	sdelay $0x3  }
0x2cc: {  	[tilespmem:v51+s20+$0x0] =	vst.idx.msk $0xffff, v49  }
0x2cd: {  	v0 =	vor.u32 v57, v31;
	v10 =	vld.idx.msk [tilespmem:v52+s15+$0x0], $0xffff;
	[tilespmem:v53+s20+$0x0] =	vst.idx.msk $0xffff, v50  }
0x2ce: {  	v11 =	vor.u32 v57, v32;
	v5 =	vadd.s32 v2, v5;
	v12 =	vld.idx.msk [tilespmem:v54+s15+$0x0], $0xffff  }
0x2cf: {  	v6 =	vadd.s32 v2, v6;
	_ =	sdelay $0x2  }
0x2d0: {  	[tilespmem:v0+s20+$0x0] =	vst.idx.msk $0xffff, v10  }
0x2d1: {  	v17 =	vor.u32 v2, v31;
	v0 =	vld.idx.msk [tilespmem:v5+s15+$0x0], $0xffff;
	[tilespmem:v11+s20+$0x0] =	vst.idx.msk $0xffff, v12  }
0x2d2: {  	v10 =	vor.u32 $0x1, v41;
	v11 =	vor.u32 v2, v32;
	v6 =	vld.idx.msk [tilespmem:v6+s15+$0x0], $0xffff  }
0x2d3: {  	v12 =	vor.u32 $0x1, v36;
	_ =	sdelay $0x2  }
0x2d4: {  	[tilespmem:v17+s20+$0x0] =	vst.idx.msk $0xffff, v0  }
0x2d5: {  	v0 =	vld.idx.msk [tilespmem:v10+s16+$0x0], $0xffff;
	[tilespmem:v11+s20+$0x0] =	vst.idx.msk $0xffff, v6  }
0x2d6: {  	v51 =	vld.idx.msk [tilespmem:v12+s16+$0x0], $0xffff  }
0x2d7: {  	v50 =	vmov v2;
	v2 =	vld [tilespmem:$0x1FEF0];
	_ =	sdelay $0x2  }
0x2d8: {  	v52 =	vmul.u32 $0x32, v47  }
0x2d9: {  	v10 =	vmul.u32 $0x32, v46;
	v0 =	vmul.u32 $0x32, v0;
	v5 =	vmul.u32 $0x32, v51  }
0x2da: {  	v11 =	vadd.s32 v2, v52  }
0x2db: {  	v12 =	vadd.s32 v2, v10;
	v13 =	vadd.s32 v2, v0;
	v14 =	vadd.s32 v2, v5;
	v2 =	vld [tilespmem:$0x1FF00];
	_ =	sdelay $0x4  }
0x2dc: {  	v11 =	vld.idx.msk [tilespmem:v11+s15+$0x0], $0xffff;
	v16 =	vor.u32 v2, v27  }
0x2dd: {  	v17 =	vadd.s32 v58, v52;
	v12 =	vld.idx.msk [tilespmem:v12+s15+$0x0], $0xffff;
	v18 =	vor.u32 v2, v28  }
0x2de: {  	v19 =	vadd.s32 v58, v10;
	v13 =	vld.idx.msk [tilespmem:v13+s15+$0x0], $0xffff;
	v20 =	vor.u32 v2, v31  }
0x2df: {  	v21 =	vadd.s32 v58, v0;
	v14 =	vld.idx.msk [tilespmem:v14+s15+$0x0], $0xffff;
	v53 =	vor.u32 v2, v32  }
0x2e0: {  	v54 =	vadd.s32 v58, v5  }
0x2e1: {  	[tilespmem:v16+s20+$0x0] =	vst.idx.msk $0xffff, v11  }
0x2e2: {  	[tilespmem:v18+s20+$0x0] =	vst.idx.msk $0xffff, v12;
	v12 =	vor.u32 v59, v27;
	v11 =	vld.idx.msk [tilespmem:v17+s15+$0x0], $0xffff  }
0x2e3: {  	v57 =	vor.u32 v59, v28;
	v6 =	vadd.s32 v60, v52;
	[tilespmem:v20+s20+$0x0] =	vst.idx.msk $0xffff, v13;
	v13 =	vld.idx.msk [tilespmem:v19+s15+$0x0], $0xffff  }
0x2e4: {  	v10 =	vadd.s32 v60, v10;
	[tilespmem:v53+s20+$0x0] =	vst.idx.msk $0xffff, v14;
	v14 =	vor.u32 v59, v31;
	v58 =	vld.idx.msk [tilespmem:v21+s15+$0x0], $0xffff  }
0x2e5: {  	v0 =	vadd.s32 v60, v0;
	[tilespmem:v48+s20+$0x0] =	vst.idx.msk $0xffff, v45;
	v18 =	vld.idx.msk [tilespmem:v54+s15+$0x0], $0xffff;
	v19 =	vor.u32 v59, v32  }
0x2e6: {  	v5 =	vadd.s32 v60, v5;
	[tilespmem:v15+s20+$0x0] =	vst.idx.msk $0xffff, v9  }
0x2e7: {  	v20 =	vld.idx.msk [tilespmem:v44+s15+$0x0], $0xffff;
	[tilespmem:v12+s20+$0x0] =	vst.idx.msk $0xffff, v11  }
0x2e8: {  	[tilespmem:v57+s20+$0x0] =	vst.idx.msk $0xffff, v13;
	v13 =	vor.u32 v61, v27;
	v6 =	vld.idx.msk [tilespmem:v6+s15+$0x0], $0xffff  }
0x2e9: {  	[tilespmem:v14+s20+$0x0] =	vst.idx.msk $0xffff, v58;
	v10 =	vld.idx.msk [tilespmem:v10+s15+$0x0], $0xffff  }
0x2ea: {  	v45 =	vor.u32 v61, v31;
	[tilespmem:v19+s20+$0x0] =	vst.idx.msk $0xffff, v18;
	v0 =	vld.idx.msk [tilespmem:v0+s15+$0x0], $0xffff  }
0x2eb: {  	[tilespmem:v30+s20+$0x0] =	vst.idx.msk $0xffff, v43;
	v12 =	vor.u32 $0x2, v26;
	v5 =	vld.idx.msk [tilespmem:v5+s15+$0x0], $0xffff  }
0x2ec: {  	[tilespmem:v8+s20+$0x0] =	vst.idx.msk $0xffff, v20  }
0x2ed: {  	[tilespmem:v13+s20+$0x0] =	vst.idx.msk $0xffff, v6  }
0x2ee: {  	v9 =	vld.idx.msk [tilespmem:v37+s15+$0x0], $0xffff;
	v14 =	vor.u32 $0x2, v29;
	[tilespmem:v33+s20+$0x0] =	vst.idx.msk $0xffff, v10  }
0x2ef: {  	v11 =	vld.idx.msk [tilespmem:v34+s16+$0x0], $0xffff;
	[tilespmem:v45+s20+$0x0] =	vst.idx.msk $0xffff, v0  }
0x2f0: {  	v15 =	vor.u32 $0x2, v36;
	v12 =	vld.idx.msk [tilespmem:v12+s16+$0x0], $0xffff;
	[tilespmem:v42+s20+$0x0] =	vst.idx.msk $0xffff, v5  }
0x2f1: {  	v46 =	vadd.s32 v1, v38;
	v48 =	vld [tilespmem:$0x1FF80]  }
0x2f2: {  	v10 =	vld.idx.msk [tilespmem:v35+s16+$0x0], $0xffff  }
0x2f3: {  	v13 =	vld.idx.msk [tilespmem:v14+s16+$0x0], $0xffff  }
0x2f4: {  	v0 =	vmul.u32 $0x32, v11;
	v11 =	vld.idx.msk [tilespmem:v40+s16+$0x0], $0xffff  }
0x2f5: {  	v47 =	vadd.s32 v55, v39;
	v8 =	vld.idx.msk [tilespmem:v15+s16+$0x0], $0xffff  }
0x2f6: {  	v6 =	vld.idx.msk [tilespmem:v46+s15+$0x0], $0xffff;
	v15 =	vadd.s32 v62, v0;
	v12 =	vmul.u32 $0x32, v12;
	v14 =	vor.u32 v48, v22  }
0x2f7: {  	v49 =	vadd.s32 v55, v38;
	v10 =	vmul.u32 $0x32, v10  }
0x2f8: {  	v51 =	vadd.s32 v62, v12;
	v13 =	vmul.u32 $0x32, v13  }
0x2f9: {  	v7 =	vld.idx.msk [tilespmem:v7+s15+$0x0], $0xffff;
	[tilespmem:v4+s20+$0x0] =	vst.idx.msk $0xffff, v9;
	v9 =	vmul.u32 $0x32, v11;
	v52 =	vadd.s32 v62, v10  }
0x2fa: {  	v5 =	vld.idx.msk [tilespmem:v47+s15+$0x0], $0xffff;
	v11 =	vor.u32 v56, v23;
	v8 =	vmul.u32 $0x32, v8;
	v18 =	vadd.s32 v62, v13  }
0x2fb: {  	v53 =	vor.u32 v63, v24;
	v15 =	vld.idx.msk [tilespmem:v15+s15+$0x0], $0xffff;
	[tilespmem:v14+s20+$0x0] =	vst.idx.msk $0xffff, v6;
	v14 =	vadd.s32 v62, v9  }
0x2fc: {  	v19 =	vor.u32 v56, v22;
	v20 =	vadd.s32 v62, v8;
	v16 =	vld.idx.msk [tilespmem:v49+s15+$0x0], $0xffff  }
0x2fd: {  	v21 =	vadd.s32 v1, v0;
	v22 =	vor.u32 v63, v25;
	v17 =	vld.idx.msk [tilespmem:v51+s15+$0x0], $0xffff  }
0x2fe: {  	v54 =	vor.u32 v63, v27;
	[tilespmem:v3+s20+$0x0] =	vst.idx.msk $0xffff, v7;
	v3 =	vadd.s32 v1, v12;
	v4 =	vld.idx.msk [tilespmem:v52+s15+$0x0], $0xffff  }
0x2ff: {  	v57 =	vadd.s32 v1, v10;
	[tilespmem:v11+s20+$0x0] =	vst.idx.msk $0xffff, v5;
	v11 =	vor.u32 v63, v28;
	v18 =	vld.idx.msk [tilespmem:v18+s15+$0x0], $0xffff  }
0x300: {  	v58 =	vadd.s32 v1, v13;
	[tilespmem:v53+s20+$0x0] =	vst.idx.msk $0xffff, v15;
	v15 =	vor.u32 v63, v31;
	v14 =	vld.idx.msk [tilespmem:v14+s15+$0x0], $0xffff  }
0x301: {  	v59 =	vadd.s32 v1, v9;
	v20 =	vld.idx.msk [tilespmem:v20+s15+$0x0], $0xffff;
	[tilespmem:v19+s20+$0x0] =	vst.idx.msk $0xffff, v16;
	v19 =	vor.u32 v63, v32  }
0x302: {  	v60 =	vor.u32 v48, v24;
	v21 =	vld.idx.msk [tilespmem:v21+s15+$0x0], $0xffff;
	[tilespmem:v22+s20+$0x0] =	vst.idx.msk $0xffff, v17;
	v22 =	vadd.s32 v1, v8  }
0x303: {  	v0 =	vadd.s32 v55, v0;
	v61 =	vor.u32 v48, v25;
	v3 =	vld.idx.msk [tilespmem:v3+s15+$0x0], $0xffff;
	[tilespmem:v54+s20+$0x0] =	vst.idx.msk $0xffff, v4  }
0x304: {  	v62 =	vadd.s32 v55, v12;
	[tilespmem:v11+s20+$0x0] =	vst.idx.msk $0xffff, v18;
	v11 =	vor.u32 v48, v27;
	v5 =	vld.idx.msk [tilespmem:v57+s15+$0x0], $0xffff  }
0x305: {  	v10 =	vadd.s32 v55, v10;
	v12 =	vor.u32 v48, v28;
	v6 =	vld.idx.msk [tilespmem:v58+s15+$0x0], $0xffff;
	[tilespmem:v15+s20+$0x0] =	vst.idx.msk $0xffff, v14  }
0x306: {  	v13 =	vadd.s32 v55, v13;
	v14 =	vor.u32 v48, v31;
	[tilespmem:v19+s20+$0x0] =	vst.idx.msk $0xffff, v20;
	v15 =	vld.idx.msk [tilespmem:v59+s15+$0x0], $0xffff  }
0x307: {  	v33 =	vor.u32 v48, v32;
	v9 =	vadd.s32 v55, v9;
	[tilespmem:v60+s20+$0x0] =	vst.idx.msk $0xffff, v21;
	v63 =	vld.idx.msk [tilespmem:v22+s15+$0x0], $0xffff  }
0x308: {  	v34 =	vadd.s32 v55, v8;
	v0 =	vld.idx.msk [tilespmem:v0+s15+$0x0], $0xffff;
	[tilespmem:v61+s20+$0x0] =	vst.idx.msk $0xffff, v3;
	v3 =	vor.u32 v56, v24  }
0x309: {  	v35 =	vor.u32 v56, v25;
	v7 =	vld.idx.msk [tilespmem:v62+s15+$0x0], $0xffff;
	[tilespmem:v11+s20+$0x0] =	vst.idx.msk $0xffff, v5  }
0x30a: {  	v8 =	vor.u32 v56, v27;
	[tilespmem:v12+s20+$0x0] =	vst.idx.msk $0xffff, v6;
	v36 =	vld.idx.msk [tilespmem:v10+s15+$0x0], $0xffff  }
0x30b: {  	v10 =	vor.u32 v56, v28;
	v11 =	vld.idx.msk [tilespmem:v13+s15+$0x0], $0xffff;
	[tilespmem:v14+s20+$0x0] =	vst.idx.msk $0xffff, v15  }
0x30c: {  	s26 =	simm.s32 $0x10;
	v1 =	vlaneseq.u32;
	v12 =	vor.u32 v56, v31;
	v9 =	vld.idx.msk [tilespmem:v9+s15+$0x0], $0xffff;
	[tilespmem:v33+s20+$0x0] =	vst.idx.msk $0xffff, v63  }
0x30d: {  	s28 =	simm.s32 $0x0;
	v37 =	vor.u32 s26, v1;
	[tilespmem:v3+s20+$0x0] =	vst.idx.msk $0xffff, v0;
	v0 =	vor.u32 v56, v32;
	v3 =	vld.idx.msk [tilespmem:v34+s15+$0x0], $0xffff  }
0x30e: {  	v38 =	vor.u32 s28, v1;
	v48 =	vshll.u32 v37, $0x7;
	[tilespmem:v35+s20+$0x0] =	vst.idx.msk $0xffff, v7  }
0x30f: {  	v35 =	vshll.u32 v38, $0x7;
	[tilespmem:v8+s20+$0x0] =	vst.idx.msk $0xffff, v36  }
0x310: {  	[tilespmem:v10+s20+$0x0] =	vst.idx.msk $0xffff, v11  }
0x311: {  	[tilespmem:v12+s20+$0x0] =	vst.idx.msk $0xffff, v9  }
0x312: {  	[tilespmem:v0+s20+$0x0] =	vst.idx.msk $0xffff, v3  }
0x313: {  	v0 =	vld.idx.msk [tilespmem:v48+s16+$0x0], $0xffff  }
0x314: {  	v3 =	vld.idx.msk [tilespmem:v35+s16+$0x0], $0xffff  }
0x315: {  	v26 =	vld [tilespmem:$0x1FEB0]  }
0x316: {  	v2 =	vld [tilespmem:$0x1FFC0]  }
0x317: {  	v58 =	vld [tilespmem:$0x1FFD0]  }
0x318: {  	v46 =	vld [tilespmem:$0x1FEC0];
	v0 =	vmul.u32 $0x32, v0  }
0x319: {  	v41 =	vld [tilespmem:$0x1FED0];
	v47 =	vmul.u32 $0x32, v3  }
0x31a: {  	v34 =	vld [tilespmem:$0x1FEE0];
	v3 =	vadd.s32 $0x30, v0  }
0x31b: {  	p0 =	por $0x1, $0x1;
	v4 =	vshll.u32 v37, $0x8;
	v25 =	vld [tilespmem:$0x1FFE0];
	v49 =	vadd.s32 $0x30, v47  }
.Ltmp11:
0x31c: {  	v4 =	vand.u32 $0x7FFFF800, v4;
	v43 =	vor.u32 $0x2, v48;
	v5 =	vshll.u32 v38, $0x8;
	(pc) =	sbr.rel @!p0 .LBB2_21-.Ltmp11, $4  }
0x31d: {  	v54 =	vor.u32 $0x3, v48;
	v1 =	vand.u32 $0x6800, v5;
	v12 =	vor.u32 $0x1, v48  }
0x31e: {  	v10 =	vor.u32 v26, v4;
	v11 =	vor.u32 v2, v4;
	v20 =	vor.u32 v58, v4  }
0x31f: {  	p1 =	por $0x0, $0x0;
	p3 =	por $0x0, $0x0;
	p4 =	por $0x0, $0x0;
	v44 =	vor.u32 v46, v4;
	v32 =	vor.u32 v41, v4;
	v28 =	vor.u32 v34, v4;
	v60 =	vld.idx.msk [tilespmem:v3+s15+$0x0], $0xffff  }
0x320: {  	p5 =	por $0x0, $0x0;
	p2 =	por $0x0, $0x0;
	s26 =	simm.s32 $0x30;
	v40 =	vor.u32 v25, v4;
	v33 =	vor.u32 v26, v1;
	v53 =	vadd.s32 $0x31, v0;
	v63 =	vld.idx.msk [tilespmem:v49+s15+$0x0], $0xffff  }
0x321: {  	v4 =	vlaneseq.u32  }
0x322: {  	s28 =	simm.s32 $0x20;
	v3 =	vadd.s32 $0x31, v47;
	v0 =	vor.u32 s26, v4  }
0x323: {  	v5 =	vor.u32 s28, v4;
	v8 =	vshll.u32 v0, $0x7  }
0x324: {  	[tilespmem:$0x1FC80] =	vst v54;
	v49 =	vshll.u32 v5, $0x7  }
0x325: {  	[tilespmem:v10+s20+$0x0] =	vst.idx.msk $0xffff, v60  }
0x326: {  	[tilespmem:v33+s20+$0x0] =	vst.idx.msk $0xffff, v63;
	v4 =	vld.idx.msk [tilespmem:v53+s15+$0x0], $0xffff  }
0x327: {  	v3 =	vld.idx.msk [tilespmem:v3+s15+$0x0], $0xffff  }
0x328: {  	v6 =	vor.u32 v2, v1;
	v7 =	vld.idx.msk [tilespmem:v8+s16+$0x0], $0xffff  }
0x329: {  	v9 =	vor.u32 $0x1, v35;
	v61 =	vld.idx.msk [tilespmem:v49+s16+$0x0], $0xffff;
	_ =	sdelay $0x2  }
0x32a: {  	[tilespmem:v11+s20+$0x0] =	vst.idx.msk $0xffff, v4  }
0x32b: {  	v0 =	vshll.u32 v0, $0x8;
	[tilespmem:v6+s20+$0x0] =	vst.idx.msk $0xffff, v3;
	v63 =	vld.idx.msk [tilespmem:v12+s16+$0x0], $0xffff;
	v62 =	vmul.u32 $0x32, v7  }
0x32c: {  	v0 =	vand.u32 $0x7FFFF800, v0;
	v9 =	vld.idx.msk [tilespmem:v9+s16+$0x0], $0xffff;
	v47 =	vmul.u32 $0x32, v61  }
0x32d: {  	v22 =	vor.u32 $0x2, v8;
	v38 =	vor.u32 $0x3, v8;
	v12 =	vadd.s32 $0x30, v62  }
0x32e: {  	p0 =	por $0x1, $0x1;
	v14 =	vor.u32 v26, v0;
	v45 =	vor.u32 v41, v0;
	v13 =	vadd.s32 $0x30, v47  }
.Ltmp12:
0x32f: {  	v15 =	vor.u32 v34, v0;
	v24 =	vor.u32 v25, v0;
	v4 =	vor.u32 v46, v0;
	(pc) =	sbr.rel @!p0 .LBB2_23-.Ltmp12, $4  }
0x330: {  	v6 =	vor.u32 v2, v0;
	v7 =	vor.u32 v58, v0;
	v0 =	vshll.u32 v5, $0x8  }
0x331: {  	[tilespmem:$0x1FC90] =	vst v15;
	v52 =	vand.u32 $0x6800, v0;
	v5 =	vmul.u32 $0x32, v63;
	v55 =	vmul.u32 $0x32, v9  }
0x332: {  	v3 =	vor.u32 $0x1, v8;
	v53 =	vadd.s32 $0x31, v62;
	v33 =	vor.u32 v26, v52;
	v60 =	vld.idx.msk [tilespmem:v12+s15+$0x0], $0xffff  }
0x333: {  	p1 =	por $0x1, $0x1;
	s26 =	simm.s32 $0x50;
	v61 =	vmovc v50;
	v59 =	vadd.s32 $0x1930, v5;
	v18 =	vadd.s32 $0x1931, v5;
	v42 =	vadd.s32 $0x1930, v55;
	v63 =	vld.idx.msk [tilespmem:v13+s15+$0x0], $0xffff  }
0x334: {  	_ = 	snop  }
0x335: {  	v8 =	vlaneseq.u32;
	v5 =	vadd.s32 $0x31, v47  }
0x336: {  	s28 =	simm.s32 $0x40;
	v0 =	vor.u32 s26, v8  }
0x337: {  	[tilespmem:$0x1FC00] =	vst v45;
	v8 =	vor.u32 s28, v8;
	v9 =	vshll.u32 v0, $0x7  }
0x338: {  	v12 =	vor.u32 v58, v1;
	v10 =	vld.idx.msk [tilespmem:v42+s15+$0x0], $0xffff;
	v62 =	vshll.u32 v8, $0x7;
	[tilespmem:v14+s20+$0x0] =	vst.idx.msk $0xffff, v60  }
0x339: {  	v13 =	vadd.s32 $0x1931, v55;
	[tilespmem:v33+s20+$0x0] =	vst.idx.msk $0xffff, v63;
	v11 =	vld.idx.msk [tilespmem:v53+s15+$0x0], $0xffff  }
0x33a: {  	v36 =	vor.u32 v2, v52;
	v5 =	vld.idx.msk [tilespmem:v5+s15+$0x0], $0xffff  }
0x33b: {  	v16 =	vor.u32 $0x1, v49;
	v37 =	vld.idx.msk [tilespmem:v59+s15+$0x0], $0xffff  }
0x33c: {  	v15 =	vld.idx.msk [tilespmem:v9+s16+$0x0], $0xffff  }
0x33d: {  	[tilespmem:v12+s20+$0x0] =	vst.idx.msk $0xffff, v10;
	v17 =	vld.idx.msk [tilespmem:v62+s16+$0x0], $0xffff  }
0x33e: {  	v0 =	vshll.u32 v0, $0x8;
	v12 =	vld.idx.msk [tilespmem:v13+s15+$0x0], $0xffff;
	[tilespmem:v6+s20+$0x0] =	vst.idx.msk $0xffff, v11  }
0x33f: {  	v0 =	vand.u32 $0x7FFFF800, v0;
	v19 =	vor.u32 $0x2, v9;
	[tilespmem:v36+s20+$0x0] =	vst.idx.msk $0xffff, v5;
	v60 =	vld.idx.msk [tilespmem:v3+s16+$0x0], $0xffff  }
0x340: {  	v5 =	vor.u32 v46, v1;
	v39 =	vld.idx.msk [tilespmem:v16+s16+$0x0], $0xffff;
	[tilespmem:$0x1FC10] =	vst v19;
	v19 =	vor.u32 v41, v0  }
0x341: {  	v42 =	vor.u32 $0x2, v35;
	v6 =	vmul.u32 $0x32, v15;
	[tilespmem:$0x1FC20] =	vst v19  }
0x342: {  	v23 =	vor.u32 $0x1, v9;
	v63 =	vor.u32 v34, v0;
	v47 =	vmul.u32 $0x32, v17;
	[tilespmem:v20+s20+$0x0] =	vst.idx.msk $0xffff, v37  }
0x343: {  	v50 =	vor.u32 v2, v0;
	v9 =	vor.u32 $0x3, v9;
	v15 =	vadd.s32 $0x30, v6;
	[tilespmem:$0x1FC30] =	vst v63  }
0x344: {  	p0 =	por $0x1, $0x1;
	v57 =	vor.u32 v46, v0;
	v3 =	vor.u32 v58, v0;
	v16 =	vadd.s32 $0x30, v47;
	[tilespmem:$0x1FC40] =	vst v9  }
.Ltmp13:
0x345: {  	v17 =	vor.u32 v26, v0;
	v0 =	vor.u32 v25, v0;
	[tilespmem:v5+s20+$0x0] =	vst.idx.msk $0xffff, v12;
	(pc) =	sbr.rel @!p0 .LBB2_25-.Ltmp13, $4  }
0x346: {  	v27 =	vld.idx.msk [tilespmem:v18+s15+$0x0], $0xffff;
	v5 =	vmul.u32 $0x32, v60;
	[tilespmem:$0x1FC50] =	vst v0  }
0x347: {  	v55 =	vmul.u32 $0x32, v39;
	v0 =	vshll.u32 v8, $0x8;
	v29 =	vld.idx.msk [tilespmem:v42+s16+$0x0], $0xffff  }
0x348: {  	v53 =	vadd.s32 $0x31, v6;
	v56 =	vand.u32 $0x6800, v0;
	v59 =	vadd.s32 $0x1930, v5;
	v60 =	vld.idx.msk [tilespmem:v15+s15+$0x0], $0xffff  }
0x349: {  	p3 =	por $0x1, $0x1;
	s26 =	simm.s32 $0x70;
	v37 =	vadd.s32 $0x1931, v5;
	v42 =	vadd.s32 $0x1930, v55;
	v33 =	vor.u32 v26, v56;
	v63 =	vld.idx.msk [tilespmem:v16+s15+$0x0], $0xffff  }
0x34a: {  	_ =	sdelay $0x2  }
0x34b: {  	[tilespmem:$0x1FBB0] =	vst v40  }
0x34c: {  	s28 =	simm.s32 $0x60;
	v6 =	vlaneseq.u32;
	v5 =	vadd.s32 $0x31, v47;
	[tilespmem:v44+s20+$0x0] =	vst.idx.msk $0xffff, v27  }
0x34d: {  	v0 =	vor.u32 s26, v6;
	v8 =	vor.u32 s28, v6;
	v6 =	vmul.u32 $0x32, v29;
	v10 =	vld.idx.msk [tilespmem:v43+s16+$0x0], $0xffff;
	_ =	sdelay $0x1  }
0x34e: {  	v12 =	vadd.s32 $0x4B30, v6  }
0x34f: {  	v14 =	vor.u32 v58, v52;
	v11 =	vld.idx.msk [tilespmem:v42+s15+$0x0], $0xffff;
	v9 =	vshll.u32 v0, $0x7;
	[tilespmem:v17+s20+$0x0] =	vst.idx.msk $0xffff, v60  }
0x350: {  	v45 =	vshll.u32 v8, $0x7;
	[tilespmem:v33+s20+$0x0] =	vst.idx.msk $0xffff, v63;
	v13 =	vld.idx.msk [tilespmem:v53+s15+$0x0], $0xffff  }
0x351: {  	v15 =	vadd.s32 $0x1931, v55;
	v55 =	vor.u32 v2, v56;
	v5 =	vld.idx.msk [tilespmem:v5+s15+$0x0], $0xffff;
	v10 =	vmul.u32 $0x32, v10  }
0x352: {  	v19 =	vor.u32 $0x1, v62;
	v59 =	vld.idx.msk [tilespmem:v59+s15+$0x0], $0xffff  }
0x353: {  	v20 =	vor.u32 v41, v1;
	v12 =	vld.idx.msk [tilespmem:v12+s15+$0x0], $0xffff;
	v21 =	vadd.s32 $0x4B30, v10  }
0x354: {  	v0 =	vshll.u32 v0, $0x8;
	[tilespmem:v14+s20+$0x0] =	vst.idx.msk $0xffff, v11;
	v16 =	vld.idx.msk [tilespmem:v9+s16+$0x0], $0xffff  }
0x355: {  	v0 =	vand.u32 $0x7FFFF800, v0;
	v18 =	vld.idx.msk [tilespmem:v45+s16+$0x0], $0xffff;
	[tilespmem:v50+s20+$0x0] =	vst.idx.msk $0xffff, v13  }
0x356: {  	v15 =	vld.idx.msk [tilespmem:v15+s15+$0x0], $0xffff;
	[tilespmem:v55+s20+$0x0] =	vst.idx.msk $0xffff, v5;
	v5 =	vor.u32 v58, v0  }
0x357: {  	v13 =	vld.idx.msk [tilespmem:v19+s16+$0x0], $0xffff;
	[tilespmem:$0x1FBC0] =	vst v5  }
0x358: {  	v14 =	vadd.s32 $0x4B31, v6;
	[tilespmem:v20+s20+$0x0] =	vst.idx.msk $0xffff, v12;
	v12 =	vld.idx.msk [tilespmem:v21+s15+$0x0], $0xffff  }
0x359: {  	v10 =	vadd.s32 $0x4B31, v10;
	_ =	sdelay $0x1  }
0x35a: {  	v60 =	vor.u32 v46, v52;
	v16 =	vmul.u32 $0x32, v16;
	v33 =	vld.idx.msk [tilespmem:v23+s16+$0x0], $0xffff;
	[tilespmem:v7+s20+$0x0] =	vst.idx.msk $0xffff, v59  }
0x35b: {  	v39 =	vor.u32 v34, v1;
	v63 =	vor.u32 $0x2, v49;
	v47 =	vmul.u32 $0x32, v18;
	v27 =	vld.idx.msk [tilespmem:v37+s15+$0x0], $0xffff  }
0x35c: {  	v43 =	vor.u32 $0x2, v9;
	v54 =	vor.u32 $0x3, v9;
	v23 =	vadd.s32 $0x30, v16;
	v7 =	vld.idx.msk [tilespmem:v14+s15+$0x0], $0xffff;
	[tilespmem:v32+s20+$0x0] =	vst.idx.msk $0xffff, v12  }
0x35d: {  	p0 =	por $0x0, $0x0;
	v36 =	vor.u32 v26, v0;
	v44 =	vor.u32 v46, v0;
	v20 =	vadd.s32 $0x30, v47;
	v37 =	vld.idx.msk [tilespmem:v10+s15+$0x0], $0xffff  }
.Ltmp14:
0x35e: {  	v30 =	vor.u32 v34, v0;
	v6 =	vor.u32 v2, v0;
	v50 =	vor.u32 v25, v0;
	(pc) =	sbr.rel @!p0 .LBB2_27-.Ltmp14, $4  }
0x35f: {  	[tilespmem:v60+s20+$0x0] =	vst.idx.msk $0xffff, v15;
	v14 =	vor.u32 v41, v0;
	v0 =	vshll.u32 v8, $0x8;
	v55 =	vmul.u32 $0x32, v13  }
0x360: {  	v5 =	vor.u32 $0x1, v9;
	v29 =	vld.idx.msk [tilespmem:v63+s16+$0x0], $0xffff;
	v48 =	vand.u32 $0x6800, v0;
	v8 =	vmul.u32 $0x32, v33  }
0x361: {  	v53 =	vadd.s32 $0x31, v16;
	v33 =	vor.u32 v26, v48;
	v42 =	vadd.s32 $0x1930, v55;
	v60 =	vld.idx.msk [tilespmem:v23+s15+$0x0], $0xffff;
	[tilespmem:v39+s20+$0x0] =	vst.idx.msk $0xffff, v7  }
0x362: {  	p4 =	por $0x1, $0x1;
	s26 =	simm.s32 $0x90;
	v23 =	vor.u32 $0x3, v35;
	v63 =	vld.idx.msk [tilespmem:v20+s15+$0x0], $0xffff;
	v59 =	vadd.s32 $0x1930, v8;
	v32 =	vadd.s32 $0x1931, v8;
	[tilespmem:$0x1FBD0] =	vst v37  }
0x363: {  	[tilespmem:$0x1FAD0] =	vst v14  }
0x364: {  	[tilespmem:$0x1FAE0] =	vst v43  }
0x365: {  	[tilespmem:$0x1FAF0] =	vst v24  }
0x366: {  	[tilespmem:$0x1FB00] =	vst v30  }
0x367: {  	[tilespmem:$0x1FB10] =	vst v50  }
0x368: {  	[tilespmem:$0x1FB20] =	vst v44  }
0x369: {  	v8 =	vlaneseq.u32;
	[tilespmem:v4+s20+$0x0] =	vst.idx.msk $0xffff, v27  }
0x36a: {  	s28 =	simm.s32 $0x80;
	v7 =	vadd.s32 $0x31, v47;
	v0 =	vor.u32 s26, v8;
	[tilespmem:$0x1FB30] =	vst v23  }
0x36b: {  	v8 =	vor.u32 s28, v8;
	v9 =	vshll.u32 v0, $0x7;
	v4 =	vld.idx.msk [tilespmem:v23+s16+$0x0], $0xffff  }
0x36c: {  	v10 =	vmul.u32 $0x32, v29;
	v50 =	vshll.u32 v8, $0x7;
	v11 =	vld.idx.msk [tilespmem:v22+s16+$0x0], $0xffff  }
0x36d: {  	v15 =	vor.u32 v58, v56;
	[tilespmem:v36+s20+$0x0] =	vst.idx.msk $0xffff, v60;
	v12 =	vld.idx.msk [tilespmem:v42+s15+$0x0], $0xffff  }
0x36e: {  	v13 =	vadd.s32 $0x4B30, v10;
	[tilespmem:v33+s20+$0x0] =	vst.idx.msk $0xffff, v63;
	v14 =	vld.idx.msk [tilespmem:v53+s15+$0x0], $0xffff  }
0x36f: {  	v16 =	vadd.s32 $0x1931, v55;
	v18 =	vor.u32 v2, v48;
	v7 =	vld.idx.msk [tilespmem:v7+s15+$0x0], $0xffff  }
0x370: {  	v17 =	vld.idx.msk [tilespmem:v9+s16+$0x0], $0xffff  }
0x371: {  	v20 =	vor.u32 $0x1, v45;
	v19 =	vld.idx.msk [tilespmem:v50+s16+$0x0], $0xffff;
	v11 =	vmul.u32 $0x32, v11  }
0x372: {  	v4 =	vshll.u32 v4, $0x7;
	[tilespmem:v15+s20+$0x0] =	vst.idx.msk $0xffff, v12;
	v12 =	vld.idx.msk [tilespmem:v59+s15+$0x0], $0xffff  }
0x373: {  	v15 =	vor.u32 v41, v52;
	v13 =	vld.idx.msk [tilespmem:v13+s15+$0x0], $0xffff;
	[tilespmem:v6+s20+$0x0] =	vst.idx.msk $0xffff, v14;
	v21 =	vadd.s32 $0x4B30, v11  }
0x374: {  	v10 =	vadd.s32 $0x4B31, v10;
	v16 =	vld.idx.msk [tilespmem:v16+s15+$0x0], $0xffff;
	[tilespmem:v18+s20+$0x0] =	vst.idx.msk $0xffff, v7;
	v7 =	vor.u32 v46, v56  }
0x375: {  	v5 =	vld.idx.msk [tilespmem:v5+s16+$0x0], $0xffff  }
0x376: {  	v14 =	vld.idx.msk [tilespmem:v20+s16+$0x0], $0xffff;
	v47 =	vmul.u32 $0x32, v19  }
0x377: {  	v4 =	vld.idx.msk [tilespmem:v4+s13+$0x0], $0xffff;
	[tilespmem:v3+s20+$0x0] =	vst.idx.msk $0xffff, v12  }
0x378: {  	v0 =	vshll.u32 v0, $0x8;
	v18 =	vor.u32 v25, v1;
	[tilespmem:v15+s20+$0x0] =	vst.idx.msk $0xffff, v13;
	v15 =	vadd.s32 $0x30, v47;
	v13 =	vld.idx.msk [tilespmem:v21+s15+$0x0], $0xffff  }
0x379: {  	v0 =	vand.u32 $0x7FFFF800, v0;
	v3 =	vld.idx.msk [tilespmem:v10+s15+$0x0], $0xffff;
	[tilespmem:v7+s20+$0x0] =	vst.idx.msk $0xffff, v16  }
0x37a: {  	v22 =	vor.u32 v26, v0;
	v16 =	vld.idx.msk [tilespmem:v32+s15+$0x0], $0xffff;
	[tilespmem:$0x1FB40] =	vst v28  }
0x37b: {  	v31 =	vmov v38;
	v38 =	vor.u32 v2, v0;
	v36 =	vor.u32 v58, v0;
	[tilespmem:v28+s20+$0x0] =	vst.idx.msk $0xffff, v37  }
0x37c: {  	v24 =	vor.u32 v46, v0;
	v23 =	vor.u32 v34, v0;
	v30 =	vor.u32 v25, v0;
	v21 =	vld [tilespmem:$0x1FC80]  }
0x37d: {  	v32 =	vor.u32 v41, v0;
	v0 =	vshll.u32 v8, $0x8;
	[tilespmem:v18+s20+$0x0] =	vst.idx.msk $0xffff, v4;
	v63 =	vld.idx.msk [tilespmem:v15+s15+$0x0], $0xffff  }
0x37e: {  	v6 =	vmul.u32 $0x32, v17;
	v15 =	vand.u32 $0x6800, v0;
	v0 =	vld [tilespmem:$0x1FC00]  }
0x37f: {  	v17 =	vor.u32 $0x2, v62  }
0x380: {  	v19 =	vadd.s32 $0x30, v6;
	v7 =	vor.u32 v34, v52;
	_ =	sdelay $0x1  }
0x381: {  	v39 =	vadd.s32 $0x4B31, v11;
	_ =	sdelay $0x1  }
0x382: {  	v17 =	vld.idx.msk [tilespmem:v17+s16+$0x0], $0xffff  }
0x383: {  	v60 =	vld.idx.msk [tilespmem:v19+s15+$0x0], $0xffff;
	[tilespmem:v7+s20+$0x0] =	vst.idx.msk $0xffff, v3  }
0x384: {  	v43 =	vld.idx.msk [tilespmem:v21+s16+$0x0], $0xffff;
	[tilespmem:v0+s20+$0x0] =	vst.idx.msk $0xffff, v13  }
0x385: {  	p0 =	por $0x0, $0x0;
	v37 =	vld.idx.msk [tilespmem:v39+s15+$0x0], $0xffff;
	[tilespmem:$0x1FB50] =	vst v52  }
.Ltmp15:
0x386: {  	[tilespmem:$0x1FB60] =	vst v31;
	(pc) =	sbr.rel @!p0 .LBB2_29-.Ltmp15, $4  }
0x387: {  	v40 =	vor.u32 $0x1, v9;
	v55 =	vmul.u32 $0x32, v14;
	[tilespmem:$0x1FB70] =	vst v62  }
0x388: {  	v53 =	vadd.s32 $0x31, v6;
	v6 =	vor.u32 $0x3, v49;
	v4 =	vmul.u32 $0x32, v5;
	[tilespmem:$0x1FB80] =	vst v57  }
0x389: {  	v51 =	vmovc v54;
	v54 =	vor.u32 $0x3, v9;
	v20 =	vor.u32 $0x2, v9;
	v42 =	vadd.s32 $0x1930, v55;
	[tilespmem:$0x1FB90] =	vst v6  }
0x38a: {  	p5 =	por $0x1, $0x1;
	s26 =	simm.s32 $0xB0;
	v33 =	vor.u32 v26, v15;
	v59 =	vadd.s32 $0x1930, v4;
	v27 =	vadd.s32 $0x1931, v4;
	[tilespmem:$0x1FBA0] =	vst v37  }
0x38b: {  	_ =	sdelay $0x1  }
0x38c: {  	[tilespmem:$0x1FA80] =	vst v1  }
0x38d: {  	[tilespmem:$0x1FA90] =	vst v16  }
0x38e: {  	s28 =	simm.s32 $0xA0;
	v1 =	vlaneseq.u32;
	[tilespmem:v57+s20+$0x0] =	vst.idx.msk $0xffff, v16  }
0x38f: {  	v0 =	vor.u32 s26, v1;
	v9 =	vor.u32 s28, v1;
	v1 =	vld [tilespmem:$0x1FC10];
	_ =	sdelay $0x1  }
0x390: {  	v3 =	vadd.s32 $0x31, v47;
	v5 =	vmul.u32 $0x32, v17  }
0x391: {  	v4 =	vld.idx.msk [tilespmem:v6+s16+$0x0], $0xffff;
	[tilespmem:$0x1FAA0] =	vst v17  }
0x392: {  	v12 =	vor.u32 v58, v48;
	v10 =	vadd.s32 $0x4B30, v5;
	v8 =	vld.idx.msk [tilespmem:v42+s15+$0x0], $0xffff  }
0x393: {  	[tilespmem:v22+s20+$0x0] =	vst.idx.msk $0xffff, v60  }
0x394: {  	[tilespmem:v33+s20+$0x0] =	vst.idx.msk $0xffff, v63;
	v11 =	vld.idx.msk [tilespmem:v53+s15+$0x0], $0xffff  }
0x395: {  	v7 =	vshll.u32 v0, $0x7;
	v3 =	vld.idx.msk [tilespmem:v3+s15+$0x0], $0xffff  }
0x396: {  	v39 =	vshll.u32 v9, $0x7;
	v6 =	vld.idx.msk [tilespmem:v1+s16+$0x0], $0xffff;
	v1 =	vor.u32 v2, v15  }
0x397: {  	v10 =	vld.idx.msk [tilespmem:v10+s15+$0x0], $0xffff;
	[tilespmem:v12+s20+$0x0] =	vst.idx.msk $0xffff, v8;
	v12 =	vor.u32 v41, v56;
	_ =	sdelay $0x1  }
0x398: {  	v13 =	vadd.s32 $0x1931, v55  }
0x399: {  	v14 =	vld.idx.msk [tilespmem:v7+s16+$0x0], $0xffff;
	[tilespmem:v38+s20+$0x0] =	vst.idx.msk $0xffff, v11  }
0x39a: {  	v17 =	vor.u32 $0x1, v50;
	v16 =	vld.idx.msk [tilespmem:v39+s16+$0x0], $0xffff;
	[tilespmem:v1+s20+$0x0] =	vst.idx.msk $0xffff, v3  }
0x39b: {  	v4 =	vshll.u32 v4, $0x7;
	v6 =	vmul.u32 $0x32, v6;
	v29 =	vld [tilespmem:$0x1FC90];
	[tilespmem:v12+s20+$0x0] =	vst.idx.msk $0xffff, v10  }
0x39c: {  	v1 =	vld [tilespmem:$0x1FBC0]  }
0x39d: {  	v13 =	vld.idx.msk [tilespmem:v13+s15+$0x0], $0xffff;
	v3 =	vor.u32 v46, v48;
	v18 =	vadd.s32 $0x4B30, v6  }
0x39e: {  	v5 =	vadd.s32 $0x4B31, v5;
	v8 =	vld.idx.msk [tilespmem:v59+s15+$0x0], $0xffff  }
0x39f: {  	v11 =	vmul.u32 $0x32, v14;
	v14 =	vld.idx.msk [tilespmem:v17+s16+$0x0], $0xffff;
	v17 =	vor.u32 $0x2, v45  }
0x3a0: {  	v0 =	vshll.u32 v0, $0x8;
	v19 =	vld.idx.msk [tilespmem:v4+s13+$0x0], $0xffff  }
0x3a1: {  	v28 =	vor.u32 v25, v52;
	v0 =	vand.u32 $0x7FFFF800, v0;
	v47 =	vmul.u32 $0x32, v16;
	v16 =	vld.idx.msk [tilespmem:v40+s16+$0x0], $0xffff  }
0x3a2: {  	v35 =	vmov v45;
	v44 =	vor.u32 v26, v0;
	[tilespmem:v3+s20+$0x0] =	vst.idx.msk $0xffff, v13;
	v10 =	vld.idx.msk [tilespmem:v18+s15+$0x0], $0xffff  }
0x3a3: {  	v61 =	vor.u32 v58, v0;
	v38 =	vor.u32 v46, v0;
	v18 =	vld.idx.msk [tilespmem:v5+s15+$0x0], $0xffff;
	[tilespmem:v29+s20+$0x0] =	vst.idx.msk $0xffff, v37  }
0x3a4: {  	v4 =	vor.u32 v2, v0;
	v45 =	vor.u32 v41, v0;
	v29 =	vld.idx.msk [tilespmem:v17+s16+$0x0], $0xffff;
	[tilespmem:v1+s20+$0x0] =	vst.idx.msk $0xffff, v8  }
0x3a5: {  	v3 =	vor.u32 $0x3, v7;
	v5 =	vor.u32 $0x1, v7;
	v37 =	vor.u32 v34, v0;
	v27 =	vld.idx.msk [tilespmem:v27+s15+$0x0], $0xffff;
	[tilespmem:$0x1FAB0] =	vst v43  }
0x3a6: {  	v8 =	vor.u32 $0x2, v7;
	v7 =	vor.u32 v25, v0;
	v0 =	vshll.u32 v9, $0x8;
	[tilespmem:v28+s20+$0x0] =	vst.idx.msk $0xffff, v19  }
0x3a7: {  	v9 =	vand.u32 $0x6800, v0;
	v0 =	vld [tilespmem:$0x1FC20];
	_ =	sdelay $0x1  }
0x3a8: {  	v21 =	vadd.s32 $0x30, v11  }
0x3a9: {  	v12 =	vadd.s32 $0x30, v47  }
0x3aa: {  	v6 =	vadd.s32 $0x4B31, v6;
	v13 =	vor.u32 v34, v56;
	_ =	sdelay $0x1  }
0x3ab: {  	v57 =	vld.idx.msk [tilespmem:v31+s16+$0x0], $0xffff  }
0x3ac: {  	v60 =	vld.idx.msk [tilespmem:v21+s15+$0x0], $0xffff  }
0x3ad: {  	v63 =	vld.idx.msk [tilespmem:v12+s15+$0x0], $0xffff;
	[tilespmem:v0+s20+$0x0] =	vst.idx.msk $0xffff, v10  }
0x3ae: {  	[tilespmem:v13+s20+$0x0] =	vst.idx.msk $0xffff, v18;
	v41 =	vld.idx.msk [tilespmem:v6+s15+$0x0], $0xffff  }
0x3af: {  	v33 =	vor.u32 v26, v9;
	v26 =	vld [tilespmem:$0x1FC30]  }
0x3b0: {  	v34 =	vld [tilespmem:$0x1FBB0]  }
0x3b1: {  	v31 =	vld [tilespmem:$0x1FAF0]  }
0x3b2: {  	v46 =	vld [tilespmem:$0x1FC50]  }
0x3b3: {  	p0 =	por $0x0, $0x0;
	v49 =	vld [tilespmem:$0x1FC40]  }
.Ltmp16:
0x3b4: {  	v40 =	vmov v56;
	[tilespmem:$0x1FAC0] =	vst v56;
	v56 =	vld [tilespmem:$0x1FAE0];
	(pc) =	sbr.rel @!p0 .LBB2_31-.Ltmp16, $4  }
0x3b5: {  	v22 =	vmov v51;
	v51 =	vshll.u32 v43, $0x7;
	v55 =	vmul.u32 $0x32, v14;
	v43 =	vld [tilespmem:$0x1FB10]  }
0x3b6: {  	v62 =	vor.u32 $0x3, v62;
	v53 =	vadd.s32 $0x31, v11;
	v11 =	vmul.u32 $0x32, v16;
	v58 =	vld [tilespmem:$0x1FB00]  }
0x3b7: {  	v42 =	vadd.s32 $0x1930, v55;
	v18 =	vmov v48;
	v48 =	vmov v31;
	v31 =	vld [tilespmem:$0x1FB20]  }
0x3b8: {  	p6 =	por $0x1, $0x1;
	s26 =	simm.s32 $0xA;
	s28 =	simm.s32 $0xD0;
	v59 =	vadd.s32 $0x1930, v11;
	v12 =	vadd.s32 $0x1931, v11;
	v6 =	vld [tilespmem:$0x1FAD0]  }
.LBB2_32:
0x3b9: {  	_ =	sdelay $0x1  }
0x3ba: {  	v11 =	vld.idx.msk [tilespmem:v62+s16+$0x0], $0xffff  }
0x3bb: {  	v21 =	vld.idx.msk [tilespmem:v42+s15+$0x0], $0xffff  }
0x3bc: {  	v1 =	vmov v38;
	v25 =	vld [tilespmem:$0x1FEB0]  }
0x3bd: {  	v28 =	vmov v54;
	v54 =	vld [tilespmem:$0x1FEE0];
	[tilespmem:$0x1FA70] =	vst v1  }
0x3be: {  	v1 =	vld [tilespmem:$0x1FED0];
	[tilespmem:v31+s20+$0x0] =	vst.idx.msk $0xffff, v27  }
0x3bf: {  	v13 =	vlaneseq.u32;
	v16 =	vld.idx.msk [tilespmem:v56+s16+$0x0], $0xffff  }
0x3c0: {  	s29 =	sadd.s32 $0xFFFFFFF0, s28;
	v10 =	vadd.s32 $0x31, v47;
	v0 =	vor.u32 s28, v13;
	[tilespmem:v33+s20+$0x0] =	vst.idx.msk $0xffff, v63;
	v63 =	vld [tilespmem:$0x1FFD0]  }
0x3c1: {  	v2 =	vor.u32 s29, v13;
	v13 =	vshll.u32 v0, $0x7;
	v14 =	vmul.u32 $0x32, v29;
	v19 =	vld.idx.msk [tilespmem:v51+s13+$0x0], $0xffff  }
0x3c2: {  	v17 =	vshll.u32 v2, $0x7;
	v31 =	vmov v24;
	v24 =	vmov v45;
	v45 =	vld [tilespmem:$0x1FFC0]  }
0x3c3: {  	[tilespmem:v44+s20+$0x0] =	vst.idx.msk $0xffff, v60;
	v27 =	vadd.s32 $0x4B30, v14;
	v51 =	vmov v57;
	v57 =	vmov v59;
	v59 =	vld [tilespmem:$0x1FEC0]  }
0x3c4: {  	v29 =	vld.idx.msk [tilespmem:v53+s15+$0x0], $0xffff  }
0x3c5: {  	v0 =	vshll.u32 v0, $0x8;
	v10 =	vld.idx.msk [tilespmem:v10+s15+$0x0], $0xffff;
	v33 =	vor.u32 v63, v15  }
0x3c6: {  	v47 =	vadd.s32 $0x1931, v55;
	v52 =	vor.u32 $0x1, v13;
	v0 =	vand.u32 $0x7FFFF800, v0;
	v56 =	vmovc v20;
	v53 =	vld.idx.msk [tilespmem:v13+s16+$0x0], $0xffff  }
0x3c7: {  	v20 =	vmov v8;
	v14 =	vadd.s32 $0x4B31, v14;
	v62 =	vld.idx.msk [tilespmem:v17+s16+$0x0], $0xffff;
	[tilespmem:v26+s20+$0x0] =	vst.idx.msk $0xffff, v41;
	v55 =	vor.u32 v45, v9  }
0x3c8: {  	v11 =	vshll.u32 v11, $0x7;
	v41 =	vor.u32 v54, v0;
	v16 =	vmul.u32 $0x32, v16;
	v27 =	vld.idx.msk [tilespmem:v27+s15+$0x0], $0xffff;
	[tilespmem:v34+s20+$0x0] =	vst.idx.msk $0xffff, v19  }
0x3c9: {  	v26 =	vmov v58;
	v60 =	vor.u32 v63, v0;
	v63 =	vor.u32 $0x1, v39;
	v19 =	vld.idx.msk [tilespmem:v57+s15+$0x0], $0xffff;
	[tilespmem:v4+s20+$0x0] =	vst.idx.msk $0xffff, v29  }
0x3ca: {  	v42 =	vor.u32 v45, v0;
	v34 =	vld [tilespmem:$0x1FFE0];
	[tilespmem:v33+s20+$0x0] =	vst.idx.msk $0xffff, v21;
	v21 =	vor.u32 v1, v18;
	v33 =	vadd.s32 $0x4B30, v16  }
0x3cb: {  	v58 =	vmovc v23;
	v23 =	vmovc v37;
	v37 =	vmov v41;
	v4 =	vmov v42;
	v41 =	vld.idx.msk [tilespmem:v5+s16+$0x0], $0xffff;
	v42 =	vmul.u32 $0x32, v53  }
0x3cc: {  	v8 =	vor.u32 $0x2, v13;
	v44 =	vor.u32 v25, v0;
	v51 =	vshll.u32 v51, $0x7;
	v29 =	vld.idx.msk [tilespmem:v47+s15+$0x0], $0xffff;
	[tilespmem:v55+s20+$0x0] =	vst.idx.msk $0xffff, v10  }
0x3cd: {  	v38 =	vor.u32 v59, v0;
	v5 =	vmovc v52;
	v52 =	vadd.s32 $0x30, v42;
	v10 =	vor.u32 v59, v15;
	v11 =	vld.idx.msk [tilespmem:v11+s13+$0x0], $0xffff  }
0x3ce: {  	v45 =	vor.u32 v1, v0;
	v57 =	vor.u32 $0x2, v50;
	v47 =	vmul.u32 $0x32, v62;
	v55 =	vld.idx.msk [tilespmem:v63+s16+$0x0], $0xffff  }
0x3cf: {  	v13 =	vor.u32 $0x3, v13;
	v16 =	vadd.s32 $0x4B31, v16;
	v59 =	vor.u32 v34, v40;
	[tilespmem:v21+s20+$0x0] =	vst.idx.msk $0xffff, v27;
	v21 =	vld.idx.msk [tilespmem:v33+s15+$0x0], $0xffff  }
0x3d0: {  	v0 =	vor.u32 v34, v0;
	v34 =	vmov v48;
	v33 =	vadd.s32 $0x30, v47;
	[tilespmem:v36+s20+$0x0] =	vst.idx.msk $0xffff, v19;
	v14 =	vld.idx.msk [tilespmem:v14+s15+$0x0], $0xffff  }
0x3d1: {  	s26 =	sadd.s32 $0x2, s26;
	v48 =	vmovc v46;
	v46 =	vmovc v43;
	v43 =	vmov v30;
	v30 =	vmov v7;
	v7 =	vmov v0;
	v27 =	vld.idx.msk [tilespmem:v12+s15+$0x0], $0xffff  }
0x3d2: {  	p0 =	slt.u32 s26, $0x6;
	v0 =	vor.u32 v54, v18;
	v36 =	vmov v61;
	v61 =	vmov v60;
	[tilespmem:v10+s20+$0x0] =	vst.idx.msk $0xffff, v29;
	v60 =	vld.idx.msk [tilespmem:v52+s15+$0x0], $0xffff  }
.Ltmp17:
0x3d3: {  	v53 =	vadd.s32 $0x31, v42;
	v40 =	vmovc v18;
	v18 =	vmovc v15;
	v62 =	vor.u32 $0x3, v35;
	v35 =	vmov v50;
	v29 =	vld.idx.msk [tilespmem:v57+s16+$0x0], $0xffff;
	(pc) =	sbr.rel @p0 .LBB2_32-.Ltmp17, $4  }
0x3d4: {  	v50 =	vmovc v39;
	v39 =	vmov v17;
	v54 =	vmov v3;
	[tilespmem:v59+s20+$0x0] =	vst.idx.msk $0xffff, v11;
	v55 =	vmul.u32 $0x32, v55;
	v57 =	vld.idx.msk [tilespmem:v49+s16+$0x0], $0xffff  }
0x3d5: {  	v3 =	vmovc v13;
	v15 =	vmovc v9;
	v10 =	vshll.u32 v2, $0x8;
	v49 =	vmov v22;
	v11 =	vmul.u32 $0x32, v41;
	v63 =	vld.idx.msk [tilespmem:v33+s15+$0x0], $0xffff  }
0x3d6: {  	v22 =	vmovc v28;
	v9 =	vand.u32 $0x6800, v10;
	v42 =	vadd.s32 $0x1930, v55;
	[tilespmem:v6+s20+$0x0] =	vst.idx.msk $0xffff, v21;
	v6 =	vmovc v32;
	v32 =	vmov v24;
	v24 =	vld [tilespmem:$0x1FA70]  }
0x3d7: {  	s28 =	sadd.s32 $0x20, s28;
	v59 =	vadd.s32 $0x1930, v11;
	v12 =	vadd.s32 $0x1931, v11;
	v33 =	vor.u32 v25, v9;
	[tilespmem:v0+s20+$0x0] =	vst.idx.msk $0xffff, v14;
	v41 =	vld.idx.msk [tilespmem:v16+s15+$0x0], $0xffff  }
0x3d8: {  	v2 =	vld [tilespmem:$0x1FFC0]  }
0x3d9: {  	v14 =	vmovc v43;
	v43 =	vmovc v8;
	v8 =	vmov v5;
	v5 =	vmov v36;
	v36 =	vmov v58;
	v58 =	vld [tilespmem:$0x1FFD0]  }
0x3da: {  	v25 =	vld [tilespmem:$0x1FFE0]  }
0x3db: {  	[tilespmem:$0x1FC60] =	vst v20;
	v20 =	vmov v61;
	v61 =	vld [tilespmem:$0x1FFF0]  }
0x3dc: {  	v1 =	vld [tilespmem:$0x1FA80]  }
0x3dd: {  	v21 =	vld [tilespmem:$0x1FC80]  }
0x3de: {  	v28 =	vld [tilespmem:$0x1FB40]  }
0x3df: {  	[tilespmem:$0x1FC70] =	vst v30;
	v30 =	vmov v37;
	v37 =	vld [tilespmem:$0x1FAF0]  }
0x3e0: {  	[tilespmem:$0x1FBE0] =	vst v56;
	v56 =	vld [tilespmem:$0x1FAC0]  }
0x3e1: {  	v10 =	vmov v44;
	v44 =	vmov v38;
	v38 =	vmov v23;
	v23 =	vld [tilespmem:$0x1FB30]  }
0x3e2: {  	v13 =	vmov v15;
	[tilespmem:$0x1FBF0] =	vst v22;
	v22 =	vld [tilespmem:$0x1FAB0]  }
0x3e3: {  	v15 =	vmovc v9;
	v11 =	vmovc v4;
	v4 =	vmov v54;
	v54 =	vmov v3;
	v19 =	vmov v50;
	v16 =	vld [tilespmem:$0x1FA90]  }
0x3e4: {  	v50 =	vmovc v7;
	v17 =	vld [tilespmem:$0x1FAA0];
	v52 =	vmovc v40;
	v40 =	vmov v14;
	v14 =	vmov v31;
	v31 =	vmov v4  }
.LBB2_34:
0x3e5: {  	v0 =	vadd.s32 $0x31, v47;
	_ =	sdelay $0x3  }
0x3e6: {  	[tilespmem:v33+s20+$0x0] =	vst.idx.msk $0xffff, v63  }
0x3e7: {  	v3 =	vor.u32 v2, v15;
	v0 =	vld.idx.msk [tilespmem:v0+s15+$0x0], $0xffff  }
0x3e8: {  	v4 =	vor.u32 $0x1, v39;
	_ =	sdelay $0x3  }
0x3e9: {  	[tilespmem:v3+s20+$0x0] =	vst.idx.msk $0xffff, v0  }
0x3ea: {  	v0 =	vld.idx.msk [tilespmem:v4+s16+$0x0], $0xffff  }
0x3eb: {  	[tilespmem:v10+s20+$0x0] =	vst.idx.msk $0xffff, v60  }
0x3ec: {  	v3 =	vld.idx.msk [tilespmem:v53+s15+$0x0], $0xffff;
	_ =	sdelay $0x2  }
0x3ed: {  	v0 =	vmul.u32 $0x32, v0;
	_ =	sdelay $0x1  }
0x3ee: {  	[tilespmem:v11+s20+$0x0] =	vst.idx.msk $0xffff, v3;
	v3 =	vadd.s32 $0x1930, v0;
	_ =	sdelay $0x1  }
0x3ef: {  	v7 =	vld.idx.msk @p1 [tilespmem:v42+s15+$0x0], $0xffff  }
0x3f0: {  	v10 =	vld.idx.msk @p1 [tilespmem:v59+s15+$0x0], $0xffff  }
0x3f1: {  	v53 =	vld.idx.msk [tilespmem:v8+s16+$0x0], $0xffff;
	v8 =	vor.u32 @p1 v58, v13  }
0x3f2: {  	v11 =	vor.u32 v58, v15;
	v3 =	vld.idx.msk [tilespmem:v3+s15+$0x0], $0xffff;
	_ =	sdelay $0x2  }
0x3f3: {  	[tilespmem:v5+s20+$0x0] =	vst.idx.msk @p1 $0xffff, v10  }
0x3f4: {  	[tilespmem:v8+s20+$0x0] =	vst.idx.msk @p1 $0xffff, v7  }
0x3f5: {  	v9 =	vadd.s32 @p1 $0x1931, v55;
	v33 =	vmov v13;
	v13 =	vld [tilespmem:$0x1FEC0];
	[tilespmem:v11+s20+$0x0] =	vst.idx.msk $0xffff, v3  }
0x3f6: {  	v3 =	vld [tilespmem:$0x1FB80];
	_ =	sdelay $0x1  }
0x3f7: {  	v4 =	vmul.u32 $0x32, v53;
	_ =	sdelay $0x1  }
0x3f8: {  	v5 =	vld.idx.msk @p1 [tilespmem:v9+s15+$0x0], $0xffff;
	v9 =	vmov @p1 v24;
	v8 =	vadd.s32 $0x1930, v4  }
0x3f9: {  	v0 =	vadd.s32 $0x1931, v0;
	v3 =	vpsel p1, v9, v3;
	v9 =	vld [tilespmem:$0x1FC60];
	[tilespmem:v14+s20+$0x0] =	vst.idx.msk @p3 $0xffff, v27  }
0x3fa: {  	v7 =	vor.u32 @p1 v13, v33;
	v11 =	vld [tilespmem:$0x1FC10]  }
0x3fb: {  	v10 =	vld.idx.msk @p1 [tilespmem:v12+s15+$0x0], $0xffff;
	v12 =	vor.u32 @p1 $0x2, v19;
	_ =	sdelay $0x1  }
0x3fc: {  	v55 =	vld.idx.msk [tilespmem:v8+s15+$0x0], $0xffff  }
0x3fd: {  	v0 =	vld.idx.msk [tilespmem:v0+s15+$0x0], $0xffff  }
0x3fe: {  	v9 =	vpsel p1, v9, v11;
	v11 =	vor.u32 v13, v15;
	v13 =	vld [tilespmem:$0x1FBE0];
	[tilespmem:v7+s20+$0x0] =	vst.idx.msk @p1 $0xffff, v5  }
0x3ff: {  	v8 =	vpsel p1, v10, v16;
	v10 =	vld.idx.msk @p1 [tilespmem:v12+s16+$0x0], $0xffff;
	_ =	sdelay $0x1  }
0x400: {  	[tilespmem:v3+s20+$0x0] =	vst.idx.msk @p1 $0xffff, v8  }
0x401: {  	v14 =	vor.u32 $0x2, v39;
	v5 =	vmul.u32 @p3 $0x32, v29;
	[tilespmem:v20+s20+$0x0] =	vst.idx.msk $0xffff, v55  }
0x402: {  	v4 =	vadd.s32 $0x1931, v4;
	[tilespmem:v11+s20+$0x0] =	vst.idx.msk $0xffff, v0  }
0x403: {  	v3 =	vadd.s32 @p3 $0x4B30, v5;
	v10 =	vpsel p1, v10, v17;
	v17 =	vld [tilespmem:$0x1FED0]  }
0x404: {  	v0 =	vld.idx.msk @p1 [tilespmem:v9+s16+$0x0], $0xffff  }
0x405: {  	v13 =	vld.idx.msk @p3 [tilespmem:v13+s16+$0x0], $0xffff  }
0x406: {  	v9 =	vld.idx.msk [tilespmem:v14+s16+$0x0], $0xffff  }
0x407: {  	v4 =	vld.idx.msk [tilespmem:v4+s15+$0x0], $0xffff  }
0x408: {  	v3 =	vld.idx.msk @p3 [tilespmem:v3+s15+$0x0], $0xffff;
	v11 =	vor.u32 @p3 v17, v18  }
0x409: {  	v10 =	vmul.u32 @p1 $0x32, v10  }
0x40a: {  	v8 =	vmul.u32 @p3 $0x32, v13  }
0x40b: {  	v12 =	vadd.s32 @p1 $0x4B30, v10;
	v9 =	vmul.u32 $0x32, v9  }
0x40c: {  	[tilespmem:v44+s20+$0x0] =	vst.idx.msk $0xffff, v4;
	v7 =	vadd.s32 @p3 $0x4B30, v8  }
0x40d: {  	v0 =	vmul.u32 @p1 $0x32, v0;
	v58 =	vadd.s32 $0x4B30, v9;
	[tilespmem:v11+s20+$0x0] =	vst.idx.msk @p3 $0xffff, v3  }
0x40e: {  	v27 =	vmov v18;
	v5 =	vadd.s32 @p3 $0x4B31, v5;
	v3 =	vmov @p1 v33;
	v18 =	vld [tilespmem:$0x1FEE0]  }
0x40f: {  	v13 =	vadd.s32 @p1 $0x4B30, v0;
	v3 =	vpsel p1, v3, v56;
	v20 =	vld [tilespmem:$0x1FC20]  }
0x410: {  	v12 =	vld.idx.msk @p1 [tilespmem:v12+s15+$0x0], $0xffff;
	v16 =	vor.u32 @p1 v17, v3  }
0x411: {  	v59 =	vmov v15;
	v4 =	vld.idx.msk @p3 [tilespmem:v7+s15+$0x0], $0xffff  }
0x412: {  	v17 =	vor.u32 v17, v59;
	v7 =	vld.idx.msk [tilespmem:v58+s15+$0x0], $0xffff  }
0x413: {  	v15 =	vmov @p1 v32;
	v5 =	vld.idx.msk @p3 [tilespmem:v5+s15+$0x0], $0xffff;
	v14 =	vor.u32 @p3 v18, v27  }
0x414: {  	[tilespmem:v26+s20+$0x0] =	vst.idx.msk @p4 $0xffff, v41;
	v13 =	vld.idx.msk @p1 [tilespmem:v13+s15+$0x0], $0xffff;
	v15 =	vpsel p1, v15, v20  }
0x415: {  	v11 =	vld.idx.msk [tilespmem:v43+s16+$0x0], $0xffff;
	[tilespmem:v16+s20+$0x0] =	vst.idx.msk @p1 $0xffff, v12  }
0x416: {  	[tilespmem:v6+s20+$0x0] =	vst.idx.msk @p3 $0xffff, v4  }
0x417: {  	[tilespmem:v17+s20+$0x0] =	vst.idx.msk $0xffff, v7  }
0x418: {  	v8 =	vadd.s32 @p3 $0x4B31, v8;
	[tilespmem:v14+s20+$0x0] =	vst.idx.msk @p3 $0xffff, v5  }
0x419: {  	[tilespmem:v15+s20+$0x0] =	vst.idx.msk @p1 $0xffff, v13  }
0x41a: {  	v60 =	vmul.u32 $0x32, v11;
	v11 =	vld [tilespmem:$0x1FB90];
	_ =	sdelay $0x2  }
0x41b: {  	v5 =	vld.idx.msk @p3 [tilespmem:v8+s15+$0x0], $0xffff;
	v8 =	vadd.s32 $0x4B30, v60  }
0x41c: {  	v4 =	vadd.s32 @p1 $0x4B31, v10;
	v10 =	vor.u32 @p3 $0x3, v35;
	v14 =	vld [tilespmem:$0x1FBA0]  }
0x41d: {  	v10 =	vpsel p3, v10, v11;
	v11 =	vld [tilespmem:$0x1FC90]  }
0x41e: {  	v13 =	vld [tilespmem:$0x1FC30];
	_ =	sdelay $0x1  }
0x41f: {  	v8 =	vld.idx.msk [tilespmem:v8+s15+$0x0], $0xffff  }
0x420: {  	v7 =	vmov @p3 v36;
	v5 =	vpsel p3, v5, v14;
	v14 =	vld [tilespmem:$0x1FB70]  }
0x421: {  	v7 =	vpsel p3, v7, v11;
	v11 =	vmov @p1 v38  }
0x422: {  	v0 =	vadd.s32 @p1 $0x4B31, v0;
	v4 =	vld.idx.msk @p1 [tilespmem:v4+s15+$0x0], $0xffff;
	v11 =	vpsel p1, v11, v13;
	v13 =	vor.u32 @p1 v18, v3  }
0x423: {  	v15 =	vld [tilespmem:$0x1FB60]  }
0x424: {  	v12 =	vmov @p1 v19;
	v17 =	vld [tilespmem:$0x1FC40]  }
0x425: {  	v9 =	vadd.s32 $0x4B31, v9;
	v12 =	vpsel p1, v12, v14;
	v14 =	vld [tilespmem:$0x1FBF0];
	[tilespmem:v45+s20+$0x0] =	vst.idx.msk $0xffff, v8  }
0x426: {  	[tilespmem:v7+s20+$0x0] =	vst.idx.msk @p3 $0xffff, v5  }
0x427: {  	v0 =	vld.idx.msk @p1 [tilespmem:v0+s15+$0x0], $0xffff;
	[tilespmem:v13+s20+$0x0] =	vst.idx.msk @p1 $0xffff, v4  }
0x428: {  	v8 =	vld [tilespmem:$0x1FBD0]  }
0x429: {  	v16 =	vmov @p1 v31;
	v6 =	vadd.s32 $0x4B31, v60;
	v11 =	vpsel p1, v11, v28  }
0x42a: {  	v9 =	vld.idx.msk [tilespmem:v9+s15+$0x0], $0xffff;
	v16 =	vpsel p1, v16, v17;
	v17 =	vor.u32 v18, v59;
	v14 =	vpsel p3, v14, v15;
	_ =	sdelay $0x1  }
0x42b: {  	v12 =	vor.u32 @p1 $0x3, v12;
	v15 =	vld.idx.msk @p4 [tilespmem:v49+s16+$0x0], $0xffff  }
0x42c: {  	v5 =	vpsel p1, v12, v23;
	v7 =	vld.idx.msk @p4 [tilespmem:v62+s16+$0x0], $0xffff;
	v0 =	vpsel p1, v0, v8  }
0x42d: {  	[tilespmem:v11+s20+$0x0] =	vst.idx.msk @p1 $0xffff, v0;
	v0 =	vld.idx.msk [tilespmem:v6+s15+$0x0], $0xffff  }
0x42e: {  	[tilespmem:v17+s20+$0x0] =	vst.idx.msk $0xffff, v9;
	v11 =	vld.idx.msk @p3 [tilespmem:v14+s16+$0x0], $0xffff  }
0x42f: {  	v13 =	vld [tilespmem:$0x1FC70]  }
0x430: {  	v14 =	vld [tilespmem:$0x1FC50]  }
0x431: {  	v12 =	vmov @p1 v16;
	v5 =	vld.idx.msk @p1 [tilespmem:v5+s16+$0x0], $0xffff  }
0x432: {  	v4 =	vpsel p1, v12, v21;
	v8 =	vld.idx.msk @p3 [tilespmem:v10+s16+$0x0], $0xffff  }
0x433: {  	v12 =	vld [tilespmem:$0x1FB50];
	[tilespmem:v30+s20+$0x0] =	vst.idx.msk $0xffff, v0  }
0x434: {  	v17 =	vld [tilespmem:$0x1FBB0]  }
0x435: {  	v10 =	vor.u32 $0x3, v39;
	v13 =	vpsel p1, v13, v14;
	v14 =	vshll.u32 @p5 v57, $0x7;
	v16 =	vld.idx.msk [tilespmem:v54+s16+$0x0], $0xffff  }
0x436: {  	v14 =	vpsel p5, v14, v0;
	v0 =	vld.idx.msk @p6 [tilespmem:v51+s13+$0x0], $0xffff  }
0x437: {  	v9 =	vmov @p3 v27;
	v7 =	vshll.u32 @p4 v7, $0x7;
	v6 =	vpsel p4, v15, v22;
	v4 =	vld.idx.msk @p1 [tilespmem:v4+s16+$0x0], $0xffff  }
0x438: {  	v6 =	vshll.u32 @p4 v6, $0x7;
	v8 =	vshll.u32 @p3 v8, $0x7;
	v9 =	vpsel p3, v9, v12;
	v12 =	vmovc @p3 v40  }
0x439: {  	v15 =	vmovc @p4 v46;
	v5 =	vshll.u32 @p1 v5, $0x7;
	v12 =	vpsel p3, v12, v37;
	v9 =	vor.u32 @p3 v25, v9  }
0x43a: {  	v10 =	vld.idx.msk [tilespmem:v10+s16+$0x0], $0xffff;
	v15 =	vpsel p4, v15, v17;
	v13 =	vpsel p1, v13, v17;
	v17 =	vor.u32 @p4 v25, v52  }
0x43b: {  	v18 =	vmovc @p5 v48;
	v16 =	vshll.u32 v16, $0x7;
	v6 =	vpsel p4, v6, v0;
	v11 =	vpsel p3, v11, v0  }
0x43c: {  	v7 =	vld.idx.msk @p4 [tilespmem:v7+s13+$0x0], $0xffff;
	v4 =	vpsel p1, v4, v0;
	v18 =	vpsel p5, v18, v0;
	v15 =	vpsel p4, v15, v0  }
0x43d: {  	v8 =	vld.idx.msk @p3 [tilespmem:v8+s13+$0x0], $0xffff;
	v12 =	vpsel p3, v12, v0;
	v11 =	vshll.u32 @p3 v11, $0x7;
	v4 =	vshll.u32 @p1 v4, $0x7  }
0x43e: {  	[tilespmem:v34+s20+$0x0] =	vst.idx.msk @p6 $0xffff, v0;
	v11 =	vpsel p3, v11, v0;
	v4 =	vpsel p1, v4, v0;
	v0 =	vld.idx.msk @p1 [tilespmem:v5+s13+$0x0], $0xffff  }
0x43f: {  	v3 =	vpsel p1, v3, v1;
	v10 =	vshll.u32 v10, $0x7;
	v14 =	vld.idx.msk @p5 [tilespmem:v14+s13+$0x0], $0xffff  }
0x440: {  	v3 =	vor.u32 @p1 v25, v3  }
0x441: {  	v63 =	vld.idx.msk [tilespmem:v16+s13+$0x0], $0xffff  }
0x442: {  	v5 =	vmov @p3 v12;
	[tilespmem:v9+s20+$0x0] =	vst.idx.msk @p3 $0xffff, v8;
	v6 =	vld.idx.msk @p4 [tilespmem:v6+s13+$0x0], $0xffff  }
0x443: {  	v12 =	vmov @p1 v13;
	[tilespmem:v17+s20+$0x0] =	vst.idx.msk @p4 $0xffff, v7;
	v5 =	vpsel p3, v5, v0;
	v11 =	vld.idx.msk @p3 [tilespmem:v11+s13+$0x0], $0xffff  }
0x444: {  	v10 =	vld.idx.msk [tilespmem:v10+s13+$0x0], $0xffff;
	[tilespmem:v18+s20+$0x0] =	vst.idx.msk @p5 $0xffff, v14;
	v62 =	vpsel p1, v12, v0;
	v12 =	vor.u32 v25, v59  }
0x445: {  	v4 =	vld.idx.msk @p1 [tilespmem:v4+s13+$0x0], $0xffff;
	[tilespmem:v3+s20+$0x0] =	vst.idx.msk @p1 $0xffff, v0;
	v7 =	vpsel p1, v62, v0  }
0x446: {  	[tilespmem:v50+s20+$0x0] =	vst.idx.msk $0xffff, v63  }
0x447: {  	[tilespmem:v15+s20+$0x0] =	vst.idx.msk @p4 $0xffff, v6  }
0x448: {  	[tilespmem:v5+s20+$0x0] =	vst.idx.msk @p3 $0xffff, v11  }
0x449: {  	[tilespmem:v12+s20+$0x0] =	vst.idx.msk $0xffff, v10  }
0x44a: {  	[tilespmem:v7+s20+$0x0] =	vst.idx.msk @p1 $0xffff, v4  }
0x44b: {  	v10 =	vld [tilespmem:$0x1FEF0]  }
0x44c: {  	v11 =	vld [tilespmem:$0x1FF00]  }
0x44d: {  	v12 =	vld [tilespmem:$0x1FF10]  }
0x44e: {  	v13 =	vld [tilespmem:$0x1FF20];
	s31 =	sld [smem:$0x7FD]  }
0x44f: {  	v14 =	vld [tilespmem:$0x1FF30]  }
0x450: {  	p0 =	slt.s32 s24, $0x3E00;
	v16 =	vld [tilespmem:$0x1FF40]  }
0x451: {  	s24 =	simm.s32 @!p0 $0x3E00;
	v17 =	vld [tilespmem:$0x1FF50];
	p0 =	seq.s32 s31, $0x1  }
.Ltmp18:
0x452: {  	s24 =	sshll.u32 s24, $0x4;
	v18 =	vld [tilespmem:$0x1FF60];
	(pc) =	sbr.rel @p0 .LBB2_2-.Ltmp18, $4  }
.Ltmp19:
0x453: {  	s24 =	sadd.s32 s24, s10;
	v63 =	vld [tilespmem:$0x1FFB0];
	(pc) =	sbr.rel @!p0 .LBB2_35-.Ltmp19, $4  }
0x454: {  	[tilespmem:s16], [sflag:$0x2] =	stream.linear.gather [hbm4b:s24+s3], $0x4000, $0x38;
	v19 =	vld [tilespmem:$0x1FF70]  }
0x455: {  	s30 =	sadd.s32 s25, s11;
	p1 =	por $0x1, $0x1;
	s24 =	simm.s32 $0x100;
	v20 =	vld [tilespmem:$0x1FF90]  }
0x456: {  	v0 =	vlaneseq.u32;
	v21 =	vld [tilespmem:$0x1FFA0];
	[hbm4b:s30+s3] =	stream.linear.scatter [tilespmem:s20], [sflag:$0x4], $0x8000, $0x38  }
0x457: {  	_ = 	snop  }
.LBB2_5:
0x458: {  	_ = 	snop  }
0x459: {  	_ = 	snop  }
0x45a: {  	_ = 	snop  }
0x45b: {  	_ = 	snop  }
0x45c: {  	_ = 	snop  }
0x45d: {  	_ = 	snop  }
0x45e: {  	_ = 	snop  }
0x45f: {  	_ = 	snop  }
0x460: {  	_ = 	snop  }
0x461: {  	_ = 	snop  }
0x462: {  	_ = 	snop  }
0x463: {  	_ = 	snop  }
0x464: {  	_ = 	snop  }
0x465: {  	_ = 	snop  }
0x466: {  	_ = 	snop  }
0x467: {  	_ = 	snop  }
.Ltmp20:
0x468: {  	(pc) =	sbr.rel .LBB2_18-.Ltmp20, $4  }
0x469: {  	_ = 	snop  }
0x46a: {  	_ = 	snop  }
0x46b: {  	v33 =	vmov v45;
	v38 =	vmov v51  }
0x46c: {  	v7 =	vmovc v28;
	v30 =	vmovc v43;
	v34 =	vmov v50;
	v37 =	vld [tilespmem:$0x1FEA0];
	v57 =	vmov v63;
	v6 =	vmov v17  }
.LBB2_21:
0x46d: {  	_ = 	snop  }
0x46e: {  	_ = 	snop  }
0x46f: {  	_ = 	snop  }
0x470: {  	_ = 	snop  }
0x471: {  	_ = 	snop  }
0x472: {  	_ = 	snop  }
0x473: {  	_ = 	snop  }
0x474: {  	_ = 	snop  }
0x475: {  	_ = 	snop  }
0x476: {  	_ = 	snop  }
0x477: {  	_ = 	snop  }
0x478: {  	_ = 	snop  }
0x479: {  	_ = 	snop  }
.Ltmp21:
0x47a: {  	(pc) =	sbr.rel .LBB2_34-.Ltmp21, $4  }
0x47b: {  	_ = 	snop  }
0x47c: {  	_ = 	snop  }
0x47d: {  	v45 =	vmov v32;
	v15 =	vmov v1;
	v3 =	vmov v40  }
0x47e: {  	v39 =	vmovc v35;
	v30 =	vmovc v28;
	v8 =	vmov v12;
	p6 =	por $0x0, $0x0;
	v61 =	vmov v50;
	v50 =	vmov v3  }
.LBB2_7:
0x47f: {  	v0 =	vld [tilespmem:$0x1FEA0];
	_ =	sdelay $0x4  }
0x480: {  	[tilespmem:$0x1FE90] =	vst v0  }
0x481: {  	_ = 	snop  }
0x482: {  	_ = 	snop  }
0x483: {  	_ = 	snop  }
0x484: {  	_ = 	snop  }
0x485: {  	_ = 	snop  }
0x486: {  	_ = 	snop  }
0x487: {  	_ = 	snop  }
0x488: {  	_ = 	snop  }
0x489: {  	_ = 	snop  }
0x48a: {  	_ = 	snop  }
0x48b: {  	_ = 	snop  }
0x48c: {  	_ = 	snop  }
.Ltmp22:
0x48d: {  	(pc) =	sbr.rel .LBB2_18-.Ltmp22, $4  }
0x48e: {  	v10 =	vmovc v20;
	v14 =	vmovc v51;
	v38 =	vmov v59;
	v3 =	vmov v28;
	v30 =	vmov v56  }
0x48f: {  	v29 =	vmovc v50;
	v34 =	vmovc v16;
	v5 =	vmov v39;
	v37 =	vmov v46;
	v20 =	vmov v23  }
0x490: {  	[tilespmem:$0x1FE80] =	vst v19;
	v19 =	vmovc v22;
	v33 =	vmovc v44;
	v7 =	vmov v42;
	v57 =	vmov v63;
	v54 =	vmov v25  }
0x491: {  	[tilespmem:$0x1FE70] =	vst v12;
	v13 =	vmovc v4;
	v39 =	vmovc v24;
	v24 =	vmov v43;
	v6 =	vmov v17;
	v17 =	vmov v10  }
.LBB2_23:
0x492: {  	_ = 	snop  }
0x493: {  	_ = 	snop  }
0x494: {  	_ = 	snop  }
0x495: {  	_ = 	snop  }
0x496: {  	_ = 	snop  }
0x497: {  	_ = 	snop  }
0x498: {  	_ = 	snop  }
0x499: {  	_ = 	snop  }
0x49a: {  	_ = 	snop  }
0x49b: {  	_ = 	snop  }
0x49c: {  	_ = 	snop  }
.Ltmp23:
0x49d: {  	(pc) =	sbr.rel .LBB2_34-.Ltmp23, $4  }
0x49e: {  	v12 =	vmov v18  }
0x49f: {  	v10 =	vmovc v14;
	v13 =	vmovc v1;
	v15 =	vmov v52;
	v19 =	vmov v35;
	v50 =	vmov v24  }
0x4a0: {  	[tilespmem:$0x1FC60] =	vst v43;
	v30 =	vld [tilespmem:$0x1FC90];
	v24 =	vmovc v44;
	v5 =	vmovc v20;
	v54 =	vmov v38;
	v38 =	vmov v28;
	v44 =	vmov v4  }
0x4a1: {  	[tilespmem:$0x1FC70] =	vst v40;
	v31 =	vld [tilespmem:$0x1FC80];
	v43 =	vmovc v22;
	v39 =	vmovc v49;
	v11 =	vmov v6;
	v8 =	vmov v3;
	v20 =	vmov v7;
	p6 =	por $0x0, $0x0  }
.LBB2_9:
0x4a2: {  	v0 =	vmov v56  }
0x4a3: {  	v5 =	vmov v24;
	v24 =	vmov v0  }
0x4a4: {  	_ = 	snop  }
0x4a5: {  	_ = 	snop  }
0x4a6: {  	_ = 	snop  }
0x4a7: {  	_ = 	snop  }
0x4a8: {  	_ = 	snop  }
0x4a9: {  	_ = 	snop  }
0x4aa: {  	_ = 	snop  }
0x4ab: {  	_ = 	snop  }
0x4ac: {  	_ = 	snop  }
0x4ad: {  	_ = 	snop  }
0x4ae: {  	v3 =	vld [tilespmem:$0x1FEA0]  }
.Ltmp24:
0x4af: {  	(pc) =	sbr.rel .LBB2_18-.Ltmp24, $4  }
0x4b0: {  	[tilespmem:$0x1FE70] =	vst v14;
	v8 =	vmovc v20;
	v6 =	vmov v19;
	v20 =	vmov v48;
	v19 =	vmov v57;
	v33 =	vld [tilespmem:$0x1FE30]  }
0x4b1: {  	v14 =	vmovc v59;
	v38 =	vmovc v52;
	v7 =	vmov v49;
	v9 =	vmov v51;
	v30 =	vld [tilespmem:$0x1FE40];
	v29 =	vmov v16;
	[tilespmem:$0x1FE90] =	vst v46  }
0x4b2: {  	v34 =	vld [tilespmem:$0x1FE60];
	v25 =	vmovc v45;
	v10 =	vmovc v23;
	v23 =	vmov v43;
	[tilespmem:$0x1FE80] =	vst v22;
	v57 =	vmov v63;
	v39 =	vmov v4  }
0x4b3: {  	v37 =	vld [tilespmem:$0x1FE50];
	v45 =	vmovc v44;
	v44 =	vmovc v6;
	v6 =	vmov v17;
	v17 =	vmov v10;
	[tilespmem:$0x1FE20] =	vst v3;
	v3 =	vmov v42  }
.LBB2_25:
0x4b4: {  	v0 =	vld [tilespmem:$0x1FC90];
	_ =	sdelay $0x4  }
0x4b5: {  	v31 =	vmov v38;
	v38 =	vmov v0  }
0x4b6: {  	_ = 	snop  }
0x4b7: {  	_ = 	snop  }
0x4b8: {  	_ = 	snop  }
0x4b9: {  	_ = 	snop  }
0x4ba: {  	_ = 	snop  }
0x4bb: {  	_ = 	snop  }
0x4bc: {  	v9 =	vld [tilespmem:$0x1FC50]  }
0x4bd: {  	v18 =	vmov v1;
	v1 =	vld [tilespmem:$0x1FC80]  }
.Ltmp25:
0x4be: {  	[tilespmem:$0x1FBE0] =	vst v43;
	v43 =	vld [tilespmem:$0x1FC10];
	(pc) =	sbr.rel .LBB2_34-.Ltmp25, $4  }
0x4bf: {  	v12 =	vmov v37;
	v45 =	vld [tilespmem:$0x1FC20]  }
0x4c0: {  	v10 =	vmovc v17;
	v14 =	vmovc v44;
	v44 =	vmov v57;
	v13 =	vmov v52;
	v15 =	vmov v56;
	v30 =	vld [tilespmem:$0x1FC30];
	[tilespmem:$0x1FC70] =	vst v24  }
0x4c1: {  	v39 =	vmovc v62;
	v36 =	vmovc v28;
	v54 =	vld [tilespmem:$0x1FC40];
	v6 =	vmov v32;
	v24 =	vmov v4;
	[tilespmem:$0x1FC60] =	vst v22;
	v19 =	vmov v49  }
0x4c2: {  	v8 =	vmovc v23;
	v5 =	vmovc v7;
	v20 =	vmov v3;
	v32 =	vld [tilespmem:$0x1FC00];
	p6 =	por $0x0, $0x0;
	v11 =	vmov v50;
	[tilespmem:$0x1FBF0] =	vst v1;
	v50 =	vmov v9  }
.LBB2_11:
0x4c3: {  	v0 =	vld [tilespmem:$0x1FE50];
	_ =	sdelay $0x4  }
0x4c4: {  	[tilespmem:$0x1FE90] =	vst v0;
	v0 =	vmov v23  }
0x4c5: {  	v35 =	vmov v8;
	v8 =	vmov v0  }
0x4c6: {  	_ = 	snop  }
0x4c7: {  	_ = 	snop  }
0x4c8: {  	_ = 	snop  }
0x4c9: {  	_ = 	snop  }
0x4ca: {  	_ = 	snop  }
0x4cb: {  	_ = 	snop  }
0x4cc: {  	v24 =	vld [tilespmem:$0x1FE40]  }
0x4cd: {  	v29 =	vld [tilespmem:$0x1FE60]  }
.Ltmp26:
0x4ce: {  	[tilespmem:$0x1FE70] =	vst v7;
	v38 =	vmov v9;
	v10 =	vmov v48;
	v45 =	vld [tilespmem:$0x1FE30];
	(pc) =	sbr.rel .LBB2_18-.Ltmp26, $4  }
0x4cf: {  	[tilespmem:$0x1FE80] =	vst v57;
	v14 =	vmovc v52;
	v9 =	vmovc v59;
	v3 =	vmov v49;
	v6 =	vmov v22;
	v28 =	vmov v42;
	v42 =	vld [tilespmem:$0x1FEA0]  }
0x4d0: {  	[tilespmem:$0x1FE20] =	vst v46;
	v36 =	vmovc v32;
	v33 =	vmovc v54;
	v7 =	vmov v60;
	v46 =	vmov v43;
	v57 =	vmov v63;
	v30 =	vld [tilespmem:$0x1FDE0]  }
0x4d1: {  	v54 =	vmovc v25;
	v60 =	vmovc v51;
	v48 =	vmov v50;
	v50 =	vmov v16;
	v5 =	vmov v4;
	v37 =	vld [tilespmem:$0x1FDF0]  }
0x4d2: {  	v25 =	vmovc v44;
	v39 =	vld [tilespmem:$0x1FDD0];
	v44 =	vmovc v6;
	v6 =	vmov v17;
	v17 =	vmov v10;
	v23 =	vmov v56  }
.LBB2_27:
0x4d3: {  	v0 =	vld [tilespmem:$0x1FC10];
	_ =	sdelay $0x4  }
0x4d4: {  	[tilespmem:$0x1FC60] =	vst v0;
	v0 =	vld [tilespmem:$0x1FC30];
	_ =	sdelay $0x4  }
0x4d5: {  	[tilespmem:$0x1FBF0] =	vst v38;
	v38 =	vmov v0  }
0x4d6: {  	_ = 	snop  }
0x4d7: {  	_ = 	snop  }
0x4d8: {  	_ = 	snop  }
0x4d9: {  	v10 =	vmov v36;
	v36 =	vld [tilespmem:$0x1FC90]  }
0x4da: {  	v7 =	vld [tilespmem:$0x1FC50]  }
0x4db: {  	v21 =	vld [tilespmem:$0x1FC80]  }
.Ltmp27:
0x4dc: {  	v31 =	vld [tilespmem:$0x1FC40];
	(pc) =	sbr.rel .LBB2_34-.Ltmp27, $4  }
0x4dd: {  	v12 =	vmovc v32;
	v41 =	vmov v37;
	v15 =	vmov v48;
	v13 =	vmov v56;
	v32 =	vld [tilespmem:$0x1FC20]  }
0x4de: {  	v18 =	vmovc v52;
	v19 =	vmovc v62;
	v40 =	vmov v24;
	v24 =	vmov v57;
	v62 =	vmov v23;
	v46 =	vld [tilespmem:$0x1FBB0]  }
0x4df: {  	[tilespmem:$0x1FBE0] =	vst v22;
	v39 =	vmovc v45;
	v45 =	vmovc v14;
	v14 =	vmov v4;
	v26 =	vmov v28;
	v11 =	vmov v6;
	v6 =	vld [tilespmem:$0x1FC00]  }
0x4e0: {  	v52 =	vmovc v1;
	v8 =	vmovc v5;
	v5 =	vmov v3;
	v35 =	vmov v49;
	p6 =	por $0x0, $0x0;
	v20 =	vld [tilespmem:$0x1FBC0];
	[tilespmem:$0x1FC70] =	vst v7;
	v49 =	vmov v21  }
.LBB2_13:
0x4e1: {  	v4 =	vld [tilespmem:$0x1FDE0]  }
0x4e2: {  	v0 =	vld [tilespmem:$0x1FD10]  }
0x4e3: {  	v5 =	vld [tilespmem:$0x1FDD0]  }
0x4e4: {  	v3 =	vld [tilespmem:$0x1FDF0]  }
0x4e5: {  	v23 =	vld [tilespmem:$0x1FE40]  }
0x4e6: {  	v33 =	vmov v14;
	v14 =	vmov v9;
	v9 =	vmov v52;
	v52 =	vld [tilespmem:$0x1FE00]  }
0x4e7: {  	v27 =	vmov v34;
	v34 =	vmov v29;
	v29 =	vmov v0;
	v0 =	vld [tilespmem:$0x1FE50]  }
.Ltmp28:
0x4e8: {  	[tilespmem:$0x1FE70] =	vst v35;
	v10 =	vmov v20;
	v35 =	vmov v8;
	v8 =	vmov v48;
	v48 =	vld [tilespmem:$0x1FD00];
	(pc) =	sbr.rel .LBB2_18-.Ltmp28, $4  }
0x4e9: {  	[tilespmem:$0x1FE80] =	vst v19;
	v7 =	vmovc v50;
	v26 =	vmovc v30;
	v20 =	vmov v24;
	v44 =	vmov v57;
	v19 =	vmov v25;
	v50 =	vld [tilespmem:$0x1FE60]  }
0x4ea: {  	v46 =	vmovc v56;
	v42 =	vmovc v12;
	v56 =	vmov v40;
	v57 =	vmov v63;
	v30 =	vmov v28;
	v25 =	vld [tilespmem:$0x1FE30]  }
0x4eb: {  	v39 =	vmovc v6;
	v28 =	vmovc v49;
	v37 =	vmov v32;
	v45 =	vmov v54;
	v43 =	vld [tilespmem:$0x1FD30];
	v6 =	vmov v17;
	[tilespmem:$0x1FE90] =	vst v3  }
0x4ec: {  	v32 =	vld [tilespmem:$0x1FD20];
	v54 =	vmovc v16;
	v17 =	vmovc v10;
	v24 =	vmov v4;
	v3 =	vmov v60;
	v60 =	vmov v59;
	[tilespmem:$0x1FE20] =	vst v0  }
.LBB2_29:
0x4ed: {  	v0 =	vld [tilespmem:$0x1FAE0]  }
0x4ee: {  	v9 =	vld [tilespmem:$0x1FB20]  }
0x4ef: {  	v7 =	vld [tilespmem:$0x1FB00]  }
0x4f0: {  	v5 =	vld [tilespmem:$0x1FBC0]  }
0x4f1: {  	v3 =	vld [tilespmem:$0x1FC10]  }
0x4f2: {  	[tilespmem:$0x1FC60] =	vst v0;
	v0 =	vld [tilespmem:$0x1FB10]  }
0x4f3: {  	v26 =	vld [tilespmem:$0x1FC90]  }
0x4f4: {  	v35 =	vmov v62;
	v62 =	vmov v6;
	v6 =	vld [tilespmem:$0x1FC30]  }
0x4f5: {  	v13 =	vmov v48;
	v48 =	vld [tilespmem:$0x1FBB0]  }
0x4f6: {  	v41 =	vmov v37;
	v37 =	vld [tilespmem:$0x1FAF0]  }
0x4f7: {  	v12 =	vmov v27;
	[tilespmem:$0x1FC70] =	vst v0;
	v0 =	vld [tilespmem:$0x1FC40]  }
.Ltmp29:
0x4f8: {  	v10 =	vmovc v22;
	v19 =	vmovc v45;
	v45 =	vmov v32;
	v39 =	vmov v50;
	v8 =	vmov v40;
	v40 =	vld [tilespmem:$0x1FC50];
	(pc) =	sbr.rel .LBB2_34-.Ltmp29, $4  }
0x4f9: {  	v11 =	vmovc v51;
	v27 =	vmovc v16;
	v14 =	vmov v57;
	v44 =	vmov v24;
	v29 =	vmov v17;
	v32 =	vld [tilespmem:$0x1FAD0]  }
0x4fa: {  	v4 =	vmovc v20;
	v49 =	vmovc v31;
	v57 =	vmov v43;
	v18 =	vmov v56;
	v50 =	vmov v30;
	v28 =	vld [tilespmem:$0x1FB40]  }
0x4fb: {  	v30 =	vmovc v23;
	v20 =	vmovc v36;
	v23 =	vld [tilespmem:$0x1FB30];
	v22 =	vmov v43;
	v31 =	vmov v11;
	v43 =	vmov v4;
	[tilespmem:$0x1FBE0] =	vst v3  }
0x4fc: {  	p6 =	por $0x0, $0x0;
	v11 =	vmovc v38;
	v24 =	vmovc v9;
	v46 =	vmov v37;
	v36 =	vmov v6;
	v6 =	vld [tilespmem:$0x1FC20];
	v38 =	vmov v7;
	[tilespmem:$0x1FBF0] =	vst v0  }
.LBB2_15:
0x4fd: {  	v46 =	vld [tilespmem:$0x1FE40]  }
0x4fe: {  	[tilespmem:$0x1FE70] =	vst v63;
	v63 =	vld [tilespmem:$0x1FE00]  }
0x4ff: {  	v60 =	vld [tilespmem:$0x1FD70]  }
0x500: {  	v52 =	vld [tilespmem:$0x1FD00]  }
0x501: {  	v48 =	vld [tilespmem:$0x1FE60]  }
0x502: {  	v42 =	vld [tilespmem:$0x1FE50]  }
0x503: {  	v34 =	vmov v57;
	v57 =	vld [tilespmem:$0x1FFB0]  }
0x504: {  	v2 =	vld [tilespmem:$0x1FFC0]  }
0x505: {  	v18 =	vld [tilespmem:$0x1FEC0]  }
0x506: {  	v21 =	vld [tilespmem:$0x1FED0]  }
0x507: {  	v6 =	vld [tilespmem:$0x1FEE0]  }
0x508: {  	v51 =	vld [tilespmem:$0x1FCB0]  }
0x509: {  	v17 =	vmov v43;
	v43 =	vld [tilespmem:$0x1FD30]  }
0x50a: {  	v10 =	vmov v19;
	v19 =	vmov v59;
	v59 =	vld [tilespmem:$0x1FCD0]  }
.Ltmp30:
0x50b: {  	v14 =	vmov v38;
	v38 =	vmov v39;
	v39 =	vmov v15;
	v15 =	vld [tilespmem:$0x1FCC0];
	(pc) =	sbr.rel .LBB2_18-.Ltmp30, $4  }
0x50c: {  	[tilespmem:$0x1FE90] =	vst v32;
	v32 =	vld [tilespmem:$0x1FD20]  }
0x50d: {  	v0 =	vmov v20;
	v50 =	vmov v3;
	v3 =	vmov v40;
	v40 =	vld [tilespmem:$0x1FCE0]  }
0x50e: {  	v20 =	vmovc v45;
	[tilespmem:$0x1FE80] =	vst v25;
	v13 =	vmovc v37;
	v37 =	vmov v23;
	v25 =	vmov v54;
	v23 =	vmov v49;
	v49 =	vld [tilespmem:$0x1FCF0]  }
0x50f: {  	v54 =	vmovc v4;
	v45 =	vmovc v33;
	v33 =	vmov v44;
	v8 =	vmov v0;
	v44 =	vmov v10;
	[tilespmem:$0x1FE20] =	vst v1;
	v1 =	vld [tilespmem:$0x1FFD0]  }
.LBB2_31:
0x510: {  	v26 =	vld [tilespmem:$0x1FC30]  }
0x511: {  	v34 =	vld [tilespmem:$0x1FBB0]  }
0x512: {  	[tilespmem:$0x1FBE0] =	vst v56;
	v56 =	vld [tilespmem:$0x1FAC0]  }
0x513: {  	v0 =	vmov v37;
	v37 =	vld [tilespmem:$0x1FAF0]  }
0x514: {  	v46 =	vld [tilespmem:$0x1FC50]  }
0x515: {  	v49 =	vld [tilespmem:$0x1FC40]  }
0x516: {  	v2 =	vld [tilespmem:$0x1FFC0]  }
0x517: {  	v25 =	vld [tilespmem:$0x1FFE0]  }
0x518: {  	[tilespmem:$0x1FC60] =	vst v20;
	v20 =	vmov v61;
	v61 =	vld [tilespmem:$0x1FFF0]  }
0x519: {  	v1 =	vld [tilespmem:$0x1FA80]  }
0x51a: {  	v21 =	vld [tilespmem:$0x1FC80]  }
0x51b: {  	v28 =	vld [tilespmem:$0x1FB40]  }
.Ltmp31:
0x51c: {  	v10 =	vmov v44;
	v44 =	vmov v38;
	v38 =	vmov v23;
	v23 =	vld [tilespmem:$0x1FB30];
	(pc) =	sbr.rel .LBB2_34-.Ltmp31, $4  }
0x51d: {  	v13 =	vmov v15;
	[tilespmem:$0x1FBF0] =	vst v22;
	v22 =	vld [tilespmem:$0x1FAB0]  }
0x51e: {  	v15 =	vmovc v9;
	v11 =	vmovc v4;
	v19 =	vmov v50;
	v50 =	vmov v7;
	v16 =	vld [tilespmem:$0x1FA90];
	v40 =	vmov v43  }
0x51f: {  	[tilespmem:$0x1FC70] =	vst v30;
	v17 =	vld [tilespmem:$0x1FAA0];
	v43 =	vmovc v8;
	v8 =	vmovc v5;
	v30 =	vmov v0;
	v5 =	vmov v36;
	v36 =	vmov v58  }
0x520: {  	v58 =	vld [tilespmem:$0x1FFD0];
	v14 =	vmovc v31;
	v31 =	vmovc v54;
	v54 =	vmov v3;
	v52 =	vmov v56;
	v48 =	vmov v37  }
.LBB2_36:
0x521: {  	_ =	sfence.sel $0x180000  }
0x522: {  	[bflag:$0x0] =	sbarrier.arrive $0xFFFF  }
0x523: {  	p0 =	sne.s32 s2, $0x0;
	_ =	strace $0x90000047  }
0x524: {  	s0 =	sadd.s32 @!p0 $0x100000, s1;
	[bflag:$0x2] =	sbarrier.arrive $0xFFFF  }
0x525: {  	[sflag:s0] =	ssyncadd.tile.s32 @!p0 $0x1;
	_ =	shalt  }
.Lfunc_end2:
_tile_overlayer_lowered:
.L_overlay_start_2:
0x526: {  	(tag) =	ssettag $0x2  }
0x527: {  	s0 =	rddreg [dreg:$0x0];
	s2 =	stileid.u32  }
0x528: {  	s1 =	rddreg [dreg:$0x1];
	p0 =	sne.s32 s2, $0x0  }
0x529: {  	s3 =	rddreg [dreg:$0x2];
	[bflag:$0x3] =	sbarrier.arrive $0xFFFF;
	s2 =	simm.s32 @!p0 $0x1C05  }
0x52a: {  	[timem:s3], [sflag:s2] =	dma.local @!p0 [hbm:s0], s1  }
0x52b: {  	s0 =	simm.s32 @!p0 $0x5  }
0x52c: {  	_ =	swait.ge @!p0 [sflag:s0], s1  }
0x52d: {  	s1 =	ssub.s32 @!p0 $0x0, s1;
	[sflag:s0] =	ssyncset.done @!p0 $0x0  }
0x52e: {  	[sflag:s0] =	ssyncadd.s32 @!p0 s1  }
0x52f: {  	[bflag:$0x3] =	sbarrier.arrive $0xFFFF  }
0x530: {  	_ =	shalt  }

</sc_bundles>
